<compile_context>
chip_gen: v7x
topology: tpu7x:2x2x1
jax: 0.10.2.dev20260603
libtpu: 0.0.44.dev20260713+nightly
codegen_flags: <defaults>
</compile_context>

<pallas_src>
import functools

import jax
import jax.numpy as jnp
from jax import lax
from jax.experimental import pallas as pl
from jax.experimental.pallas import tpu as pltpu
from jax.experimental.pallas import tpu_sc as plsc

N = 10000
E = 320000
D = 128
BN_EPS = 1e-5

NC = 2
NS = 16
NW = NC * NS
NP = 10240
RPT = NP // NS
PAD_ROW = NP - 8

EPW = E // NW
CH = 72
NCH = 140
EPWP = NCH * CH
NBUF = 4


def _make_agg():
    mesh = plsc.VectorSubcoreMesh(core_axis_name="c", subcore_axis_name="s")

    @functools.partial(
        pl.kernel,
        out_type=jax.ShapeDtypeStruct((NC, NP, D), jnp.float32),
        mesh=mesh,
        scratch_types=[
            pltpu.VMEM_SHARED((NP, D), jnp.float32),
            pltpu.VMEM((EPWP,), jnp.int32),
            [pltpu.VMEM((CH,), jnp.int32)] * NBUF,
            [pltpu.VMEM((CH, D), jnp.float32)] * NBUF,
            [pltpu.SemaphoreType.DMA] * NBUF,
            [pltpu.SemaphoreType.DMA] * NBUF,
            [pltpu.SemaphoreType.DMA] * NBUF,
            pltpu.SemaphoreType.DMA,
        ],
    )
    def agg(h_hbm, z_hbm, src_hbm, dst_hbm, out_hbm,
            shared, sidx, didx, rows, sem_g, sem_s, sem_d, sem_i):
        c = lax.axis_index("c")
        s = lax.axis_index("s")
        wid = s * NC + c

        pltpu.async_copy(src_hbm.at[wid], sidx, sem_i)

        rstart = s * RPT

        @pl.when(c == 0)
        def _():
            pltpu.sync_copy(h_hbm.at[pl.ds(rstart, RPT)],
                            shared.at[pl.ds(rstart, RPT)])

        @pl.when(c == 1)
        def _():
            pltpu.sync_copy(z_hbm.at[pl.ds(rstart, RPT)],
                            shared.at[pl.ds(rstart, RPT)])

        pltpu.make_async_copy(src_hbm.at[wid], sidx, sem_i).wait()

        def fire_d(chunk, b):
            pltpu.async_copy(dst_hbm.at[wid, chunk], didx[b], sem_d[b])

        def fire_g(chunk, b):
            pltpu.async_copy(h_hbm.at[sidx.at[pl.ds(chunk * CH, CH)]],
                             rows[b], sem_g[b])

        def wait_g(chunk, b):
            pltpu.make_async_copy(h_hbm.at[sidx.at[pl.ds(chunk * CH, CH)]],
                                  rows[b], sem_g[b]).wait()

        def fire_s(b):
            pltpu.async_copy(rows[b], shared.at[didx[b]], sem_s[b], add=True)

        def wait_s(b):
            pltpu.make_async_copy(rows[b], shared.at[didx[b]],
                                  sem_s[b]).wait()

        def wait_d(b):
            pltpu.make_async_copy(dst_hbm.at[wid, 0], didx[b],
                                  sem_d[b]).wait()

        for b in range(2):
            fire_d(b, b)
            fire_g(b, b)
        plsc.subcore_barrier()

        def step(ch, b, drain):
            wait_g(ch, b)
            wait_d(b)
            fire_s(b)
            b2 = (b + 2) % NBUF
            if drain:
                wait_s(b2)
            fire_d(ch + 2, b2)
            fire_g(ch + 2, b2)

        step(0, 0, False)
        step(1, 1, False)
        step(2, 2, True)
        step(3, 3, True)

        def body(io, carry):
            for b in range(NBUF):
                ch = NBUF * io + b
                wait_g(ch, b)
                wait_d(b)
                fire_s(b)
                b2 = (b + 2) % NBUF
                wait_s(b2)

                @pl.when(ch + 2 < NCH)
                def _():
                    fire_d(ch + 2, b2)
                    fire_g(ch + 2, b2)

            return carry

        lax.fori_loop(1, NCH // NBUF, body, 0)

        wait_s(2)
        wait_s(3)
        plsc.subcore_barrier()

        pltpu.sync_copy(shared.at[pl.ds(rstart, RPT)],
                        out_hbm.at[c].at[pl.ds(rstart, RPT)])

    return agg


_agg = _make_agg()


def _bn_stats(t):
    rid = lax.broadcasted_iota(jnp.int32, (NP, 1), 0)
    m = (rid < N).astype(jnp.float32)
    tm = t * m
    s1 = jnp.sum(tm, axis=0, keepdims=True)
    s2 = jnp.sum(tm * tm, axis=0, keepdims=True)
    mu = s1 / N
    var = s2 / N - mu * mu
    return m, mu, lax.rsqrt(var + BN_EPS)


def _dense_body(p_ref, w_ref, b_ref, g_ref, be_ref, o_ref):
    u = p_ref[0] + p_ref[1]
    t = jnp.dot(u, w_ref[...], preferred_element_type=jnp.float32) + b_ref[...]
    m, mu, rstd = _bn_stats(t)
    o_ref[...] = jnp.maximum(g_ref[...] * (t - mu) * rstd + be_ref[...],
                             0.0) * m


def _dense3_body(p_ref, w_ref, b_ref, g_ref, be_ref, w4_ref, b4_ref, o_ref):
    u = p_ref[0] + p_ref[1]
    t = jnp.dot(u, w_ref[...], preferred_element_type=jnp.float32) + b_ref[...]
    m, mu, rstd = _bn_stats(t)
    y = jnp.maximum(g_ref[...] * (t - mu) * rstd + be_ref[...], 0.0)
    o_ref[...] = (jnp.dot(y, w4_ref[...], preferred_element_type=jnp.float32)
                  + b4_ref[...])


def _dense(p, W, b, g, be):
    return pl.pallas_call(
        _dense_body,
        out_shape=jax.ShapeDtypeStruct((NP, D), jnp.float32),
    )(p, W, b.reshape(1, D), g.reshape(1, D), be.reshape(1, D))


def _dense3(p, W, b, g, be, W4, b4):
    return pl.pallas_call(
        _dense3_body,
        out_shape=jax.ShapeDtypeStruct((NP, D), jnp.float32),
    )(p, W, b.reshape(1, D), g.reshape(1, D), be.reshape(1, D),
      W4, b4.reshape(1, D))


def kernel(x, adj_t, W1, b1, g1, be1, W2, b2, g2, be2, W3, b3, g3, be3, W4, b4):
    npad = EPWP - EPW
    dpad = N + (jnp.arange(NW * npad, dtype=jnp.int32) % (NP - N - 8))
    src = jnp.concatenate(
        [adj_t[0].reshape(NW, EPW), dpad.reshape(NW, npad)], axis=1)
    dst = jnp.concatenate(
        [adj_t[1].reshape(NW, EPW), dpad.reshape(NW, npad)],
        axis=1).reshape(NW, NCH, CH)
    xp = jnp.pad(x, ((0, NP - N), (0, 0)))
    z = jnp.zeros((NP, D), jnp.float32)
    p = _agg(xp, z, src, dst)
    h = _dense(p, W1, b1, g1, be1)
    p = _agg(h, z, src, dst)
    h = _dense(p, W2, b2, g2, be2)
    p = _agg(h, z, src, dst)
    out = _dense3(p, W3, b3, g3, be3, W4, b4)
    return out[:N]

# --- scband reference (transcript-rebuilt; emitter-appended) ---
"""Pipeline reference for scband-gin-240518168949 (READ-ONLY COPY).

The authoritative reference and input builder live on the scoring server;
editing this copy changes nothing except your own understanding.
"""

import jax, jax.numpy as jnp
import numpy as np

N = 10000
E = 320000
D = 128
H = 128
O = 128
BN_EPS = 1e-5


def setup_inputs(seed: int = 0) -> dict:
    key = jax.random.key(seed)
    ks = jax.random.split(key, 8)
    x = jax.random.normal(ks[0], (N, D), dtype=jnp.float32)
    adj_t = jax.random.randint(ks[1], (2, E), 0, N, dtype=jnp.int32)
    s_d = 1.0 / np.sqrt(D)
    s_h = 1.0 / np.sqrt(H)
    W1 = jax.random.normal(ks[2], (D, H), dtype=jnp.float32) * s_d
    b1 = jnp.zeros((H,), dtype=jnp.float32)
    g1 = jnp.ones((H,), dtype=jnp.float32)
    be1 = jnp.zeros((H,), dtype=jnp.float32)
    W2 = jax.random.normal(ks[3], (H, H), dtype=jnp.float32) * s_h
    b2 = jnp.zeros((H,), dtype=jnp.float32)
    g2 = jnp.ones((H,), dtype=jnp.float32)
    be2 = jnp.zeros((H,), dtype=jnp.float32)
    W3 = jax.random.normal(ks[4], (H, H), dtype=jnp.float32) * s_h
    b3 = jnp.zeros((H,), dtype=jnp.float32)
    g3 = jnp.ones((H,), dtype=jnp.float32)
    be3 = jnp.zeros((H,), dtype=jnp.float32)
    W4 = jax.random.normal(ks[5], (H, O), dtype=jnp.float32) * s_h
    b4 = jnp.zeros((O,), dtype=jnp.float32)
    return {"x": x, "adj_t": adj_t, "W1": W1, "b1": b1, "g1": g1, "be1": be1,
            "W2": W2, "b2": b2, "g2": g2, "be2": be2,
            "W3": W3, "b3": b3, "g3": g3, "be3": be3,
            "W4": W4, "b4": b4}


def _bn_train(h, g, b):
    mu = jnp.mean(h, axis=0, keepdims=True)
    var = jnp.var(h, axis=0, keepdims=True)
    return g * (h - mu) / jnp.sqrt(var + BN_EPS) + b


def _gin_aggregate(x, src, dst):
    # GINConv: (1 + eps) * x_i + sum_{j in N(i)} x_j, eps = 0
    msg = jnp.take(x, src, axis=0)
    agg = jax.ops.segment_sum(msg, dst, num_segments=N)
    return x + agg


def reference(x, adj_t, W1, b1, g1, be1, W2, b2, g2, be2, W3, b3, g3, be3, W4, b4):
    src = adj_t[0]
    dst = adj_t[1]
    # conv 1: firstmlp = Linear -> BN -> ReLU, then outer ReLU (dropout p=0)
    h = _gin_aggregate(x, src, dst)
    h = jax.nn.relu(_bn_train(h @ W1 + b1, g1, be1))
    h = jax.nn.relu(h)
    # conv 2: mlp = Linear -> BN -> ReLU, then outer ReLU
    h = _gin_aggregate(h, src, dst)
    h = jax.nn.relu(_bn_train(h @ W2 + b2, g2, be2))
    h = jax.nn.relu(h)
    # conv 3: lastmlp = Linear -> BN -> ReLU -> Linear
    h = _gin_aggregate(h, src, dst)
    h = jax.nn.relu(_bn_train(h @ W3 + b3, g3, be3))
    h = h @ W4 + b4
    # if_auc=True -> return raw logits (no log_softmax)
    return h

if __name__ == "__main__":
    import jax
    _d = setup_inputs()
    print(jax.jit(kernel)(*tuple(_d.values())))

</pallas_src>

<mosaic_0001>
#map = affine_map<(d0, d1) -> (0, 0)>
#map1 = affine_map<(d0, d1) -> (0, 0, 0)>
module attributes {stable_mosaic.version = 14 : i64} {
  func.func @agg(%arg0: i32, %arg1: i32, %arg2: memref<10240x128xf32, #tpu.memory_space<hbm>>, %arg3: memref<10240x128xf32, #tpu.memory_space<hbm>>, %arg4: memref<32x10080xi32, #tpu.memory_space<hbm>>, %arg5: memref<32x140x72xi32, #tpu.memory_space<hbm>>, %arg6: memref<2x10240x128xf32, #tpu.memory_space<hbm>>, %arg7: memref<10240x128xf32, #tpu.memory_space<vmem_shared>>, %arg8: memref<10080xi32, #tpu.memory_space<vmem>>, %arg9: memref<72xi32, #tpu.memory_space<vmem>>, %arg10: memref<72xi32, #tpu.memory_space<vmem>>, %arg11: memref<72xi32, #tpu.memory_space<vmem>>, %arg12: memref<72xi32, #tpu.memory_space<vmem>>, %arg13: memref<72x128xf32, #tpu.memory_space<vmem>>, %arg14: memref<72x128xf32, #tpu.memory_space<vmem>>, %arg15: memref<72x128xf32, #tpu.memory_space<vmem>>, %arg16: memref<72x128xf32, #tpu.memory_space<vmem>>, %arg17: memref<!tpu.dma_semaphore, #tpu.memory_space<semaphore_mem>>, %arg18: memref<!tpu.dma_semaphore, #tpu.memory_space<semaphore_mem>>, %arg19: memref<!tpu.dma_semaphore, #tpu.memory_space<semaphore_mem>>, %arg20: memref<!tpu.dma_semaphore, #tpu.memory_space<semaphore_mem>>, %arg21: memref<!tpu.dma_semaphore, #tpu.memory_space<semaphore_mem>>, %arg22: memref<!tpu.dma_semaphore, #tpu.memory_space<semaphore_mem>>, %arg23: memref<!tpu.dma_semaphore, #tpu.memory_space<semaphore_mem>>, %arg24: memref<!tpu.dma_semaphore, #tpu.memory_space<semaphore_mem>>, %arg25: memref<!tpu.dma_semaphore, #tpu.memory_space<semaphore_mem>>, %arg26: memref<!tpu.dma_semaphore, #tpu.memory_space<semaphore_mem>>, %arg27: memref<!tpu.dma_semaphore, #tpu.memory_space<semaphore_mem>>, %arg28: memref<!tpu.dma_semaphore, #tpu.memory_space<semaphore_mem>>, %arg29: memref<!tpu.dma_semaphore, #tpu.memory_space<semaphore_mem>>) attributes {dimension_semantics = [#tpu.dimension_semantics<core_parallel>, #tpu.dimension_semantics<subcore_parallel>], iteration_bounds = array<i64: 2, 16>, scalar_prefetch = 0 : i64, scratch_operands = 23 : i64, tpu.core_type = #tpu.core_type<sc_vector_subcore>, window_params = [{transform_indices = #map}, {transform_indices = #map}, {transform_indices = #map}, {transform_indices = #map1}, {transform_indices = #map1}]} {
    %mul3A = arith.constant 2 : i32
    %mul3A_0 = arith.muli %arg1, %mul3A : i32
    %add3A = arith.addi %mul3A_0, %arg0 : i32
    %dma_start3A = arith.constant 0 : i32
    %dma_start3A_1 = tpu.memref_slice %arg4[%add3A, %dma_start3A] : memref<32x10080xi32, #tpu.memory_space<hbm>> -> memref<1x10080xi32, #tpu.memory_space<hbm>>
    %dma_start3A_2 = tpu.memref_squeeze %dma_start3A_1 : memref<1x10080xi32, #tpu.memory_space<hbm>> -> memref<10080xi32, #tpu.memory_space<hbm>>
    %dma_start3A_3 = arith.constant 0 : i32
    %dma_start3A_4 = tpu.memref_slice %arg4[%add3A, %dma_start3A_3] : memref<32x10080xi32, #tpu.memory_space<hbm>> -> memref<1x10080xi32, #tpu.memory_space<hbm>>
    %dma_start3A_5 = tpu.memref_squeeze %dma_start3A_4 : memref<1x10080xi32, #tpu.memory_space<hbm>> -> memref<10080xi32, #tpu.memory_space<hbm>>
    tpu.enqueue_dma source(%dma_start3A_5 : memref<10080xi32, #tpu.memory_space<hbm>>) target(%arg8 : memref<10080xi32, #tpu.memory_space<vmem>>) target_semaphore(%arg29 : memref<!tpu.dma_semaphore, #tpu.memory_space<semaphore_mem>>)
    %mul3A_6 = arith.constant 640 : i32
    %mul3A_7 = arith.muli %arg1, %mul3A_6 : i32
    %eq3A = arith.constant 0 : i32
    %eq3A_8 = arith.cmpi eq, %arg0, %eq3A : i32
    %convert_element_type3A = arith.extui %eq3A_8 : i1 to i32
    %cond3A = arith.constant 0 : i32
    %cond3A_9 = arith.cmpi ne, %convert_element_type3A, %cond3A : i32
    scf.if %cond3A_9 {
      "tpu.region"() ({
        %run_scoped3A = tpu.sem_alloc : memref<!tpu.dma_semaphore, #tpu.memory_space<semaphore_mem>>
        %dma_start3A_170 = arith.constant 0 : i32
        %dma_start3A_171 = tpu.memref_slice %arg7[%mul3A_7, %dma_start3A_170] : memref<10240x128xf32, #tpu.memory_space<vmem_shared>> -> memref<640x128xf32, #tpu.memory_space<vmem_shared>>
        %dma_start3A_172 = arith.constant 0 : i32
        %dma_start3A_173 = tpu.memref_slice %arg2[%mul3A_7, %dma_start3A_172] : memref<10240x128xf32, #tpu.memory_space<hbm>> -> memref<640x128xf32, #tpu.memory_space<hbm>>
        tpu.enqueue_dma source(%dma_start3A_173 : memref<640x128xf32, #tpu.memory_space<hbm>>) target(%dma_start3A_171 : memref<640x128xf32, #tpu.memory_space<vmem_shared>>) target_semaphore(%run_scoped3A : memref<!tpu.dma_semaphore, #tpu.memory_space<semaphore_mem>>)
        %dma_wait3A_174 = arith.constant 0 : i32
        %dma_wait3A_175 = tpu.memref_slice %arg7[%mul3A_7, %dma_wait3A_174] : memref<10240x128xf32, #tpu.memory_space<vmem_shared>> -> memref<640x128xf32, #tpu.memory_space<vmem_shared>>
        %dma_wait3A_176 = arith.constant 0 : i32
        %dma_wait3A_177 = tpu.memref_slice %arg2[%mul3A_7, %dma_wait3A_176] : memref<10240x128xf32, #tpu.memory_space<hbm>> -> memref<640x128xf32, #tpu.memory_space<hbm>>
        tpu.wait_dma2 semaphore(%run_scoped3A : memref<!tpu.dma_semaphore, #tpu.memory_space<semaphore_mem>>) src(%dma_wait3A_177 : memref<640x128xf32, #tpu.memory_space<hbm>>) dst(%dma_wait3A_175 : memref<640x128xf32, #tpu.memory_space<vmem_shared>>)
        tpu.yield
      }) : () -> ()
    } else {
    }
    %eq3A_10 = arith.constant 1 : i32
    %eq3A_11 = arith.cmpi eq, %arg0, %eq3A_10 : i32
    %convert_element_type3A_12 = arith.extui %eq3A_11 : i1 to i32
    %cond3A_13 = arith.constant 0 : i32
    %cond3A_14 = arith.cmpi ne, %convert_element_type3A_12, %cond3A_13 : i32
    scf.if %cond3A_14 {
      "tpu.region"() ({
        %run_scoped3A = tpu.sem_alloc : memref<!tpu.dma_semaphore, #tpu.memory_space<semaphore_mem>>
        %dma_start3A_170 = arith.constant 0 : i32
        %dma_start3A_171 = tpu.memref_slice %arg7[%mul3A_7, %dma_start3A_170] : memref<10240x128xf32, #tpu.memory_space<vmem_shared>> -> memref<640x128xf32, #tpu.memory_space<vmem_shared>>
        %dma_start3A_172 = arith.constant 0 : i32
        %dma_start3A_173 = tpu.memref_slice %arg3[%mul3A_7, %dma_start3A_172] : memref<10240x128xf32, #tpu.memory_space<hbm>> -> memref<640x128xf32, #tpu.memory_space<hbm>>
        tpu.enqueue_dma source(%dma_start3A_173 : memref<640x128xf32, #tpu.memory_space<hbm>>) target(%dma_start3A_171 : memref<640x128xf32, #tpu.memory_space<vmem_shared>>) target_semaphore(%run_scoped3A : memref<!tpu.dma_semaphore, #tpu.memory_space<semaphore_mem>>)
        %dma_wait3A_174 = arith.constant 0 : i32
        %dma_wait3A_175 = tpu.memref_slice %arg7[%mul3A_7, %dma_wait3A_174] : memref<10240x128xf32, #tpu.memory_space<vmem_shared>> -> memref<640x128xf32, #tpu.memory_space<vmem_shared>>
        %dma_wait3A_176 = arith.constant 0 : i32
        %dma_wait3A_177 = tpu.memref_slice %arg3[%mul3A_7, %dma_wait3A_176] : memref<10240x128xf32, #tpu.memory_space<hbm>> -> memref<640x128xf32, #tpu.memory_space<hbm>>
        tpu.wait_dma2 semaphore(%run_scoped3A : memref<!tpu.dma_semaphore, #tpu.memory_space<semaphore_mem>>) src(%dma_wait3A_177 : memref<640x128xf32, #tpu.memory_space<hbm>>) dst(%dma_wait3A_175 : memref<640x128xf32, #tpu.memory_space<vmem_shared>>)
        tpu.yield
      }) : () -> ()
    } else {
    }
    %dma_wait3A = arith.constant 0 : i32
    %dma_wait3A_15 = tpu.memref_slice %arg4[%add3A, %dma_wait3A] : memref<32x10080xi32, #tpu.memory_space<hbm>> -> memref<1x10080xi32, #tpu.memory_space<hbm>>
    %dma_wait3A_16 = tpu.memref_squeeze %dma_wait3A_15 : memref<1x10080xi32, #tpu.memory_space<hbm>> -> memref<10080xi32, #tpu.memory_space<hbm>>
    %dma_wait3A_17 = arith.constant 0 : i32
    %dma_wait3A_18 = tpu.memref_slice %arg4[%add3A, %dma_wait3A_17] : memref<32x10080xi32, #tpu.memory_space<hbm>> -> memref<1x10080xi32, #tpu.memory_space<hbm>>
    %dma_wait3A_19 = tpu.memref_squeeze %dma_wait3A_18 : memref<1x10080xi32, #tpu.memory_space<hbm>> -> memref<10080xi32, #tpu.memory_space<hbm>>
    tpu.wait_dma2 semaphore(%arg29 : memref<!tpu.dma_semaphore, #tpu.memory_space<semaphore_mem>>) src(%dma_wait3A_19 : memref<10080xi32, #tpu.memory_space<hbm>>) dst(%arg8 : memref<10080xi32, #tpu.memory_space<vmem>>)
    %dma_start3A_20 = arith.constant 0 : i32
    %dma_start3A_21 = arith.constant 0 : i32
    %dma_start3A_22 = tpu.memref_slice %arg5[%add3A, %dma_start3A_20, %dma_start3A_21] : memref<32x140x72xi32, #tpu.memory_space<hbm>> -> memref<1x1x72xi32, #tpu.memory_space<hbm>>
    %dma_start3A_23 = tpu.memref_squeeze %dma_start3A_22 : memref<1x1x72xi32, #tpu.memory_space<hbm>> -> memref<72xi32, #tpu.memory_space<hbm>>
    %dma_start3A_24 = arith.constant 0 : i32
    %dma_start3A_25 = tpu.memref_slice %arg5[%add3A, %dma_start3A_20, %dma_start3A_24] : memref<32x140x72xi32, #tpu.memory_space<hbm>> -> memref<1x1x72xi32, #tpu.memory_space<hbm>>
    %dma_start3A_26 = tpu.memref_squeeze %dma_start3A_25 : memref<1x1x72xi32, #tpu.memory_space<hbm>> -> memref<72xi32, #tpu.memory_space<hbm>>
    tpu.enqueue_dma source(%dma_start3A_26 : memref<72xi32, #tpu.memory_space<hbm>>) target(%arg9 : memref<72xi32, #tpu.memory_space<vmem>>) target_semaphore(%arg25 : memref<!tpu.dma_semaphore, #tpu.memory_space<semaphore_mem>>)
    %dma_start3A_27 = arith.constant 0 : i32
    %dma_start3A_28 = tpu.memref_slice %arg8[%dma_start3A_27] : memref<10080xi32, #tpu.memory_space<vmem>> -> memref<72xi32, #tpu.memory_space<vmem>>
    %dma_start3A_29 = arith.constant 0 : i32
    %dma_start3A_30 = arith.constant 0 : i32
    %dma_start3A_31 = tpu.memref_slice %arg2[%dma_start3A_29, %dma_start3A_30] : memref<10240x128xf32, #tpu.memory_space<hbm>> -> memref<10240x128xf32, #tpu.memory_space<hbm>>
    tpu.enqueue_indirect_dma source(%dma_start3A_31 : memref<10240x128xf32, #tpu.memory_space<hbm>>) target(%arg13 : memref<72x128xf32, #tpu.memory_space<vmem>>) offsets(%dma_start3A_28 : memref<72xi32, #tpu.memory_space<vmem>>) semaphore(%arg17 : memref<!tpu.dma_semaphore, #tpu.memory_space<semaphore_mem>>)
    %dma_start3A_32 = arith.constant 1 : i32
    %dma_start3A_33 = arith.constant 0 : i32
    %dma_start3A_34 = tpu.memref_slice %arg5[%add3A, %dma_start3A_32, %dma_start3A_33] : memref<32x140x72xi32, #tpu.memory_space<hbm>> -> memref<1x1x72xi32, #tpu.memory_space<hbm>>
    %dma_start3A_35 = tpu.memref_squeeze %dma_start3A_34 : memref<1x1x72xi32, #tpu.memory_space<hbm>> -> memref<72xi32, #tpu.memory_space<hbm>>
    %dma_start3A_36 = arith.constant 0 : i32
    %dma_start3A_37 = tpu.memref_slice %arg5[%add3A, %dma_start3A_32, %dma_start3A_36] : memref<32x140x72xi32, #tpu.memory_space<hbm>> -> memref<1x1x72xi32, #tpu.memory_space<hbm>>
    %dma_start3A_38 = tpu.memref_squeeze %dma_start3A_37 : memref<1x1x72xi32, #tpu.memory_space<hbm>> -> memref<72xi32, #tpu.memory_space<hbm>>
    tpu.enqueue_dma source(%dma_start3A_38 : memref<72xi32, #tpu.memory_space<hbm>>) target(%arg10 : memref<72xi32, #tpu.memory_space<vmem>>) target_semaphore(%arg26 : memref<!tpu.dma_semaphore, #tpu.memory_space<semaphore_mem>>)
    %dma_start3A_39 = arith.constant 72 : i32
    %dma_start3A_40 = tpu.memref_slice %arg8[%dma_start3A_39] : memref<10080xi32, #tpu.memory_space<vmem>> -> memref<72xi32, #tpu.memory_space<vmem>>
    %dma_start3A_41 = arith.constant 0 : i32
    %dma_start3A_42 = arith.constant 0 : i32
    %dma_start3A_43 = tpu.memref_slice %arg2[%dma_start3A_41, %dma_start3A_42] : memref<10240x128xf32, #tpu.memory_space<hbm>> -> memref<10240x128xf32, #tpu.memory_space<hbm>>
    tpu.enqueue_indirect_dma source(%dma_start3A_43 : memref<10240x128xf32, #tpu.memory_space<hbm>>) target(%arg14 : memref<72x128xf32, #tpu.memory_space<vmem>>) offsets(%dma_start3A_40 : memref<72xi32, #tpu.memory_space<vmem>>) semaphore(%arg18 : memref<!tpu.dma_semaphore, #tpu.memory_space<semaphore_mem>>)
    %barrier3A = arith.constant 0 : index
    tpu.barrier barrier_id(%barrier3A)
    %dma_wait3A_44 = arith.constant 0 : i32
    %dma_wait3A_45 = tpu.memref_slice %arg8[%dma_wait3A_44] : memref<10080xi32, #tpu.memory_space<vmem>> -> memref<72xi32, #tpu.memory_space<vmem>>
    %dma_wait3A_46 = arith.constant 0 : i32
    %dma_wait3A_47 = arith.constant 0 : i32
    %dma_wait3A_48 = tpu.memref_slice %arg2[%dma_wait3A_46, %dma_wait3A_47] : memref<10240x128xf32, #tpu.memory_space<hbm>> -> memref<10240x128xf32, #tpu.memory_space<hbm>>
    tpu.wait_indirect_dma semaphore(%arg17 : memref<!tpu.dma_semaphore, #tpu.memory_space<semaphore_mem>>) src(%dma_wait3A_48 : memref<10240x128xf32, #tpu.memory_space<hbm>>) dst(%arg13 : memref<72x128xf32, #tpu.memory_space<vmem>>)
    %dma_wait3A_49 = arith.constant 0 : i32
    %dma_wait3A_50 = arith.constant 0 : i32
    %dma_wait3A_51 = tpu.memref_slice %arg5[%add3A, %dma_wait3A_49, %dma_wait3A_50] : memref<32x140x72xi32, #tpu.memory_space<hbm>> -> memref<1x1x72xi32, #tpu.memory_space<hbm>>
    %dma_wait3A_52 = tpu.memref_squeeze %dma_wait3A_51 : memref<1x1x72xi32, #tpu.memory_space<hbm>> -> memref<72xi32, #tpu.memory_space<hbm>>
    %dma_wait3A_53 = arith.constant 0 : i32
    %dma_wait3A_54 = tpu.memref_slice %arg5[%add3A, %dma_wait3A_49, %dma_wait3A_53] : memref<32x140x72xi32, #tpu.memory_space<hbm>> -> memref<1x1x72xi32, #tpu.memory_space<hbm>>
    %dma_wait3A_55 = tpu.memref_squeeze %dma_wait3A_54 : memref<1x1x72xi32, #tpu.memory_space<hbm>> -> memref<72xi32, #tpu.memory_space<hbm>>
    tpu.wait_dma2 semaphore(%arg25 : memref<!tpu.dma_semaphore, #tpu.memory_space<semaphore_mem>>) src(%dma_wait3A_55 : memref<72xi32, #tpu.memory_space<hbm>>) dst(%arg9 : memref<72xi32, #tpu.memory_space<vmem>>)
    %dma_start3A_56 = arith.constant 0 : i32
    %dma_start3A_57 = arith.constant 0 : i32
    %dma_start3A_58 = tpu.memref_slice %arg7[%dma_start3A_56, %dma_start3A_57] : memref<10240x128xf32, #tpu.memory_space<vmem_shared>> -> memref<10240x128xf32, #tpu.memory_space<vmem_shared>>
    tpu.enqueue_indirect_dma source(%arg13 : memref<72x128xf32, #tpu.memory_space<vmem>>) target(%dma_start3A_58 : memref<10240x128xf32, #tpu.memory_space<vmem_shared>>) offsets(%arg9 : memref<72xi32, #tpu.memory_space<vmem>>) semaphore(%arg21 : memref<!tpu.dma_semaphore, #tpu.memory_space<semaphore_mem>>) {add = true}
    %dma_start3A_59 = arith.constant 2 : i32
    %dma_start3A_60 = arith.constant 0 : i32
    %dma_start3A_61 = tpu.memref_slice %arg5[%add3A, %dma_start3A_59, %dma_start3A_60] : memref<32x140x72xi32, #tpu.memory_space<hbm>> -> memref<1x1x72xi32, #tpu.memory_space<hbm>>
    %dma_start3A_62 = tpu.memref_squeeze %dma_start3A_61 : memref<1x1x72xi32, #tpu.memory_space<hbm>> -> memref<72xi32, #tpu.memory_space<hbm>>
    %dma_start3A_63 = arith.constant 0 : i32
    %dma_start3A_64 = tpu.memref_slice %arg5[%add3A, %dma_start3A_59, %dma_start3A_63] : memref<32x140x72xi32, #tpu.memory_space<hbm>> -> memref<1x1x72xi32, #tpu.memory_space<hbm>>
    %dma_start3A_65 = tpu.memref_squeeze %dma_start3A_64 : memref<1x1x72xi32, #tpu.memory_space<hbm>> -> memref<72xi32, #tpu.memory_space<hbm>>
    tpu.enqueue_dma source(%dma_start3A_65 : memref<72xi32, #tpu.memory_space<hbm>>) target(%arg11 : memref<72xi32, #tpu.memory_space<vmem>>) target_semaphore(%arg27 : memref<!tpu.dma_semaphore, #tpu.memory_space<semaphore_mem>>)
    %dma_start3A_66 = arith.constant 144 : i32
    %dma_start3A_67 = tpu.memref_slice %arg8[%dma_start3A_66] : memref<10080xi32, #tpu.memory_space<vmem>> -> memref<72xi32, #tpu.memory_space<vmem>>
    %dma_start3A_68 = arith.constant 0 : i32
    %dma_start3A_69 = arith.constant 0 : i32
    %dma_start3A_70 = tpu.memref_slice %arg2[%dma_start3A_68, %dma_start3A_69] : memref<10240x128xf32, #tpu.memory_space<hbm>> -> memref<10240x128xf32, #tpu.memory_space<hbm>>
    tpu.enqueue_indirect_dma source(%dma_start3A_70 : memref<10240x128xf32, #tpu.memory_space<hbm>>) target(%arg15 : memref<72x128xf32, #tpu.memory_space<vmem>>) offsets(%dma_start3A_67 : memref<72xi32, #tpu.memory_space<vmem>>) semaphore(%arg19 : memref<!tpu.dma_semaphore, #tpu.memory_space<semaphore_mem>>)
    %dma_wait3A_71 = arith.constant 72 : i32
    %dma_wait3A_72 = tpu.memref_slice %arg8[%dma_wait3A_71] : memref<10080xi32, #tpu.memory_space<vmem>> -> memref<72xi32, #tpu.memory_space<vmem>>
    %dma_wait3A_73 = arith.constant 0 : i32
    %dma_wait3A_74 = arith.constant 0 : i32
    %dma_wait3A_75 = tpu.memref_slice %arg2[%dma_wait3A_73, %dma_wait3A_74] : memref<10240x128xf32, #tpu.memory_space<hbm>> -> memref<10240x128xf32, #tpu.memory_space<hbm>>
    tpu.wait_indirect_dma semaphore(%arg18 : memref<!tpu.dma_semaphore, #tpu.memory_space<semaphore_mem>>) src(%dma_wait3A_75 : memref<10240x128xf32, #tpu.memory_space<hbm>>) dst(%arg14 : memref<72x128xf32, #tpu.memory_space<vmem>>)
    %dma_wait3A_76 = arith.constant 0 : i32
    %dma_wait3A_77 = arith.constant 0 : i32
    %dma_wait3A_78 = tpu.memref_slice %arg5[%add3A, %dma_wait3A_76, %dma_wait3A_77] : memref<32x140x72xi32, #tpu.memory_space<hbm>> -> memref<1x1x72xi32, #tpu.memory_space<hbm>>
    %dma_wait3A_79 = tpu.memref_squeeze %dma_wait3A_78 : memref<1x1x72xi32, #tpu.memory_space<hbm>> -> memref<72xi32, #tpu.memory_space<hbm>>
    %dma_wait3A_80 = arith.constant 0 : i32
    %dma_wait3A_81 = tpu.memref_slice %arg5[%add3A, %dma_wait3A_76, %dma_wait3A_80] : memref<32x140x72xi32, #tpu.memory_space<hbm>> -> memref<1x1x72xi32, #tpu.memory_space<hbm>>
    %dma_wait3A_82 = tpu.memref_squeeze %dma_wait3A_81 : memref<1x1x72xi32, #tpu.memory_space<hbm>> -> memref<72xi32, #tpu.memory_space<hbm>>
    tpu.wait_dma2 semaphore(%arg26 : memref<!tpu.dma_semaphore, #tpu.memory_space<semaphore_mem>>) src(%dma_wait3A_82 : memref<72xi32, #tpu.memory_space<hbm>>) dst(%arg10 : memref<72xi32, #tpu.memory_space<vmem>>)
    %dma_start3A_83 = arith.constant 0 : i32
    %dma_start3A_84 = arith.constant 0 : i32
    %dma_start3A_85 = tpu.memref_slice %arg7[%dma_start3A_83, %dma_start3A_84] : memref<10240x128xf32, #tpu.memory_space<vmem_shared>> -> memref<10240x128xf32, #tpu.memory_space<vmem_shared>>
    tpu.enqueue_indirect_dma source(%arg14 : memref<72x128xf32, #tpu.memory_space<vmem>>) target(%dma_start3A_85 : memref<10240x128xf32, #tpu.memory_space<vmem_shared>>) offsets(%arg10 : memref<72xi32, #tpu.memory_space<vmem>>) semaphore(%arg22 : memref<!tpu.dma_semaphore, #tpu.memory_space<semaphore_mem>>) {add = true}
    %dma_start3A_86 = arith.constant 3 : i32
    %dma_start3A_87 = arith.constant 0 : i32
    %dma_start3A_88 = tpu.memref_slice %arg5[%add3A, %dma_start3A_86, %dma_start3A_87] : memref<32x140x72xi32, #tpu.memory_space<hbm>> -> memref<1x1x72xi32, #tpu.memory_space<hbm>>
    %dma_start3A_89 = tpu.memref_squeeze %dma_start3A_88 : memref<1x1x72xi32, #tpu.memory_space<hbm>> -> memref<72xi32, #tpu.memory_space<hbm>>
    %dma_start3A_90 = arith.constant 0 : i32
    %dma_start3A_91 = tpu.memref_slice %arg5[%add3A, %dma_start3A_86, %dma_start3A_90] : memref<32x140x72xi32, #tpu.memory_space<hbm>> -> memref<1x1x72xi32, #tpu.memory_space<hbm>>
    %dma_start3A_92 = tpu.memref_squeeze %dma_start3A_91 : memref<1x1x72xi32, #tpu.memory_space<hbm>> -> memref<72xi32, #tpu.memory_space<hbm>>
    tpu.enqueue_dma source(%dma_start3A_92 : memref<72xi32, #tpu.memory_space<hbm>>) target(%arg12 : memref<72xi32, #tpu.memory_space<vmem>>) target_semaphore(%arg28 : memref<!tpu.dma_semaphore, #tpu.memory_space<semaphore_mem>>)
    %dma_start3A_93 = arith.constant 216 : i32
    %dma_start3A_94 = tpu.memref_slice %arg8[%dma_start3A_93] : memref<10080xi32, #tpu.memory_space<vmem>> -> memref<72xi32, #tpu.memory_space<vmem>>
    %dma_start3A_95 = arith.constant 0 : i32
    %dma_start3A_96 = arith.constant 0 : i32
    %dma_start3A_97 = tpu.memref_slice %arg2[%dma_start3A_95, %dma_start3A_96] : memref<10240x128xf32, #tpu.memory_space<hbm>> -> memref<10240x128xf32, #tpu.memory_space<hbm>>
    tpu.enqueue_indirect_dma source(%dma_start3A_97 : memref<10240x128xf32, #tpu.memory_space<hbm>>) target(%arg16 : memref<72x128xf32, #tpu.memory_space<vmem>>) offsets(%dma_start3A_94 : memref<72xi32, #tpu.memory_space<vmem>>) semaphore(%arg20 : memref<!tpu.dma_semaphore, #tpu.memory_space<semaphore_mem>>)
    %dma_wait3A_98 = arith.constant 144 : i32
    %dma_wait3A_99 = tpu.memref_slice %arg8[%dma_wait3A_98] : memref<10080xi32, #tpu.memory_space<vmem>> -> memref<72xi32, #tpu.memory_space<vmem>>
    %dma_wait3A_100 = arith.constant 0 : i32
    %dma_wait3A_101 = arith.constant 0 : i32
    %dma_wait3A_102 = tpu.memref_slice %arg2[%dma_wait3A_100, %dma_wait3A_101] : memref<10240x128xf32, #tpu.memory_space<hbm>> -> memref<10240x128xf32, #tpu.memory_space<hbm>>
    tpu.wait_indirect_dma semaphore(%arg19 : memref<!tpu.dma_semaphore, #tpu.memory_space<semaphore_mem>>) src(%dma_wait3A_102 : memref<10240x128xf32, #tpu.memory_space<hbm>>) dst(%arg15 : memref<72x128xf32, #tpu.memory_space<vmem>>)
    %dma_wait3A_103 = arith.constant 0 : i32
    %dma_wait3A_104 = arith.constant 0 : i32
    %dma_wait3A_105 = tpu.memref_slice %arg5[%add3A, %dma_wait3A_103, %dma_wait3A_104] : memref<32x140x72xi32, #tpu.memory_space<hbm>> -> memref<1x1x72xi32, #tpu.memory_space<hbm>>
    %dma_wait3A_106 = tpu.memref_squeeze %dma_wait3A_105 : memref<1x1x72xi32, #tpu.memory_space<hbm>> -> memref<72xi32, #tpu.memory_space<hbm>>
    %dma_wait3A_107 = arith.constant 0 : i32
    %dma_wait3A_108 = tpu.memref_slice %arg5[%add3A, %dma_wait3A_103, %dma_wait3A_107] : memref<32x140x72xi32, #tpu.memory_space<hbm>> -> memref<1x1x72xi32, #tpu.memory_space<hbm>>
    %dma_wait3A_109 = tpu.memref_squeeze %dma_wait3A_108 : memref<1x1x72xi32, #tpu.memory_space<hbm>> -> memref<72xi32, #tpu.memory_space<hbm>>
    tpu.wait_dma2 semaphore(%arg27 : memref<!tpu.dma_semaphore, #tpu.memory_space<semaphore_mem>>) src(%dma_wait3A_109 : memref<72xi32, #tpu.memory_space<hbm>>) dst(%arg11 : memref<72xi32, #tpu.memory_space<vmem>>)
    %dma_start3A_110 = arith.constant 0 : i32
    %dma_start3A_111 = arith.constant 0 : i32
    %dma_start3A_112 = tpu.memref_slice %arg7[%dma_start3A_110, %dma_start3A_111] : memref<10240x128xf32, #tpu.memory_space<vmem_shared>> -> memref<10240x128xf32, #tpu.memory_space<vmem_shared>>
    tpu.enqueue_indirect_dma source(%arg15 : memref<72x128xf32, #tpu.memory_space<vmem>>) target(%dma_start3A_112 : memref<10240x128xf32, #tpu.memory_space<vmem_shared>>) offsets(%arg11 : memref<72xi32, #tpu.memory_space<vmem>>) semaphore(%arg23 : memref<!tpu.dma_semaphore, #tpu.memory_space<semaphore_mem>>) {add = true}
    %dma_wait3A_113 = arith.constant 0 : i32
    %dma_wait3A_114 = arith.constant 0 : i32
    %dma_wait3A_115 = tpu.memref_slice %arg7[%dma_wait3A_113, %dma_wait3A_114] : memref<10240x128xf32, #tpu.memory_space<vmem_shared>> -> memref<10240x128xf32, #tpu.memory_space<vmem_shared>>
    tpu.wait_indirect_dma semaphore(%arg21 : memref<!tpu.dma_semaphore, #tpu.memory_space<semaphore_mem>>) src(%arg13 : memref<72x128xf32, #tpu.memory_space<vmem>>) dst(%dma_wait3A_115 : memref<10240x128xf32, #tpu.memory_space<vmem_shared>>)
    %dma_start3A_116 = arith.constant 4 : i32
    %dma_start3A_117 = arith.constant 0 : i32
    %dma_start3A_118 = tpu.memref_slice %arg5[%add3A, %dma_start3A_116, %dma_start3A_117] : memref<32x140x72xi32, #tpu.memory_space<hbm>> -> memref<1x1x72xi32, #tpu.memory_space<hbm>>
    %dma_start3A_119 = tpu.memref_squeeze %dma_start3A_118 : memref<1x1x72xi32, #tpu.memory_space<hbm>> -> memref<72xi32, #tpu.memory_space<hbm>>
    %dma_start3A_120 = arith.constant 0 : i32
    %dma_start3A_121 = tpu.memref_slice %arg5[%add3A, %dma_start3A_116, %dma_start3A_120] : memref<32x140x72xi32, #tpu.memory_space<hbm>> -> memref<1x1x72xi32, #tpu.memory_space<hbm>>
    %dma_start3A_122 = tpu.memref_squeeze %dma_start3A_121 : memref<1x1x72xi32, #tpu.memory_space<hbm>> -> memref<72xi32, #tpu.memory_space<hbm>>
    tpu.enqueue_dma source(%dma_start3A_122 : memref<72xi32, #tpu.memory_space<hbm>>) target(%arg9 : memref<72xi32, #tpu.memory_space<vmem>>) target_semaphore(%arg25 : memref<!tpu.dma_semaphore, #tpu.memory_space<semaphore_mem>>)
    %dma_start3A_123 = arith.constant 288 : i32
    %dma_start3A_124 = tpu.memref_slice %arg8[%dma_start3A_123] : memref<10080xi32, #tpu.memory_space<vmem>> -> memref<72xi32, #tpu.memory_space<vmem>>
    %dma_start3A_125 = arith.constant 0 : i32
    %dma_start3A_126 = arith.constant 0 : i32
    %dma_start3A_127 = tpu.memref_slice %arg2[%dma_start3A_125, %dma_start3A_126] : memref<10240x128xf32, #tpu.memory_space<hbm>> -> memref<10240x128xf32, #tpu.memory_space<hbm>>
    tpu.enqueue_indirect_dma source(%dma_start3A_127 : memref<10240x128xf32, #tpu.memory_space<hbm>>) target(%arg13 : memref<72x128xf32, #tpu.memory_space<vmem>>) offsets(%dma_start3A_124 : memref<72xi32, #tpu.memory_space<vmem>>) semaphore(%arg17 : memref<!tpu.dma_semaphore, #tpu.memory_space<semaphore_mem>>)
    %dma_wait3A_128 = arith.constant 216 : i32
    %dma_wait3A_129 = tpu.memref_slice %arg8[%dma_wait3A_128] : memref<10080xi32, #tpu.memory_space<vmem>> -> memref<72xi32, #tpu.memory_space<vmem>>
    %dma_wait3A_130 = arith.constant 0 : i32
    %dma_wait3A_131 = arith.constant 0 : i32
    %dma_wait3A_132 = tpu.memref_slice %arg2[%dma_wait3A_130, %dma_wait3A_131] : memref<10240x128xf32, #tpu.memory_space<hbm>> -> memref<10240x128xf32, #tpu.memory_space<hbm>>
    tpu.wait_indirect_dma semaphore(%arg20 : memref<!tpu.dma_semaphore, #tpu.memory_space<semaphore_mem>>) src(%dma_wait3A_132 : memref<10240x128xf32, #tpu.memory_space<hbm>>) dst(%arg16 : memref<72x128xf32, #tpu.memory_space<vmem>>)
    %dma_wait3A_133 = arith.constant 0 : i32
    %dma_wait3A_134 = arith.constant 0 : i32
    %dma_wait3A_135 = tpu.memref_slice %arg5[%add3A, %dma_wait3A_133, %dma_wait3A_134] : memref<32x140x72xi32, #tpu.memory_space<hbm>> -> memref<1x1x72xi32, #tpu.memory_space<hbm>>
    %dma_wait3A_136 = tpu.memref_squeeze %dma_wait3A_135 : memref<1x1x72xi32, #tpu.memory_space<hbm>> -> memref<72xi32, #tpu.memory_space<hbm>>
    %dma_wait3A_137 = arith.constant 0 : i32
    %dma_wait3A_138 = tpu.memref_slice %arg5[%add3A, %dma_wait3A_133, %dma_wait3A_137] : memref<32x140x72xi32, #tpu.memory_space<hbm>> -> memref<1x1x72xi32, #tpu.memory_space<hbm>>
    %dma_wait3A_139 = tpu.memref_squeeze %dma_wait3A_138 : memref<1x1x72xi32, #tpu.memory_space<hbm>> -> memref<72xi32, #tpu.memory_space<hbm>>
    tpu.wait_dma2 semaphore(%arg28 : memref<!tpu.dma_semaphore, #tpu.memory_space<semaphore_mem>>) src(%dma_wait3A_139 : memref<72xi32, #tpu.memory_space<hbm>>) dst(%arg12 : memref<72xi32, #tpu.memory_space<vmem>>)
    %dma_start3A_140 = arith.constant 0 : i32
    %dma_start3A_141 = arith.constant 0 : i32
    %dma_start3A_142 = tpu.memref_slice %arg7[%dma_start3A_140, %dma_start3A_141] : memref<10240x128xf32, #tpu.memory_space<vmem_shared>> -> memref<10240x128xf32, #tpu.memory_space<vmem_shared>>
    tpu.enqueue_indirect_dma source(%arg16 : memref<72x128xf32, #tpu.memory_space<vmem>>) target(%dma_start3A_142 : memref<10240x128xf32, #tpu.memory_space<vmem_shared>>) offsets(%arg12 : memref<72xi32, #tpu.memory_space<vmem>>) semaphore(%arg24 : memref<!tpu.dma_semaphore, #tpu.memory_space<semaphore_mem>>) {add = true}
    %dma_wait3A_143 = arith.constant 0 : i32
    %dma_wait3A_144 = arith.constant 0 : i32
    %dma_wait3A_145 = tpu.memref_slice %arg7[%dma_wait3A_143, %dma_wait3A_144] : memref<10240x128xf32, #tpu.memory_space<vmem_shared>> -> memref<10240x128xf32, #tpu.memory_space<vmem_shared>>
    tpu.wait_indirect_dma semaphore(%arg22 : memref<!tpu.dma_semaphore, #tpu.memory_space<semaphore_mem>>) src(%arg14 : memref<72x128xf32, #tpu.memory_space<vmem>>) dst(%dma_wait3A_145 : memref<10240x128xf32, #tpu.memory_space<vmem_shared>>)
    %dma_start3A_146 = arith.constant 5 : i32
    %dma_start3A_147 = arith.constant 0 : i32
    %dma_start3A_148 = tpu.memref_slice %arg5[%add3A, %dma_start3A_146, %dma_start3A_147] : memref<32x140x72xi32, #tpu.memory_space<hbm>> -> memref<1x1x72xi32, #tpu.memory_space<hbm>>
    %dma_start3A_149 = tpu.memref_squeeze %dma_start3A_148 : memref<1x1x72xi32, #tpu.memory_space<hbm>> -> memref<72xi32, #tpu.memory_space<hbm>>
    %dma_start3A_150 = arith.constant 0 : i32
    %dma_start3A_151 = tpu.memref_slice %arg5[%add3A, %dma_start3A_146, %dma_start3A_150] : memref<32x140x72xi32, #tpu.memory_space<hbm>> -> memref<1x1x72xi32, #tpu.memory_space<hbm>>
    %dma_start3A_152 = tpu.memref_squeeze %dma_start3A_151 : memref<1x1x72xi32, #tpu.memory_space<hbm>> -> memref<72xi32, #tpu.memory_space<hbm>>
    tpu.enqueue_dma source(%dma_start3A_152 : memref<72xi32, #tpu.memory_space<hbm>>) target(%arg10 : memref<72xi32, #tpu.memory_space<vmem>>) target_semaphore(%arg26 : memref<!tpu.dma_semaphore, #tpu.memory_space<semaphore_mem>>)
    %dma_start3A_153 = arith.constant 360 : i32
    %dma_start3A_154 = tpu.memref_slice %arg8[%dma_start3A_153] : memref<10080xi32, #tpu.memory_space<vmem>> -> memref<72xi32, #tpu.memory_space<vmem>>
    %dma_start3A_155 = arith.constant 0 : i32
    %dma_start3A_156 = arith.constant 0 : i32
    %dma_start3A_157 = tpu.memref_slice %arg2[%dma_start3A_155, %dma_start3A_156] : memref<10240x128xf32, #tpu.memory_space<hbm>> -> memref<10240x128xf32, #tpu.memory_space<hbm>>
    tpu.enqueue_indirect_dma source(%dma_start3A_157 : memref<10240x128xf32, #tpu.memory_space<hbm>>) target(%arg14 : memref<72x128xf32, #tpu.memory_space<vmem>>) offsets(%dma_start3A_154 : memref<72xi32, #tpu.memory_space<vmem>>) semaphore(%arg18 : memref<!tpu.dma_semaphore, #tpu.memory_space<semaphore_mem>>)
    %scan3A = arith.constant 0 : i32
    %scan3A_158 = arith.constant 1 : i32
    %scan3A_159 = arith.constant 34 : i32
    %scan3A_160 = arith.addi %scan3A_158, %scan3A_159 : i32
    %scan3A_161 = arith.constant 1 : i32
    scf.for %scan3A_170 = %scan3A_158 to %scan3A_160 step %scan3A_161  : i32 {
      %mul3A_171 = arith.constant 4 : i32
      %mul3A_172 = arith.muli %mul3A_171, %scan3A_170 : i32
      %add3A_173 = arith.constant 0 : i32
      %add3A_174 = arith.addi %mul3A_172, %add3A_173 : i32
      %mul3A_175 = arith.constant 72 : i32
      %mul3A_176 = arith.muli %add3A_174, %mul3A_175 : i32
      %dma_wait3A_177 = tpu.memref_slice %arg8[%mul3A_176] : memref<10080xi32, #tpu.memory_space<vmem>> -> memref<72xi32, #tpu.memory_space<vmem>>
      %dma_wait3A_178 = arith.constant 0 : i32
      %dma_wait3A_179 = arith.constant 0 : i32
      %dma_wait3A_180 = tpu.memref_slice %arg2[%dma_wait3A_178, %dma_wait3A_179] : memref<10240x128xf32, #tpu.memory_space<hbm>> -> memref<10240x128xf32, #tpu.memory_space<hbm>>
      tpu.wait_indirect_dma semaphore(%arg17 : memref<!tpu.dma_semaphore, #tpu.memory_space<semaphore_mem>>) src(%dma_wait3A_180 : memref<10240x128xf32, #tpu.memory_space<hbm>>) dst(%arg13 : memref<72x128xf32, #tpu.memory_space<vmem>>)
      %dma_wait3A_181 = arith.constant 0 : i32
      %dma_wait3A_182 = arith.constant 0 : i32
      %dma_wait3A_183 = tpu.memref_slice %arg5[%add3A, %dma_wait3A_181, %dma_wait3A_182] : memref<32x140x72xi32, #tpu.memory_space<hbm>> -> memref<1x1x72xi32, #tpu.memory_space<hbm>>
      %dma_wait3A_184 = tpu.memref_squeeze %dma_wait3A_183 : memref<1x1x72xi32, #tpu.memory_space<hbm>> -> memref<72xi32, #tpu.memory_space<hbm>>
      %dma_wait3A_185 = arith.constant 0 : i32
      %dma_wait3A_186 = tpu.memref_slice %arg5[%add3A, %dma_wait3A_181, %dma_wait3A_185] : memref<32x140x72xi32, #tpu.memory_space<hbm>> -> memref<1x1x72xi32, #tpu.memory_space<hbm>>
      %dma_wait3A_187 = tpu.memref_squeeze %dma_wait3A_186 : memref<1x1x72xi32, #tpu.memory_space<hbm>> -> memref<72xi32, #tpu.memory_space<hbm>>
      tpu.wait_dma2 semaphore(%arg25 : memref<!tpu.dma_semaphore, #tpu.memory_space<semaphore_mem>>) src(%dma_wait3A_187 : memref<72xi32, #tpu.memory_space<hbm>>) dst(%arg9 : memref<72xi32, #tpu.memory_space<vmem>>)
      %dma_start3A_188 = arith.constant 0 : i32
      %dma_start3A_189 = arith.constant 0 : i32
      %dma_start3A_190 = tpu.memref_slice %arg7[%dma_start3A_188, %dma_start3A_189] : memref<10240x128xf32, #tpu.memory_space<vmem_shared>> -> memref<10240x128xf32, #tpu.memory_space<vmem_shared>>
      tpu.enqueue_indirect_dma source(%arg13 : memref<72x128xf32, #tpu.memory_space<vmem>>) target(%dma_start3A_190 : memref<10240x128xf32, #tpu.memory_space<vmem_shared>>) offsets(%arg9 : memref<72xi32, #tpu.memory_space<vmem>>) semaphore(%arg21 : memref<!tpu.dma_semaphore, #tpu.memory_space<semaphore_mem>>) {add = true}
      %dma_wait3A_191 = arith.constant 0 : i32
      %dma_wait3A_192 = arith.constant 0 : i32
      %dma_wait3A_193 = tpu.memref_slice %arg7[%dma_wait3A_191, %dma_wait3A_192] : memref<10240x128xf32, #tpu.memory_space<vmem_shared>> -> memref<10240x128xf32, #tpu.memory_space<vmem_shared>>
      tpu.wait_indirect_dma semaphore(%arg23 : memref<!tpu.dma_semaphore, #tpu.memory_space<semaphore_mem>>) src(%arg15 : memref<72x128xf32, #tpu.memory_space<vmem>>) dst(%dma_wait3A_193 : memref<10240x128xf32, #tpu.memory_space<vmem_shared>>)
      %add3A_194 = arith.constant 2 : i32
      %add3A_195 = arith.addi %add3A_174, %add3A_194 : i32
      %lt3A = arith.constant 140 : i32
      %lt3A_196 = arith.cmpi slt, %add3A_195, %lt3A : i32
      %convert_element_type3A_197 = arith.extui %lt3A_196 : i1 to i32
      %cond3A_198 = arith.constant 0 : i32
      %cond3A_199 = arith.cmpi ne, %convert_element_type3A_197, %cond3A_198 : i32
      scf.if %cond3A_199 {
        %add3A_290 = arith.constant 2 : i32
        %add3A_291 = arith.addi %add3A_174, %add3A_290 : i32
        %dma_start3A_292 = arith.constant 0 : i32
        %dma_start3A_293 = tpu.memref_slice %arg5[%add3A, %add3A_291, %dma_start3A_292] : memref<32x140x72xi32, #tpu.memory_space<hbm>> -> memref<1x1x72xi32, #tpu.memory_space<hbm>>
        %dma_start3A_294 = tpu.memref_squeeze %dma_start3A_293 : memref<1x1x72xi32, #tpu.memory_space<hbm>> -> memref<72xi32, #tpu.memory_space<hbm>>
        %dma_start3A_295 = arith.constant 0 : i32
        %dma_start3A_296 = tpu.memref_slice %arg5[%add3A, %add3A_291, %dma_start3A_295] : memref<32x140x72xi32, #tpu.memory_space<hbm>> -> memref<1x1x72xi32, #tpu.memory_space<hbm>>
        %dma_start3A_297 = tpu.memref_squeeze %dma_start3A_296 : memref<1x1x72xi32, #tpu.memory_space<hbm>> -> memref<72xi32, #tpu.memory_space<hbm>>
        tpu.enqueue_dma source(%dma_start3A_297 : memref<72xi32, #tpu.memory_space<hbm>>) target(%arg11 : memref<72xi32, #tpu.memory_space<vmem>>) target_semaphore(%arg27 : memref<!tpu.dma_semaphore, #tpu.memory_space<semaphore_mem>>)
        %add3A_298 = arith.constant 2 : i32
        %add3A_299 = arith.addi %add3A_174, %add3A_298 : i32
        %mul3A_300 = arith.constant 72 : i32
        %mul3A_301 = arith.muli %add3A_299, %mul3A_300 : i32
        %dma_start3A_302 = tpu.memref_slice %arg8[%mul3A_301] : memref<10080xi32, #tpu.memory_space<vmem>> -> memref<72xi32, #tpu.memory_space<vmem>>
        %dma_start3A_303 = arith.constant 0 : i32
        %dma_start3A_304 = arith.constant 0 : i32
        %dma_start3A_305 = tpu.memref_slice %arg2[%dma_start3A_303, %dma_start3A_304] : memref<10240x128xf32, #tpu.memory_space<hbm>> -> memref<10240x128xf32, #tpu.memory_space<hbm>>
        tpu.enqueue_indirect_dma source(%dma_start3A_305 : memref<10240x128xf32, #tpu.memory_space<hbm>>) target(%arg15 : memref<72x128xf32, #tpu.memory_space<vmem>>) offsets(%dma_start3A_302 : memref<72xi32, #tpu.memory_space<vmem>>) semaphore(%arg19 : memref<!tpu.dma_semaphore, #tpu.memory_space<semaphore_mem>>)
      } else {
      }
      %mul3A_200 = arith.constant 4 : i32
      %mul3A_201 = arith.muli %mul3A_200, %scan3A_170 : i32
      %add3A_202 = arith.constant 1 : i32
      %add3A_203 = arith.addi %mul3A_201, %add3A_202 : i32
      %mul3A_204 = arith.constant 72 : i32
      %mul3A_205 = arith.muli %add3A_203, %mul3A_204 : i32
      %dma_wait3A_206 = tpu.memref_slice %arg8[%mul3A_205] : memref<10080xi32, #tpu.memory_space<vmem>> -> memref<72xi32, #tpu.memory_space<vmem>>
      %dma_wait3A_207 = arith.constant 0 : i32
      %dma_wait3A_208 = arith.constant 0 : i32
      %dma_wait3A_209 = tpu.memref_slice %arg2[%dma_wait3A_207, %dma_wait3A_208] : memref<10240x128xf32, #tpu.memory_space<hbm>> -> memref<10240x128xf32, #tpu.memory_space<hbm>>
      tpu.wait_indirect_dma semaphore(%arg18 : memref<!tpu.dma_semaphore, #tpu.memory_space<semaphore_mem>>) src(%dma_wait3A_209 : memref<10240x128xf32, #tpu.memory_space<hbm>>) dst(%arg14 : memref<72x128xf32, #tpu.memory_space<vmem>>)
      %dma_wait3A_210 = arith.constant 0 : i32
      %dma_wait3A_211 = arith.constant 0 : i32
      %dma_wait3A_212 = tpu.memref_slice %arg5[%add3A, %dma_wait3A_210, %dma_wait3A_211] : memref<32x140x72xi32, #tpu.memory_space<hbm>> -> memref<1x1x72xi32, #tpu.memory_space<hbm>>
      %dma_wait3A_213 = tpu.memref_squeeze %dma_wait3A_212 : memref<1x1x72xi32, #tpu.memory_space<hbm>> -> memref<72xi32, #tpu.memory_space<hbm>>
      %dma_wait3A_214 = arith.constant 0 : i32
      %dma_wait3A_215 = tpu.memref_slice %arg5[%add3A, %dma_wait3A_210, %dma_wait3A_214] : memref<32x140x72xi32, #tpu.memory_space<hbm>> -> memref<1x1x72xi32, #tpu.memory_space<hbm>>
      %dma_wait3A_216 = tpu.memref_squeeze %dma_wait3A_215 : memref<1x1x72xi32, #tpu.memory_space<hbm>> -> memref<72xi32, #tpu.memory_space<hbm>>
      tpu.wait_dma2 semaphore(%arg26 : memref<!tpu.dma_semaphore, #tpu.memory_space<semaphore_mem>>) src(%dma_wait3A_216 : memref<72xi32, #tpu.memory_space<hbm>>) dst(%arg10 : memref<72xi32, #tpu.memory_space<vmem>>)
      %dma_start3A_217 = arith.constant 0 : i32
      %dma_start3A_218 = arith.constant 0 : i32
      %dma_start3A_219 = tpu.memref_slice %arg7[%dma_start3A_217, %dma_start3A_218] : memref<10240x128xf32, #tpu.memory_space<vmem_shared>> -> memref<10240x128xf32, #tpu.memory_space<vmem_shared>>
      tpu.enqueue_indirect_dma source(%arg14 : memref<72x128xf32, #tpu.memory_space<vmem>>) target(%dma_start3A_219 : memref<10240x128xf32, #tpu.memory_space<vmem_shared>>) offsets(%arg10 : memref<72xi32, #tpu.memory_space<vmem>>) semaphore(%arg22 : memref<!tpu.dma_semaphore, #tpu.memory_space<semaphore_mem>>) {add = true}
      %dma_wait3A_220 = arith.constant 0 : i32
      %dma_wait3A_221 = arith.constant 0 : i32
      %dma_wait3A_222 = tpu.memref_slice %arg7[%dma_wait3A_220, %dma_wait3A_221] : memref<10240x128xf32, #tpu.memory_space<vmem_shared>> -> memref<10240x128xf32, #tpu.memory_space<vmem_shared>>
      tpu.wait_indirect_dma semaphore(%arg24 : memref<!tpu.dma_semaphore, #tpu.memory_space<semaphore_mem>>) src(%arg16 : memref<72x128xf32, #tpu.memory_space<vmem>>) dst(%dma_wait3A_222 : memref<10240x128xf32, #tpu.memory_space<vmem_shared>>)
      %add3A_223 = arith.constant 2 : i32
      %add3A_224 = arith.addi %add3A_203, %add3A_223 : i32
      %lt3A_225 = arith.constant 140 : i32
      %lt3A_226 = arith.cmpi slt, %add3A_224, %lt3A_225 : i32
      %convert_element_type3A_227 = arith.extui %lt3A_226 : i1 to i32
      %cond3A_228 = arith.constant 0 : i32
      %cond3A_229 = arith.cmpi ne, %convert_element_type3A_227, %cond3A_228 : i32
      scf.if %cond3A_229 {
        %add3A_290 = arith.constant 2 : i32
        %add3A_291 = arith.addi %add3A_203, %add3A_290 : i32
        %dma_start3A_292 = arith.constant 0 : i32
        %dma_start3A_293 = tpu.memref_slice %arg5[%add3A, %add3A_291, %dma_start3A_292] : memref<32x140x72xi32, #tpu.memory_space<hbm>> -> memref<1x1x72xi32, #tpu.memory_space<hbm>>
        %dma_start3A_294 = tpu.memref_squeeze %dma_start3A_293 : memref<1x1x72xi32, #tpu.memory_space<hbm>> -> memref<72xi32, #tpu.memory_space<hbm>>
        %dma_start3A_295 = arith.constant 0 : i32
        %dma_start3A_296 = tpu.memref_slice %arg5[%add3A, %add3A_291, %dma_start3A_295] : memref<32x140x72xi32, #tpu.memory_space<hbm>> -> memref<1x1x72xi32, #tpu.memory_space<hbm>>
        %dma_start3A_297 = tpu.memref_squeeze %dma_start3A_296 : memref<1x1x72xi32, #tpu.memory_space<hbm>> -> memref<72xi32, #tpu.memory_space<hbm>>
        tpu.enqueue_dma source(%dma_start3A_297 : memref<72xi32, #tpu.memory_space<hbm>>) target(%arg12 : memref<72xi32, #tpu.memory_space<vmem>>) target_semaphore(%arg28 : memref<!tpu.dma_semaphore, #tpu.memory_space<semaphore_mem>>)
        %add3A_298 = arith.constant 2 : i32
        %add3A_299 = arith.addi %add3A_203, %add3A_298 : i32
        %mul3A_300 = arith.constant 72 : i32
        %mul3A_301 = arith.muli %add3A_299, %mul3A_300 : i32
        %dma_start3A_302 = tpu.memref_slice %arg8[%mul3A_301] : memref<10080xi32, #tpu.memory_space<vmem>> -> memref<72xi32, #tpu.memory_space<vmem>>
        %dma_start3A_303 = arith.constant 0 : i32
        %dma_start3A_304 = arith.constant 0 : i32
        %dma_start3A_305 = tpu.memref_slice %arg2[%dma_start3A_303, %dma_start3A_304] : memref<10240x128xf32, #tpu.memory_space<hbm>> -> memref<10240x128xf32, #tpu.memory_space<hbm>>
        tpu.enqueue_indirect_dma source(%dma_start3A_305 : memref<10240x128xf32, #tpu.memory_space<hbm>>) target(%arg16 : memref<72x128xf32, #tpu.memory_space<vmem>>) offsets(%dma_start3A_302 : memref<72xi32, #tpu.memory_space<vmem>>) semaphore(%arg20 : memref<!tpu.dma_semaphore, #tpu.memory_space<semaphore_mem>>)
      } else {
      }
      %mul3A_230 = arith.constant 4 : i32
      %mul3A_231 = arith.muli %mul3A_230, %scan3A_170 : i32
      %add3A_232 = arith.constant 2 : i32
      %add3A_233 = arith.addi %mul3A_231, %add3A_232 : i32
      %mul3A_234 = arith.constant 72 : i32
      %mul3A_235 = arith.muli %add3A_233, %mul3A_234 : i32
      %dma_wait3A_236 = tpu.memref_slice %arg8[%mul3A_235] : memref<10080xi32, #tpu.memory_space<vmem>> -> memref<72xi32, #tpu.memory_space<vmem>>
      %dma_wait3A_237 = arith.constant 0 : i32
      %dma_wait3A_238 = arith.constant 0 : i32
      %dma_wait3A_239 = tpu.memref_slice %arg2[%dma_wait3A_237, %dma_wait3A_238] : memref<10240x128xf32, #tpu.memory_space<hbm>> -> memref<10240x128xf32, #tpu.memory_space<hbm>>
      tpu.wait_indirect_dma semaphore(%arg19 : memref<!tpu.dma_semaphore, #tpu.memory_space<semaphore_mem>>) src(%dma_wait3A_239 : memref<10240x128xf32, #tpu.memory_space<hbm>>) dst(%arg15 : memref<72x128xf32, #tpu.memory_space<vmem>>)
      %dma_wait3A_240 = arith.constant 0 : i32
      %dma_wait3A_241 = arith.constant 0 : i32
      %dma_wait3A_242 = tpu.memref_slice %arg5[%add3A, %dma_wait3A_240, %dma_wait3A_241] : memref<32x140x72xi32, #tpu.memory_space<hbm>> -> memref<1x1x72xi32, #tpu.memory_space<hbm>>
      %dma_wait3A_243 = tpu.memref_squeeze %dma_wait3A_242 : memref<1x1x72xi32, #tpu.memory_space<hbm>> -> memref<72xi32, #tpu.memory_space<hbm>>
      %dma_wait3A_244 = arith.constant 0 : i32
      %dma_wait3A_245 = tpu.memref_slice %arg5[%add3A, %dma_wait3A_240, %dma_wait3A_244] : memref<32x140x72xi32, #tpu.memory_space<hbm>> -> memref<1x1x72xi32, #tpu.memory_space<hbm>>
      %dma_wait3A_246 = tpu.memref_squeeze %dma_wait3A_245 : memref<1x1x72xi32, #tpu.memory_space<hbm>> -> memref<72xi32, #tpu.memory_space<hbm>>
      tpu.wait_dma2 semaphore(%arg27 : memref<!tpu.dma_semaphore, #tpu.memory_space<semaphore_mem>>) src(%dma_wait3A_246 : memref<72xi32, #tpu.memory_space<hbm>>) dst(%arg11 : memref<72xi32, #tpu.memory_space<vmem>>)
      %dma_start3A_247 = arith.constant 0 : i32
      %dma_start3A_248 = arith.constant 0 : i32
      %dma_start3A_249 = tpu.memref_slice %arg7[%dma_start3A_247, %dma_start3A_248] : memref<10240x128xf32, #tpu.memory_space<vmem_shared>> -> memref<10240x128xf32, #tpu.memory_space<vmem_shared>>
      tpu.enqueue_indirect_dma source(%arg15 : memref<72x128xf32, #tpu.memory_space<vmem>>) target(%dma_start3A_249 : memref<10240x128xf32, #tpu.memory_space<vmem_shared>>) offsets(%arg11 : memref<72xi32, #tpu.memory_space<vmem>>) semaphore(%arg23 : memref<!tpu.dma_semaphore, #tpu.memory_space<semaphore_mem>>) {add = true}
      %dma_wait3A_250 = arith.constant 0 : i32
      %dma_wait3A_251 = arith.constant 0 : i32
      %dma_wait3A_252 = tpu.memref_slice %arg7[%dma_wait3A_250, %dma_wait3A_251] : memref<10240x128xf32, #tpu.memory_space<vmem_shared>> -> memref<10240x128xf32, #tpu.memory_space<vmem_shared>>
      tpu.wait_indirect_dma semaphore(%arg21 : memref<!tpu.dma_semaphore, #tpu.memory_space<semaphore_mem>>) src(%arg13 : memref<72x128xf32, #tpu.memory_space<vmem>>) dst(%dma_wait3A_252 : memref<10240x128xf32, #tpu.memory_space<vmem_shared>>)
      %add3A_253 = arith.constant 2 : i32
      %add3A_254 = arith.addi %add3A_233, %add3A_253 : i32
      %lt3A_255 = arith.constant 140 : i32
      %lt3A_256 = arith.cmpi slt, %add3A_254, %lt3A_255 : i32
      %convert_element_type3A_257 = arith.extui %lt3A_256 : i1 to i32
      %cond3A_258 = arith.constant 0 : i32
      %cond3A_259 = arith.cmpi ne, %convert_element_type3A_257, %cond3A_258 : i32
      scf.if %cond3A_259 {
        %add3A_290 = arith.constant 2 : i32
        %add3A_291 = arith.addi %add3A_233, %add3A_290 : i32
        %dma_start3A_292 = arith.constant 0 : i32
        %dma_start3A_293 = tpu.memref_slice %arg5[%add3A, %add3A_291, %dma_start3A_292] : memref<32x140x72xi32, #tpu.memory_space<hbm>> -> memref<1x1x72xi32, #tpu.memory_space<hbm>>
        %dma_start3A_294 = tpu.memref_squeeze %dma_start3A_293 : memref<1x1x72xi32, #tpu.memory_space<hbm>> -> memref<72xi32, #tpu.memory_space<hbm>>
        %dma_start3A_295 = arith.constant 0 : i32
        %dma_start3A_296 = tpu.memref_slice %arg5[%add3A, %add3A_291, %dma_start3A_295] : memref<32x140x72xi32, #tpu.memory_space<hbm>> -> memref<1x1x72xi32, #tpu.memory_space<hbm>>
        %dma_start3A_297 = tpu.memref_squeeze %dma_start3A_296 : memref<1x1x72xi32, #tpu.memory_space<hbm>> -> memref<72xi32, #tpu.memory_space<hbm>>
        tpu.enqueue_dma source(%dma_start3A_297 : memref<72xi32, #tpu.memory_space<hbm>>) target(%arg9 : memref<72xi32, #tpu.memory_space<vmem>>) target_semaphore(%arg25 : memref<!tpu.dma_semaphore, #tpu.memory_space<semaphore_mem>>)
        %add3A_298 = arith.constant 2 : i32
        %add3A_299 = arith.addi %add3A_233, %add3A_298 : i32
        %mul3A_300 = arith.constant 72 : i32
        %mul3A_301 = arith.muli %add3A_299, %mul3A_300 : i32
        %dma_start3A_302 = tpu.memref_slice %arg8[%mul3A_301] : memref<10080xi32, #tpu.memory_space<vmem>> -> memref<72xi32, #tpu.memory_space<vmem>>
        %dma_start3A_303 = arith.constant 0 : i32
        %dma_start3A_304 = arith.constant 0 : i32
        %dma_start3A_305 = tpu.memref_slice %arg2[%dma_start3A_303, %dma_start3A_304] : memref<10240x128xf32, #tpu.memory_space<hbm>> -> memref<10240x128xf32, #tpu.memory_space<hbm>>
        tpu.enqueue_indirect_dma source(%dma_start3A_305 : memref<10240x128xf32, #tpu.memory_space<hbm>>) target(%arg13 : memref<72x128xf32, #tpu.memory_space<vmem>>) offsets(%dma_start3A_302 : memref<72xi32, #tpu.memory_space<vmem>>) semaphore(%arg17 : memref<!tpu.dma_semaphore, #tpu.memory_space<semaphore_mem>>)
      } else {
      }
      %mul3A_260 = arith.constant 4 : i32
      %mul3A_261 = arith.muli %mul3A_260, %scan3A_170 : i32
      %add3A_262 = arith.constant 3 : i32
      %add3A_263 = arith.addi %mul3A_261, %add3A_262 : i32
      %mul3A_264 = arith.constant 72 : i32
      %mul3A_265 = arith.muli %add3A_263, %mul3A_264 : i32
      %dma_wait3A_266 = tpu.memref_slice %arg8[%mul3A_265] : memref<10080xi32, #tpu.memory_space<vmem>> -> memref<72xi32, #tpu.memory_space<vmem>>
      %dma_wait3A_267 = arith.constant 0 : i32
      %dma_wait3A_268 = arith.constant 0 : i32
      %dma_wait3A_269 = tpu.memref_slice %arg2[%dma_wait3A_267, %dma_wait3A_268] : memref<10240x128xf32, #tpu.memory_space<hbm>> -> memref<10240x128xf32, #tpu.memory_space<hbm>>
      tpu.wait_indirect_dma semaphore(%arg20 : memref<!tpu.dma_semaphore, #tpu.memory_space<semaphore_mem>>) src(%dma_wait3A_269 : memref<10240x128xf32, #tpu.memory_space<hbm>>) dst(%arg16 : memref<72x128xf32, #tpu.memory_space<vmem>>)
      %dma_wait3A_270 = arith.constant 0 : i32
      %dma_wait3A_271 = arith.constant 0 : i32
      %dma_wait3A_272 = tpu.memref_slice %arg5[%add3A, %dma_wait3A_270, %dma_wait3A_271] : memref<32x140x72xi32, #tpu.memory_space<hbm>> -> memref<1x1x72xi32, #tpu.memory_space<hbm>>
      %dma_wait3A_273 = tpu.memref_squeeze %dma_wait3A_272 : memref<1x1x72xi32, #tpu.memory_space<hbm>> -> memref<72xi32, #tpu.memory_space<hbm>>
      %dma_wait3A_274 = arith.constant 0 : i32
      %dma_wait3A_275 = tpu.memref_slice %arg5[%add3A, %dma_wait3A_270, %dma_wait3A_274] : memref<32x140x72xi32, #tpu.memory_space<hbm>> -> memref<1x1x72xi32, #tpu.memory_space<hbm>>
      %dma_wait3A_276 = tpu.memref_squeeze %dma_wait3A_275 : memref<1x1x72xi32, #tpu.memory_space<hbm>> -> memref<72xi32, #tpu.memory_space<hbm>>
      tpu.wait_dma2 semaphore(%arg28 : memref<!tpu.dma_semaphore, #tpu.memory_space<semaphore_mem>>) src(%dma_wait3A_276 : memref<72xi32, #tpu.memory_space<hbm>>) dst(%arg12 : memref<72xi32, #tpu.memory_space<vmem>>)
      %dma_start3A_277 = arith.constant 0 : i32
      %dma_start3A_278 = arith.constant 0 : i32
      %dma_start3A_279 = tpu.memref_slice %arg7[%dma_start3A_277, %dma_start3A_278] : memref<10240x128xf32, #tpu.memory_space<vmem_shared>> -> memref<10240x128xf32, #tpu.memory_space<vmem_shared>>
      tpu.enqueue_indirect_dma source(%arg16 : memref<72x128xf32, #tpu.memory_space<vmem>>) target(%dma_start3A_279 : memref<10240x128xf32, #tpu.memory_space<vmem_shared>>) offsets(%arg12 : memref<72xi32, #tpu.memory_space<vmem>>) semaphore(%arg24 : memref<!tpu.dma_semaphore, #tpu.memory_space<semaphore_mem>>) {add = true}
      %dma_wait3A_280 = arith.constant 0 : i32
      %dma_wait3A_281 = arith.constant 0 : i32
      %dma_wait3A_282 = tpu.memref_slice %arg7[%dma_wait3A_280, %dma_wait3A_281] : memref<10240x128xf32, #tpu.memory_space<vmem_shared>> -> memref<10240x128xf32, #tpu.memory_space<vmem_shared>>
      tpu.wait_indirect_dma semaphore(%arg22 : memref<!tpu.dma_semaphore, #tpu.memory_space<semaphore_mem>>) src(%arg14 : memref<72x128xf32, #tpu.memory_space<vmem>>) dst(%dma_wait3A_282 : memref<10240x128xf32, #tpu.memory_space<vmem_shared>>)
      %add3A_283 = arith.constant 2 : i32
      %add3A_284 = arith.addi %add3A_263, %add3A_283 : i32
      %lt3A_285 = arith.constant 140 : i32
      %lt3A_286 = arith.cmpi slt, %add3A_284, %lt3A_285 : i32
      %convert_element_type3A_287 = arith.extui %lt3A_286 : i1 to i32
      %cond3A_288 = arith.constant 0 : i32
      %cond3A_289 = arith.cmpi ne, %convert_element_type3A_287, %cond3A_288 : i32
      scf.if %cond3A_289 {
        %add3A_290 = arith.constant 2 : i32
        %add3A_291 = arith.addi %add3A_263, %add3A_290 : i32
        %dma_start3A_292 = arith.constant 0 : i32
        %dma_start3A_293 = tpu.memref_slice %arg5[%add3A, %add3A_291, %dma_start3A_292] : memref<32x140x72xi32, #tpu.memory_space<hbm>> -> memref<1x1x72xi32, #tpu.memory_space<hbm>>
        %dma_start3A_294 = tpu.memref_squeeze %dma_start3A_293 : memref<1x1x72xi32, #tpu.memory_space<hbm>> -> memref<72xi32, #tpu.memory_space<hbm>>
        %dma_start3A_295 = arith.constant 0 : i32
        %dma_start3A_296 = tpu.memref_slice %arg5[%add3A, %add3A_291, %dma_start3A_295] : memref<32x140x72xi32, #tpu.memory_space<hbm>> -> memref<1x1x72xi32, #tpu.memory_space<hbm>>
        %dma_start3A_297 = tpu.memref_squeeze %dma_start3A_296 : memref<1x1x72xi32, #tpu.memory_space<hbm>> -> memref<72xi32, #tpu.memory_space<hbm>>
        tpu.enqueue_dma source(%dma_start3A_297 : memref<72xi32, #tpu.memory_space<hbm>>) target(%arg10 : memref<72xi32, #tpu.memory_space<vmem>>) target_semaphore(%arg26 : memref<!tpu.dma_semaphore, #tpu.memory_space<semaphore_mem>>)
        %add3A_298 = arith.constant 2 : i32
        %add3A_299 = arith.addi %add3A_263, %add3A_298 : i32
        %mul3A_300 = arith.constant 72 : i32
        %mul3A_301 = arith.muli %add3A_299, %mul3A_300 : i32
        %dma_start3A_302 = tpu.memref_slice %arg8[%mul3A_301] : memref<10080xi32, #tpu.memory_space<vmem>> -> memref<72xi32, #tpu.memory_space<vmem>>
        %dma_start3A_303 = arith.constant 0 : i32
        %dma_start3A_304 = arith.constant 0 : i32
        %dma_start3A_305 = tpu.memref_slice %arg2[%dma_start3A_303, %dma_start3A_304] : memref<10240x128xf32, #tpu.memory_space<hbm>> -> memref<10240x128xf32, #tpu.memory_space<hbm>>
        tpu.enqueue_indirect_dma source(%dma_start3A_305 : memref<10240x128xf32, #tpu.memory_space<hbm>>) target(%arg14 : memref<72x128xf32, #tpu.memory_space<vmem>>) offsets(%dma_start3A_302 : memref<72xi32, #tpu.memory_space<vmem>>) semaphore(%arg18 : memref<!tpu.dma_semaphore, #tpu.memory_space<semaphore_mem>>)
      } else {
      }
    }
    %scan3A_162 = arith.constant 34 : i32
    %dma_wait3A_163 = arith.constant 0 : i32
    %dma_wait3A_164 = arith.constant 0 : i32
    %dma_wait3A_165 = tpu.memref_slice %arg7[%dma_wait3A_163, %dma_wait3A_164] : memref<10240x128xf32, #tpu.memory_space<vmem_shared>> -> memref<10240x128xf32, #tpu.memory_space<vmem_shared>>
    tpu.wait_indirect_dma semaphore(%arg23 : memref<!tpu.dma_semaphore, #tpu.memory_space<semaphore_mem>>) src(%arg15 : memref<72x128xf32, #tpu.memory_space<vmem>>) dst(%dma_wait3A_165 : memref<10240x128xf32, #tpu.memory_space<vmem_shared>>)
    %dma_wait3A_166 = arith.constant 0 : i32
    %dma_wait3A_167 = arith.constant 0 : i32
    %dma_wait3A_168 = tpu.memref_slice %arg7[%dma_wait3A_166, %dma_wait3A_167] : memref<10240x128xf32, #tpu.memory_space<vmem_shared>> -> memref<10240x128xf32, #tpu.memory_space<vmem_shared>>
    tpu.wait_indirect_dma semaphore(%arg24 : memref<!tpu.dma_semaphore, #tpu.memory_space<semaphore_mem>>) src(%arg16 : memref<72x128xf32, #tpu.memory_space<vmem>>) dst(%dma_wait3A_168 : memref<10240x128xf32, #tpu.memory_space<vmem_shared>>)
    %barrier3A_169 = arith.constant 0 : index
    tpu.barrier barrier_id(%barrier3A_169)
    "tpu.region"() ({
      %run_scoped3A = tpu.sem_alloc : memref<!tpu.dma_semaphore, #tpu.memory_space<semaphore_mem>>
      %dma_start3A_170 = arith.constant 0 : i32
      %dma_start3A_171 = arith.constant 0 : i32
      %dma_start3A_172 = tpu.memref_slice %arg6[%arg0, %dma_start3A_170, %dma_start3A_171] : memref<2x10240x128xf32, #tpu.memory_space<hbm>> -> memref<1x10240x128xf32, #tpu.memory_space<hbm>>
      %dma_start3A_173 = tpu.memref_squeeze %dma_start3A_172 : memref<1x10240x128xf32, #tpu.memory_space<hbm>> -> memref<10240x128xf32, #tpu.memory_space<hbm>>
      %dma_start3A_174 = arith.constant 0 : i32
      %dma_start3A_175 = tpu.memref_slice %dma_start3A_173[%mul3A_7, %dma_start3A_174] : memref<10240x128xf32, #tpu.memory_space<hbm>> -> memref<640x128xf32, #tpu.memory_space<hbm>>
      %dma_start3A_176 = arith.constant 0 : i32
      %dma_start3A_177 = tpu.memref_slice %arg7[%mul3A_7, %dma_start3A_176] : memref<10240x128xf32, #tpu.memory_space<vmem_shared>> -> memref<640x128xf32, #tpu.memory_space<vmem_shared>>
      tpu.enqueue_dma source(%dma_start3A_177 : memref<640x128xf32, #tpu.memory_space<vmem_shared>>) target(%dma_start3A_175 : memref<640x128xf32, #tpu.memory_space<hbm>>) target_semaphore(%run_scoped3A : memref<!tpu.dma_semaphore, #tpu.memory_space<semaphore_mem>>)
      %dma_wait3A_178 = arith.constant 0 : i32
      %dma_wait3A_179 = arith.constant 0 : i32
      %dma_wait3A_180 = tpu.memref_slice %arg6[%arg0, %dma_wait3A_178, %dma_wait3A_179] : memref<2x10240x128xf32, #tpu.memory_space<hbm>> -> memref<1x10240x128xf32, #tpu.memory_space<hbm>>
      %dma_wait3A_181 = tpu.memref_squeeze %dma_wait3A_180 : memref<1x10240x128xf32, #tpu.memory_space<hbm>> -> memref<10240x128xf32, #tpu.memory_space<hbm>>
      %dma_wait3A_182 = arith.constant 0 : i32
      %dma_wait3A_183 = tpu.memref_slice %dma_wait3A_181[%mul3A_7, %dma_wait3A_182] : memref<10240x128xf32, #tpu.memory_space<hbm>> -> memref<640x128xf32, #tpu.memory_space<hbm>>
      %dma_wait3A_184 = arith.constant 0 : i32
      %dma_wait3A_185 = tpu.memref_slice %arg7[%mul3A_7, %dma_wait3A_184] : memref<10240x128xf32, #tpu.memory_space<vmem_shared>> -> memref<640x128xf32, #tpu.memory_space<vmem_shared>>
      tpu.wait_dma2 semaphore(%run_scoped3A : memref<!tpu.dma_semaphore, #tpu.memory_space<semaphore_mem>>) src(%dma_wait3A_185 : memref<640x128xf32, #tpu.memory_space<vmem_shared>>) dst(%dma_wait3A_183 : memref<640x128xf32, #tpu.memory_space<hbm>>)
      tpu.yield
    }) : () -> ()
    return
  }
}

#map = affine_map<(d0, d1) -> (0, 0)>
#map1 = affine_map<(d0, d1) -> (0, 0, 0)>
module attributes {stable_mosaic.version = 14 : i64} {
  func.func @agg(%arg0: i32, %arg1: i32, %arg2: memref<10240x128xf32, #tpu.memory_space<hbm>>, %arg3: memref<10240x128xf32, #tpu.memory_space<hbm>>, %arg4: memref<32x10080xi32, #tpu.memory_space<hbm>>, %arg5: memref<32x140x72xi32, #tpu.memory_space<hbm>>, %arg6: memref<2x10240x128xf32, #tpu.memory_space<hbm>>, %arg7: memref<10240x128xf32, #tpu.memory_space<vmem_shared>>, %arg8: memref<10080xi32, #tpu.memory_space<vmem>>, %arg9: memref<72xi32, #tpu.memory_space<vmem>>, %arg10: memref<72xi32, #tpu.memory_space<vmem>>, %arg11: memref<72xi32, #tpu.memory_space<vmem>>, %arg12: memref<72xi32, #tpu.memory_space<vmem>>, %arg13: memref<72x128xf32, #tpu.memory_space<vmem>>, %arg14: memref<72x128xf32, #tpu.memory_space<vmem>>, %arg15: memref<72x128xf32, #tpu.memory_space<vmem>>, %arg16: memref<72x128xf32, #tpu.memory_space<vmem>>, %arg17: memref<!tpu.dma_semaphore, #tpu.memory_space<semaphore_mem>>, %arg18: memref<!tpu.dma_semaphore, #tpu.memory_space<semaphore_mem>>, %arg19: memref<!tpu.dma_semaphore, #tpu.memory_space<semaphore_mem>>, %arg20: memref<!tpu.dma_semaphore, #tpu.memory_space<semaphore_mem>>, %arg21: memref<!tpu.dma_semaphore, #tpu.memory_space<semaphore_mem>>, %arg22: memref<!tpu.dma_semaphore, #tpu.memory_space<semaphore_mem>>, %arg23: memref<!tpu.dma_semaphore, #tpu.memory_space<semaphore_mem>>, %arg24: memref<!tpu.dma_semaphore, #tpu.memory_space<semaphore_mem>>, %arg25: memref<!tpu.dma_semaphore, #tpu.memory_space<semaphore_mem>>, %arg26: memref<!tpu.dma_semaphore, #tpu.memory_space<semaphore_mem>>, %arg27: memref<!tpu.dma_semaphore, #tpu.memory_space<semaphore_mem>>, %arg28: memref<!tpu.dma_semaphore, #tpu.memory_space<semaphore_mem>>, %arg29: memref<!tpu.dma_semaphore, #tpu.memory_space<semaphore_mem>>) attributes {dimension_semantics = [#tpu.dimension_semantics<core_parallel>, #tpu.dimension_semantics<subcore_parallel>], iteration_bounds = array<i64: 2, 16>, scalar_prefetch = 0 : i64, scratch_operands = 23 : i64, tpu.core_type = #tpu.core_type<sc_vector_subcore>, window_params = [{transform_indices = #map}, {transform_indices = #map}, {transform_indices = #map}, {transform_indices = #map1}, {transform_indices = #map1}]} {
    %mul3A = arith.constant 2 : i32
    %mul3A_0 = arith.muli %arg1, %mul3A : i32
    %add3A = arith.addi %mul3A_0, %arg0 : i32
    %dma_start3A = arith.constant 0 : i32
    %dma_start3A_1 = tpu.memref_slice %arg4[%add3A, %dma_start3A] : memref<32x10080xi32, #tpu.memory_space<hbm>> -> memref<1x10080xi32, #tpu.memory_space<hbm>>
    %dma_start3A_2 = tpu.memref_squeeze %dma_start3A_1 : memref<1x10080xi32, #tpu.memory_space<hbm>> -> memref<10080xi32, #tpu.memory_space<hbm>>
    %dma_start3A_3 = arith.constant 0 : i32
    %dma_start3A_4 = tpu.memref_slice %arg4[%add3A, %dma_start3A_3] : memref<32x10080xi32, #tpu.memory_space<hbm>> -> memref<1x10080xi32, #tpu.memory_space<hbm>>
    %dma_start3A_5 = tpu.memref_squeeze %dma_start3A_4 : memref<1x10080xi32, #tpu.memory_space<hbm>> -> memref<10080xi32, #tpu.memory_space<hbm>>
    tpu.enqueue_dma source(%dma_start3A_5 : memref<10080xi32, #tpu.memory_space<hbm>>) target(%arg8 : memref<10080xi32, #tpu.memory_space<vmem>>) target_semaphore(%arg29 : memref<!tpu.dma_semaphore, #tpu.memory_space<semaphore_mem>>)
    %mul3A_6 = arith.constant 640 : i32
    %mul3A_7 = arith.muli %arg1, %mul3A_6 : i32
    %eq3A = arith.constant 0 : i32
    %eq3A_8 = arith.cmpi eq, %arg0, %eq3A : i32
    %convert_element_type3A = arith.extui %eq3A_8 : i1 to i32
    %cond3A = arith.constant 0 : i32
    %cond3A_9 = arith.cmpi ne, %convert_element_type3A, %cond3A : i32
    scf.if %cond3A_9 {
      "tpu.region"() ({
        %run_scoped3A = tpu.sem_alloc : memref<!tpu.dma_semaphore, #tpu.memory_space<semaphore_mem>>
        %dma_start3A_170 = arith.constant 0 : i32
        %dma_start3A_171 = tpu.memref_slice %arg7[%mul3A_7, %dma_start3A_170] : memref<10240x128xf32, #tpu.memory_space<vmem_shared>> -> memref<640x128xf32, #tpu.memory_space<vmem_shared>>
        %dma_start3A_172 = arith.constant 0 : i32
        %dma_start3A_173 = tpu.memref_slice %arg2[%mul3A_7, %dma_start3A_172] : memref<10240x128xf32, #tpu.memory_space<hbm>> -> memref<640x128xf32, #tpu.memory_space<hbm>>
        tpu.enqueue_dma source(%dma_start3A_173 : memref<640x128xf32, #tpu.memory_space<hbm>>) target(%dma_start3A_171 : memref<640x128xf32, #tpu.memory_space<vmem_shared>>) target_semaphore(%run_scoped3A : memref<!tpu.dma_semaphore, #tpu.memory_space<semaphore_mem>>)
        %dma_wait3A_174 = arith.constant 0 : i32
        %dma_wait3A_175 = tpu.memref_slice %arg7[%mul3A_7, %dma_wait3A_174] : memref<10240x128xf32, #tpu.memory_space<vmem_shared>> -> memref<640x128xf32, #tpu.memory_space<vmem_shared>>
        %dma_wait3A_176 = arith.constant 0 : i32
        %dma_wait3A_177 = tpu.memref_slice %arg2[%mul3A_7, %dma_wait3A_176] : memref<10240x128xf32, #tpu.memory_space<hbm>> -> memref<640x128xf32, #tpu.memory_space<hbm>>
        tpu.wait_dma2 semaphore(%run_scoped3A : memref<!tpu.dma_semaphore, #tpu.memory_space<semaphore_mem>>) src(%dma_wait3A_177 : memref<640x128xf32, #tpu.memory_space<hbm>>) dst(%dma_wait3A_175 : memref<640x128xf32, #tpu.memory_space<vmem_shared>>)
        tpu.yield
      }) : () -> ()
    } else {
    }
    %eq3A_10 = arith.constant 1 : i32
    %eq3A_11 = arith.cmpi eq, %arg0, %eq3A_10 : i32
    %convert_element_type3A_12 = arith.extui %eq3A_11 : i1 to i32
    %cond3A_13 = arith.constant 0 : i32
    %cond3A_14 = arith.cmpi ne, %convert_element_type3A_12, %cond3A_13 : i32
    scf.if %cond3A_14 {
      "tpu.region"() ({
        %run_scoped3A = tpu.sem_alloc : memref<!tpu.dma_semaphore, #tpu.memory_space<semaphore_mem>>
        %dma_start3A_170 = arith.constant 0 : i32
        %dma_start3A_171 = tpu.memref_slice %arg7[%mul3A_7, %dma_start3A_170] : memref<10240x128xf32, #tpu.memory_space<vmem_shared>> -> memref<640x128xf32, #tpu.memory_space<vmem_shared>>
        %dma_start3A_172 = arith.constant 0 : i32
        %dma_start3A_173 = tpu.memref_slice %arg3[%mul3A_7, %dma_start3A_172] : memref<10240x128xf32, #tpu.memory_space<hbm>> -> memref<640x128xf32, #tpu.memory_space<hbm>>
        tpu.enqueue_dma source(%dma_start3A_173 : memref<640x128xf32, #tpu.memory_space<hbm>>) target(%dma_start3A_171 : memref<640x128xf32, #tpu.memory_space<vmem_shared>>) target_semaphore(%run_scoped3A : memref<!tpu.dma_semaphore, #tpu.memory_space<semaphore_mem>>)
        %dma_wait3A_174 = arith.constant 0 : i32
        %dma_wait3A_175 = tpu.memref_slice %arg7[%mul3A_7, %dma_wait3A_174] : memref<10240x128xf32, #tpu.memory_space<vmem_shared>> -> memref<640x128xf32, #tpu.memory_space<vmem_shared>>
        %dma_wait3A_176 = arith.constant 0 : i32
        %dma_wait3A_177 = tpu.memref_slice %arg3[%mul3A_7, %dma_wait3A_176] : memref<10240x128xf32, #tpu.memory_space<hbm>> -> memref<640x128xf32, #tpu.memory_space<hbm>>
        tpu.wait_dma2 semaphore(%run_scoped3A : memref<!tpu.dma_semaphore, #tpu.memory_space<semaphore_mem>>) src(%dma_wait3A_177 : memref<640x128xf32, #tpu.memory_space<hbm>>) dst(%dma_wait3A_175 : memref<640x128xf32, #tpu.memory_space<vmem_shared>>)
        tpu.yield
      }) : () -> ()
    } else {
    }
    %dma_wait3A = arith.constant 0 : i32
    %dma_wait3A_15 = tpu.memref_slice %arg4[%add3A, %dma_wait3A] : memref<32x10080xi32, #tpu.memory_space<hbm>> -> memref<1x10080xi32, #tpu.memory_space<hbm>>
    %dma_wait3A_16 = tpu.memref_squeeze %dma_wait3A_15 : memref<1x10080xi32, #tpu.memory_space<hbm>> -> memref<10080xi32, #tpu.memory_space<hbm>>
    %dma_wait3A_17 = arith.constant 0 : i32
    %dma_wait3A_18 = tpu.memref_slice %arg4[%add3A, %dma_wait3A_17] : memref<32x10080xi32, #tpu.memory_space<hbm>> -> memref<1x10080xi32, #tpu.memory_space<hbm>>
    %dma_wait3A_19 = tpu.memref_squeeze %dma_wait3A_18 : memref<1x10080xi32, #tpu.memory_space<hbm>> -> memref<10080xi32, #tpu.memory_space<hbm>>
    tpu.wait_dma2 semaphore(%arg29 : memref<!tpu.dma_semaphore, #tpu.memory_space<semaphore_mem>>) src(%dma_wait3A_19 : memref<10080xi32, #tpu.memory_space<hbm>>) dst(%arg8 : memref<10080xi32, #tpu.memory_space<vmem>>)
    %dma_start3A_20 = arith.constant 0 : i32
    %dma_start3A_21 = arith.constant 0 : i32
    %dma_start3A_22 = tpu.memref_slice %arg5[%add3A, %dma_start3A_20, %dma_start3A_21] : memref<32x140x72xi32, #tpu.memory_space<hbm>> -> memref<1x1x72xi32, #tpu.memory_space<hbm>>
    %dma_start3A_23 = tpu.memref_squeeze %dma_start3A_22 : memref<1x1x72xi32, #tpu.memory_space<hbm>> -> memref<72xi32, #tpu.memory_space<hbm>>
    %dma_start3A_24 = arith.constant 0 : i32
    %dma_start3A_25 = tpu.memref_slice %arg5[%add3A, %dma_start3A_20, %dma_start3A_24] : memref<32x140x72xi32, #tpu.memory_space<hbm>> -> memref<1x1x72xi32, #tpu.memory_space<hbm>>
    %dma_start3A_26 = tpu.memref_squeeze %dma_start3A_25 : memref<1x1x72xi32, #tpu.memory_space<hbm>> -> memref<72xi32, #tpu.memory_space<hbm>>
    tpu.enqueue_dma source(%dma_start3A_26 : memref<72xi32, #tpu.memory_space<hbm>>) target(%arg9 : memref<72xi32, #tpu.memory_space<vmem>>) target_semaphore(%arg25 : memref<!tpu.dma_semaphore, #tpu.memory_space<semaphore_mem>>)
    %dma_start3A_27 = arith.constant 0 : i32
    %dma_start3A_28 = tpu.memref_slice %arg8[%dma_start3A_27] : memref<10080xi32, #tpu.memory_space<vmem>> -> memref<72xi32, #tpu.memory_space<vmem>>
    %dma_start3A_29 = arith.constant 0 : i32
    %dma_start3A_30 = arith.constant 0 : i32
    %dma_start3A_31 = tpu.memref_slice %arg2[%dma_start3A_29, %dma_start3A_30] : memref<10240x128xf32, #tpu.memory_space<hbm>> -> memref<10240x128xf32, #tpu.memory_space<hbm>>
    tpu.enqueue_indirect_dma source(%dma_start3A_31 : memref<10240x128xf32, #tpu.memory_space<hbm>>) target(%arg13 : memref<72x128xf32, #tpu.memory_space<vmem>>) offsets(%dma_start3A_28 : memref<72xi32, #tpu.memory_space<vmem>>) semaphore(%arg17 : memref<!tpu.dma_semaphore, #tpu.memory_space<semaphore_mem>>)
    %dma_start3A_32 = arith.constant 1 : i32
    %dma_start3A_33 = arith.constant 0 : i32
    %dma_start3A_34 = tpu.memref_slice %arg5[%add3A, %dma_start3A_32, %dma_start3A_33] : memref<32x140x72xi32, #tpu.memory_space<hbm>> -> memref<1x1x72xi32, #tpu.memory_space<hbm>>
    %dma_start3A_35 = tpu.memref_squeeze %dma_start3A_34 : memref<1x1x72xi32, #tpu.memory_space<hbm>> -> memref<72xi32, #tpu.memory_space<hbm>>
    %dma_start3A_36 = arith.constant 0 : i32
    %dma_start3A_37 = tpu.memref_slice %arg5[%add3A, %dma_start3A_32, %dma_start3A_36] : memref<32x140x72xi32, #tpu.memory_space<hbm>> -> memref<1x1x72xi32, #tpu.memory_space<hbm>>
    %dma_start3A_38 = tpu.memref_squeeze %dma_start3A_37 : memref<1x1x72xi32, #tpu.memory_space<hbm>> -> memref<72xi32, #tpu.memory_space<hbm>>
    tpu.enqueue_dma source(%dma_start3A_38 : memref<72xi32, #tpu.memory_space<hbm>>) target(%arg10 : memref<72xi32, #tpu.memory_space<vmem>>) target_semaphore(%arg26 : memref<!tpu.dma_semaphore, #tpu.memory_space<semaphore_mem>>)
    %dma_start3A_39 = arith.constant 72 : i32
    %dma_start3A_40 = tpu.memref_slice %arg8[%dma_start3A_39] : memref<10080xi32, #tpu.memory_space<vmem>> -> memref<72xi32, #tpu.memory_space<vmem>>
    %dma_start3A_41 = arith.constant 0 : i32
    %dma_start3A_42 = arith.constant 0 : i32
    %dma_start3A_43 = tpu.memref_slice %arg2[%dma_start3A_41, %dma_start3A_42] : memref<10240x128xf32, #tpu.memory_space<hbm>> -> memref<10240x128xf32, #tpu.memory_space<hbm>>
    tpu.enqueue_indirect_dma source(%dma_start3A_43 : memref<10240x128xf32, #tpu.memory_space<hbm>>) target(%arg14 : memref<72x128xf32, #tpu.memory_space<vmem>>) offsets(%dma_start3A_40 : memref<72xi32, #tpu.memory_space<vmem>>) semaphore(%arg18 : memref<!tpu.dma_semaphore, #tpu.memory_space<semaphore_mem>>)
    %barrier3A = arith.constant 0 : index
    tpu.barrier barrier_id(%barrier3A)
    %dma_wait3A_44 = arith.constant 0 : i32
    %dma_wait3A_45 = tpu.memref_slice %arg8[%dma_wait3A_44] : memref<10080xi32, #tpu.memory_space<vmem>> -> memref<72xi32, #tpu.memory_space<vmem>>
    %dma_wait3A_46 = arith.constant 0 : i32
    %dma_wait3A_47 = arith.constant 0 : i32
    %dma_wait3A_48 = tpu.memref_slice %arg2[%dma_wait3A_46, %dma_wait3A_47] : memref<10240x128xf32, #tpu.memory_space<hbm>> -> memref<10240x128xf32, #tpu.memory_space<hbm>>
    tpu.wait_indirect_dma semaphore(%arg17 : memref<!tpu.dma_semaphore, #tpu.memory_space<semaphore_mem>>) src(%dma_wait3A_48 : memref<10240x128xf32, #tpu.memory_space<hbm>>) dst(%arg13 : memref<72x128xf32, #tpu.memory_space<vmem>>)
    %dma_wait3A_49 = arith.constant 0 : i32
    %dma_wait3A_50 = arith.constant 0 : i32
    %dma_wait3A_51 = tpu.memref_slice %arg5[%add3A, %dma_wait3A_49, %dma_wait3A_50] : memref<32x140x72xi32, #tpu.memory_space<hbm>> -> memref<1x1x72xi32, #tpu.memory_space<hbm>>
    %dma_wait3A_52 = tpu.memref_squeeze %dma_wait3A_51 : memref<1x1x72xi32, #tpu.memory_space<hbm>> -> memref<72xi32, #tpu.memory_space<hbm>>
    %dma_wait3A_53 = arith.constant 0 : i32
    %dma_wait3A_54 = tpu.memref_slice %arg5[%add3A, %dma_wait3A_49, %dma_wait3A_53] : memref<32x140x72xi32, #tpu.memory_space<hbm>> -> memref<1x1x72xi32, #tpu.memory_space<hbm>>
    %dma_wait3A_55 = tpu.memref_squeeze %dma_wait3A_54 : memref<1x1x72xi32, #tpu.memory_space<hbm>> -> memref<72xi32, #tpu.memory_space<hbm>>
    tpu.wait_dma2 semaphore(%arg25 : memref<!tpu.dma_semaphore, #tpu.memory_space<semaphore_mem>>) src(%dma_wait3A_55 : memref<72xi32, #tpu.memory_space<hbm>>) dst(%arg9 : memref<72xi32, #tpu.memory_space<vmem>>)
    %dma_start3A_56 = arith.constant 0 : i32
    %dma_start3A_57 = arith.constant 0 : i32
    %dma_start3A_58 = tpu.memref_slice %arg7[%dma_start3A_56, %dma_start3A_57] : memref<10240x128xf32, #tpu.memory_space<vmem_shared>> -> memref<10240x128xf32, #tpu.memory_space<vmem_shared>>
    tpu.enqueue_indirect_dma source(%arg13 : memref<72x128xf32, #tpu.memory_space<vmem>>) target(%dma_start3A_58 : memref<10240x128xf32, #tpu.memory_space<vmem_shared>>) offsets(%arg9 : memref<72xi32, #tpu.memory_space<vmem>>) semaphore(%arg21 : memref<!tpu.dma_semaphore, #tpu.memory_space<semaphore_mem>>) {add = true}
    %dma_start3A_59 = arith.constant 2 : i32
    %dma_start3A_60 = arith.constant 0 : i32
    %dma_start3A_61 = tpu.memref_slice %arg5[%add3A, %dma_start3A_59, %dma_start3A_60] : memref<32x140x72xi32, #tpu.memory_space<hbm>> -> memref<1x1x72xi32, #tpu.memory_space<hbm>>
    %dma_start3A_62 = tpu.memref_squeeze %dma_start3A_61 : memref<1x1x72xi32, #tpu.memory_space<hbm>> -> memref<72xi32, #tpu.memory_space<hbm>>
    %dma_start3A_63 = arith.constant 0 : i32
    %dma_start3A_64 = tpu.memref_slice %arg5[%add3A, %dma_start3A_59, %dma_start3A_63] : memref<32x140x72xi32, #tpu.memory_space<hbm>> -> memref<1x1x72xi32, #tpu.memory_space<hbm>>
    %dma_start3A_65 = tpu.memref_squeeze %dma_start3A_64 : memref<1x1x72xi32, #tpu.memory_space<hbm>> -> memref<72xi32, #tpu.memory_space<hbm>>
    tpu.enqueue_dma source(%dma_start3A_65 : memref<72xi32, #tpu.memory_space<hbm>>) target(%arg11 : memref<72xi32, #tpu.memory_space<vmem>>) target_semaphore(%arg27 : memref<!tpu.dma_semaphore, #tpu.memory_space<semaphore_mem>>)
    %dma_start3A_66 = arith.constant 144 : i32
    %dma_start3A_67 = tpu.memref_slice %arg8[%dma_start3A_66] : memref<10080xi32, #tpu.memory_space<vmem>> -> memref<72xi32, #tpu.memory_space<vmem>>
    %dma_start3A_68 = arith.constant 0 : i32
    %dma_start3A_69 = arith.constant 0 : i32
    %dma_start3A_70 = tpu.memref_slice %arg2[%dma_start3A_68, %dma_start3A_69] : memref<10240x128xf32, #tpu.memory_space<hbm>> -> memref<10240x128xf32, #tpu.memory_space<hbm>>
    tpu.enqueue_indirect_dma source(%dma_start3A_70 : memref<10240x128xf32, #tpu.memory_space<hbm>>) target(%arg15 : memref<72x128xf32, #tpu.memory_space<vmem>>) offsets(%dma_start3A_67 : memref<72xi32, #tpu.memory_space<vmem>>) semaphore(%arg19 : memref<!tpu.dma_semaphore, #tpu.memory_space<semaphore_mem>>)
    %dma_wait3A_71 = arith.constant 72 : i32
    %dma_wait3A_72 = tpu.memref_slice %arg8[%dma_wait3A_71] : memref<10080xi32, #tpu.memory_space<vmem>> -> memref<72xi32, #tpu.memory_space<vmem>>
    %dma_wait3A_73 = arith.constant 0 : i32
    %dma_wait3A_74 = arith.constant 0 : i32
    %dma_wait3A_75 = tpu.memref_slice %arg2[%dma_wait3A_73, %dma_wait3A_74] : memref<10240x128xf32, #tpu.memory_space<hbm>> -> memref<10240x128xf32, #tpu.memory_space<hbm>>
    tpu.wait_indirect_dma semaphore(%arg18 : memref<!tpu.dma_semaphore, #tpu.memory_space<semaphore_mem>>) src(%dma_wait3A_75 : memref<10240x128xf32, #tpu.memory_space<hbm>>) dst(%arg14 : memref<72x128xf32, #tpu.memory_space<vmem>>)
    %dma_wait3A_76 = arith.constant 0 : i32
    %dma_wait3A_77 = arith.constant 0 : i32
    %dma_wait3A_78 = tpu.memref_slice %arg5[%add3A, %dma_wait3A_76, %dma_wait3A_77] : memref<32x140x72xi32, #tpu.memory_space<hbm>> -> memref<1x1x72xi32, #tpu.memory_space<hbm>>
    %dma_wait3A_79 = tpu.memref_squeeze %dma_wait3A_78 : memref<1x1x72xi32, #tpu.memory_space<hbm>> -> memref<72xi32, #tpu.memory_space<hbm>>
    %dma_wait3A_80 = arith.constant 0 : i32
    %dma_wait3A_81 = tpu.memref_slice %arg5[%add3A, %dma_wait3A_76, %dma_wait3A_80] : memref<32x140x72xi32, #tpu.memory_space<hbm>> -> memref<1x1x72xi32, #tpu.memory_space<hbm>>
    %dma_wait3A_82 = tpu.memref_squeeze %dma_wait3A_81 : memref<1x1x72xi32, #tpu.memory_space<hbm>> -> memref<72xi32, #tpu.memory_space<hbm>>
    tpu.wait_dma2 semaphore(%arg26 : memref<!tpu.dma_semaphore, #tpu.memory_space<semaphore_mem>>) src(%dma_wait3A_82 : memref<72xi32, #tpu.memory_space<hbm>>) dst(%arg10 : memref<72xi32, #tpu.memory_space<vmem>>)
    %dma_start3A_83 = arith.constant 0 : i32
    %dma_start3A_84 = arith.constant 0 : i32
    %dma_start3A_85 = tpu.memref_slice %arg7[%dma_start3A_83, %dma_start3A_84] : memref<10240x128xf32, #tpu.memory_space<vmem_shared>> -> memref<10240x128xf32, #tpu.memory_space<vmem_shared>>
    tpu.enqueue_indirect_dma source(%arg14 : memref<72x128xf32, #tpu.memory_space<vmem>>) target(%dma_start3A_85 : memref<10240x128xf32, #tpu.memory_space<vmem_shared>>) offsets(%arg10 : memref<72xi32, #tpu.memory_space<vmem>>) semaphore(%arg22 : memref<!tpu.dma_semaphore, #tpu.memory_space<semaphore_mem>>) {add = true}
    %dma_start3A_86 = arith.constant 3 : i32
    %dma_start3A_87 = arith.constant 0 : i32
    %dma_start3A_88 = tpu.memref_slice %arg5[%add3A, %dma_start3A_86, %dma_start3A_87] : memref<32x140x72xi32, #tpu.memory_space<hbm>> -> memref<1x1x72xi32, #tpu.memory_space<hbm>>
    %dma_start3A_89 = tpu.memref_squeeze %dma_start3A_88 : memref<1x1x72xi32, #tpu.memory_space<hbm>> -> memref<72xi32, #tpu.memory_space<hbm>>
    %dma_start3A_90 = arith.constant 0 : i32
    %dma_start3A_91 = tpu.memref_slice %arg5[%add3A, %dma_start3A_86, %dma_start3A_90] : memref<32x140x72xi32, #tpu.memory_space<hbm>> -> memref<1x1x72xi32, #tpu.memory_space<hbm>>
    %dma_start3A_92 = tpu.memref_squeeze %dma_start3A_91 : memref<1x1x72xi32, #tpu.memory_space<hbm>> -> memref<72xi32, #tpu.memory_space<hbm>>
    tpu.enqueue_dma source(%dma_start3A_92 : memref<72xi32, #tpu.memory_space<hbm>>) target(%arg12 : memref<72xi32, #tpu.memory_space<vmem>>) target_semaphore(%arg28 : memref<!tpu.dma_semaphore, #tpu.memory_space<semaphore_mem>>)
    %dma_start3A_93 = arith.constant 216 : i32
    %dma_start3A_94 = tpu.memref_slice %arg8[%dma_start3A_93] : memref<10080xi32, #tpu.memory_space<vmem>> -> memref<72xi32, #tpu.memory_space<vmem>>
    %dma_start3A_95 = arith.constant 0 : i32
    %dma_start3A_96 = arith.constant 0 : i32
    %dma_start3A_97 = tpu.memref_slice %arg2[%dma_start3A_95, %dma_start3A_96] : memref<10240x128xf32, #tpu.memory_space<hbm>> -> memref<10240x128xf32, #tpu.memory_space<hbm>>
    tpu.enqueue_indirect_dma source(%dma_start3A_97 : memref<10240x128xf32, #tpu.memory_space<hbm>>) target(%arg16 : memref<72x128xf32, #tpu.memory_space<vmem>>) offsets(%dma_start3A_94 : memref<72xi32, #tpu.memory_space<vmem>>) semaphore(%arg20 : memref<!tpu.dma_semaphore, #tpu.memory_space<semaphore_mem>>)
    %dma_wait3A_98 = arith.constant 144 : i32
    %dma_wait3A_99 = tpu.memref_slice %arg8[%dma_wait3A_98] : memref<10080xi32, #tpu.memory_space<vmem>> -> memref<72xi32, #tpu.memory_space<vmem>>
    %dma_wait3A_100 = arith.constant 0 : i32
    %dma_wait3A_101 = arith.constant 0 : i32
    %dma_wait3A_102 = tpu.memref_slice %arg2[%dma_wait3A_100, %dma_wait3A_101] : memref<10240x128xf32, #tpu.memory_space<hbm>> -> memref<10240x128xf32, #tpu.memory_space<hbm>>
    tpu.wait_indirect_dma semaphore(%arg19 : memref<!tpu.dma_semaphore, #tpu.memory_space<semaphore_mem>>) src(%dma_wait3A_102 : memref<10240x128xf32, #tpu.memory_space<hbm>>) dst(%arg15 : memref<72x128xf32, #tpu.memory_space<vmem>>)
    %dma_wait3A_103 = arith.constant 0 : i32
    %dma_wait3A_104 = arith.constant 0 : i32
    %dma_wait3A_105 = tpu.memref_slice %arg5[%add3A, %dma_wait3A_103, %dma_wait3A_104] : memref<32x140x72xi32, #tpu.memory_space<hbm>> -> memref<1x1x72xi32, #tpu.memory_space<hbm>>
    %dma_wait3A_106 = tpu.memref_squeeze %dma_wait3A_105 : memref<1x1x72xi32, #tpu.memory_space<hbm>> -> memref<72xi32, #tpu.memory_space<hbm>>
    %dma_wait3A_107 = arith.constant 0 : i32
    %dma_wait3A_108 = tpu.memref_slice %arg5[%add3A, %dma_wait3A_103, %dma_wait3A_107] : memref<32x140x72xi32, #tpu.memory_space<hbm>> -> memref<1x1x72xi32, #tpu.memory_space<hbm>>
    %dma_wait3A_109 = tpu.memref_squeeze %dma_wait3A_108 : memref<1x1x72xi32, #tpu.memory_space<hbm>> -> memref<72xi32, #tpu.memory_space<hbm>>
    tpu.wait_dma2 semaphore(%arg27 : memref<!tpu.dma_semaphore, #tpu.memory_space<semaphore_mem>>) src(%dma_wait3A_109 : memref<72xi32, #tpu.memory_space<hbm>>) dst(%arg11 : memref<72xi32, #tpu.memory_space<vmem>>)
    %dma_start3A_110 = arith.constant 0 : i32
    %dma_start3A_111 = arith.constant 0 : i32
    %dma_start3A_112 = tpu.memref_slice %arg7[%dma_start3A_110, %dma_start3A_111] : memref<10240x128xf32, #tpu.memory_space<vmem_shared>> -> memref<10240x128xf32, #tpu.memory_space<vmem_shared>>
    tpu.enqueue_indirect_dma source(%arg15 : memref<72x128xf32, #tpu.memory_space<vmem>>) target(%dma_start3A_112 : memref<10240x128xf32, #tpu.memory_space<vmem_shared>>) offsets(%arg11 : memref<72xi32, #tpu.memory_space<vmem>>) semaphore(%arg23 : memref<!tpu.dma_semaphore, #tpu.memory_space<semaphore_mem>>) {add = true}
    %dma_wait3A_113 = arith.constant 0 : i32
    %dma_wait3A_114 = arith.constant 0 : i32
    %dma_wait3A_115 = tpu.memref_slice %arg7[%dma_wait3A_113, %dma_wait3A_114] : memref<10240x128xf32, #tpu.memory_space<vmem_shared>> -> memref<10240x128xf32, #tpu.memory_space<vmem_shared>>
    tpu.wait_indirect_dma semaphore(%arg21 : memref<!tpu.dma_semaphore, #tpu.memory_space<semaphore_mem>>) src(%arg13 : memref<72x128xf32, #tpu.memory_space<vmem>>) dst(%dma_wait3A_115 : memref<10240x128xf32, #tpu.memory_space<vmem_shared>>)
    %dma_start3A_116 = arith.constant 4 : i32
    %dma_start3A_117 = arith.constant 0 : i32
    %dma_start3A_118 = tpu.memref_slice %arg5[%add3A, %dma_start3A_116, %dma_start3A_117] : memref<32x140x72xi32, #tpu.memory_space<hbm>> -> memref<1x1x72xi32, #tpu.memory_space<hbm>>
    %dma_start3A_119 = tpu.memref_squeeze %dma_start3A_118 : memref<1x1x72xi32, #tpu.memory_space<hbm>> -> memref<72xi32, #tpu.memory_space<hbm>>
    %dma_start3A_120 = arith.constant 0 : i32
    %dma_start3A_121 = tpu.memref_slice %arg5[%add3A, %dma_start3A_116, %dma_start3A_120] : memref<32x140x72xi32, #tpu.memory_space<hbm>> -> memref<1x1x72xi32, #tpu.memory_space<hbm>>
    %dma_start3A_122 = tpu.memref_squeeze %dma_start3A_121 : memref<1x1x72xi32, #tpu.memory_space<hbm>> -> memref<72xi32, #tpu.memory_space<hbm>>
    tpu.enqueue_dma source(%dma_start3A_122 : memref<72xi32, #tpu.memory_space<hbm>>) target(%arg9 : memref<72xi32, #tpu.memory_space<vmem>>) target_semaphore(%arg25 : memref<!tpu.dma_semaphore, #tpu.memory_space<semaphore_mem>>)
    %dma_start3A_123 = arith.constant 288 : i32
    %dma_start3A_124 = tpu.memref_slice %arg8[%dma_start3A_123] : memref<10080xi32, #tpu.memory_space<vmem>> -> memref<72xi32, #tpu.memory_space<vmem>>
    %dma_start3A_125 = arith.constant 0 : i32
    %dma_start3A_126 = arith.constant 0 : i32
    %dma_start3A_127 = tpu.memref_slice %arg2[%dma_start3A_125, %dma_start3A_126] : memref<10240x128xf32, #tpu.memory_space<hbm>> -> memref<10240x128xf32, #tpu.memory_space<hbm>>
    tpu.enqueue_indirect_dma source(%dma_start3A_127 : memref<10240x128xf32, #tpu.memory_space<hbm>>) target(%arg13 : memref<72x128xf32, #tpu.memory_space<vmem>>) offsets(%dma_start3A_124 : memref<72xi32, #tpu.memory_space<vmem>>) semaphore(%arg17 : memref<!tpu.dma_semaphore, #tpu.memory_space<semaphore_mem>>)
    %dma_wait3A_128 = arith.constant 216 : i32
    %dma_wait3A_129 = tpu.memref_slice %arg8[%dma_wait3A_128] : memref<10080xi32, #tpu.memory_space<vmem>> -> memref<72xi32, #tpu.memory_space<vmem>>
    %dma_wait3A_130 = arith.constant 0 : i32
    %dma_wait3A_131 = arith.constant 0 : i32
    %dma_wait3A_132 = tpu.memref_slice %arg2[%dma_wait3A_130, %dma_wait3A_131] : memref<10240x128xf32, #tpu.memory_space<hbm>> -> memref<10240x128xf32, #tpu.memory_space<hbm>>
    tpu.wait_indirect_dma semaphore(%arg20 : memref<!tpu.dma_semaphore, #tpu.memory_space<semaphore_mem>>) src(%dma_wait3A_132 : memref<10240x128xf32, #tpu.memory_space<hbm>>) dst(%arg16 : memref<72x128xf32, #tpu.memory_space<vmem>>)
    %dma_wait3A_133 = arith.constant 0 : i32
    %dma_wait3A_134 = arith.constant 0 : i32
    %dma_wait3A_135 = tpu.memref_slice %arg5[%add3A, %dma_wait3A_133, %dma_wait3A_134] : memref<32x140x72xi32, #tpu.memory_space<hbm>> -> memref<1x1x72xi32, #tpu.memory_space<hbm>>
    %dma_wait3A_136 = tpu.memref_squeeze %dma_wait3A_135 : memref<1x1x72xi32, #tpu.memory_space<hbm>> -> memref<72xi32, #tpu.memory_space<hbm>>
    %dma_wait3A_137 = arith.constant 0 : i32
    %dma_wait3A_138 = tpu.memref_slice %arg5[%add3A, %dma_wait3A_133, %dma_wait3A_137] : memref<32x140x72xi32, #tpu.memory_space<hbm>> -> memref<1x1x72xi32, #tpu.memory_space<hbm>>
    %dma_wait3A_139 = tpu.memref_squeeze %dma_wait3A_138 : memref<1x1x72xi32, #tpu.memory_space<hbm>> -> memref<72xi32, #tpu.memory_space<hbm>>
    tpu.wait_dma2 semaphore(%arg28 : memref<!tpu.dma_semaphore, #tpu.memory_space<semaphore_mem>>) src(%dma_wait3A_139 : memref<72xi32, #tpu.memory_space<hbm>>) dst(%arg12 : memref<72xi32, #tpu.memory_space<vmem>>)
    %dma_start3A_140 = arith.constant 0 : i32
    %dma_start3A_141 = arith.constant 0 : i32
    %dma_start3A_142 = tpu.memref_slice %arg7[%dma_start3A_140, %dma_start3A_141] : memref<10240x128xf32, #tpu.memory_space<vmem_shared>> -> memref<10240x128xf32, #tpu.memory_space<vmem_shared>>
    tpu.enqueue_indirect_dma source(%arg16 : memref<72x128xf32, #tpu.memory_space<vmem>>) target(%dma_start3A_142 : memref<10240x128xf32, #tpu.memory_space<vmem_shared>>) offsets(%arg12 : memref<72xi32, #tpu.memory_space<vmem>>) semaphore(%arg24 : memref<!tpu.dma_semaphore, #tpu.memory_space<semaphore_mem>>) {add = true}
    %dma_wait3A_143 = arith.constant 0 : i32
    %dma_wait3A_144 = arith.constant 0 : i32
    %dma_wait3A_145 = tpu.memref_slice %arg7[%dma_wait3A_143, %dma_wait3A_144] : memref<10240x128xf32, #tpu.memory_space<vmem_shared>> -> memref<10240x128xf32, #tpu.memory_space<vmem_shared>>
    tpu.wait_indirect_dma semaphore(%arg22 : memref<!tpu.dma_semaphore, #tpu.memory_space<semaphore_mem>>) src(%arg14 : memref<72x128xf32, #tpu.memory_space<vmem>>) dst(%dma_wait3A_145 : memref<10240x128xf32, #tpu.memory_space<vmem_shared>>)
    %dma_start3A_146 = arith.constant 5 : i32
    %dma_start3A_147 = arith.constant 0 : i32
    %dma_start3A_148 = tpu.memref_slice %arg5[%add3A, %dma_start3A_146, %dma_start3A_147] : memref<32x140x72xi32, #tpu.memory_space<hbm>> -> memref<1x1x72xi32, #tpu.memory_space<hbm>>
    %dma_start3A_149 = tpu.memref_squeeze %dma_start3A_148 : memref<1x1x72xi32, #tpu.memory_space<hbm>> -> memref<72xi32, #tpu.memory_space<hbm>>
    %dma_start3A_150 = arith.constant 0 : i32
    %dma_start3A_151 = tpu.memref_slice %arg5[%add3A, %dma_start3A_146, %dma_start3A_150] : memref<32x140x72xi32, #tpu.memory_space<hbm>> -> memref<1x1x72xi32, #tpu.memory_space<hbm>>
    %dma_start3A_152 = tpu.memref_squeeze %dma_start3A_151 : memref<1x1x72xi32, #tpu.memory_space<hbm>> -> memref<72xi32, #tpu.memory_space<hbm>>
    tpu.enqueue_dma source(%dma_start3A_152 : memref<72xi32, #tpu.memory_space<hbm>>) target(%arg10 : memref<72xi32, #tpu.memory_space<vmem>>) target_semaphore(%arg26 : memref<!tpu.dma_semaphore, #tpu.memory_space<semaphore_mem>>)
    %dma_start3A_153 = arith.constant 360 : i32
    %dma_start3A_154 = tpu.memref_slice %arg8[%dma_start3A_153] : memref<10080xi32, #tpu.memory_space<vmem>> -> memref<72xi32, #tpu.memory_space<vmem>>
    %dma_start3A_155 = arith.constant 0 : i32
    %dma_start3A_156 = arith.constant 0 : i32
    %dma_start3A_157 = tpu.memref_slice %arg2[%dma_start3A_155, %dma_start3A_156] : memref<10240x128xf32, #tpu.memory_space<hbm>> -> memref<10240x128xf32, #tpu.memory_space<hbm>>
    tpu.enqueue_indirect_dma source(%dma_start3A_157 : memref<10240x128xf32, #tpu.memory_space<hbm>>) target(%arg14 : memref<72x128xf32, #tpu.memory_space<vmem>>) offsets(%dma_start3A_154 : memref<72xi32, #tpu.memory_space<vmem>>) semaphore(%arg18 : memref<!tpu.dma_semaphore, #tpu.memory_space<semaphore_mem>>)
    %scan3A = arith.constant 0 : i32
    %scan3A_158 = arith.constant 1 : i32
    %scan3A_159 = arith.constant 34 : i32
    %scan3A_160 = arith.addi %scan3A_158, %scan3A_159 : i32
    %scan3A_161 = arith.constant 1 : i32
    scf.for %scan3A_170 = %scan3A_158 to %scan3A_160 step %scan3A_161  : i32 {
      %mul3A_171 = arith.constant 4 : i32
      %mul3A_172 = arith.muli %mul3A_171, %scan3A_170 : i32
      %add3A_173 = arith.constant 0 : i32
      %add3A_174 = arith.addi %mul3A_172, %add3A_173 : i32
      %mul3A_175 = arith.constant 72 : i32
      %mul3A_176 = arith.muli %add3A_174, %mul3A_175 : i32
      %dma_wait3A_177 = tpu.memref_slice %arg8[%mul3A_176] : memref<10080xi32, #tpu.memory_space<vmem>> -> memref<72xi32, #tpu.memory_space<vmem>>
      %dma_wait3A_178 = arith.constant 0 : i32
      %dma_wait3A_179 = arith.constant 0 : i32
      %dma_wait3A_180 = tpu.memref_slice %arg2[%dma_wait3A_178, %dma_wait3A_179] : memref<10240x128xf32, #tpu.memory_space<hbm>> -> memref<10240x128xf32, #tpu.memory_space<hbm>>
      tpu.wait_indirect_dma semaphore(%arg17 : memref<!tpu.dma_semaphore, #tpu.memory_space<semaphore_mem>>) src(%dma_wait3A_180 : memref<10240x128xf32, #tpu.memory_space<hbm>>) dst(%arg13 : memref<72x128xf32, #tpu.memory_space<vmem>>)
      %dma_wait3A_181 = arith.constant 0 : i32
      %dma_wait3A_182 = arith.constant 0 : i32
      %dma_wait3A_183 = tpu.memref_slice %arg5[%add3A, %dma_wait3A_181, %dma_wait3A_182] : memref<32x140x72xi32, #tpu.memory_space<hbm>> -> memref<1x1x72xi32, #tpu.memory_space<hbm>>
      %dma_wait3A_184 = tpu.memref_squeeze %dma_wait3A_183 : memref<1x1x72xi32, #tpu.memory_space<hbm>> -> memref<72xi32, #tpu.memory_space<hbm>>
      %dma_wait3A_185 = arith.constant 0 : i32
      %dma_wait3A_186 = tpu.memref_slice %arg5[%add3A, %dma_wait3A_181, %dma_wait3A_185] : memref<32x140x72xi32, #tpu.memory_space<hbm>> -> memref<1x1x72xi32, #tpu.memory_space<hbm>>
      %dma_wait3A_187 = tpu.memref_squeeze %dma_wait3A_186 : memref<1x1x72xi32, #tpu.memory_space<hbm>> -> memref<72xi32, #tpu.memory_space<hbm>>
      tpu.wait_dma2 semaphore(%arg25 : memref<!tpu.dma_semaphore, #tpu.memory_space<semaphore_mem>>) src(%dma_wait3A_187 : memref<72xi32, #tpu.memory_space<hbm>>) dst(%arg9 : memref<72xi32, #tpu.memory_space<vmem>>)
      %dma_start3A_188 = arith.constant 0 : i32
      %dma_start3A_189 = arith.constant 0 : i32
      %dma_start3A_190 = tpu.memref_slice %arg7[%dma_start3A_188, %dma_start3A_189] : memref<10240x128xf32, #tpu.memory_space<vmem_shared>> -> memref<10240x128xf32, #tpu.memory_space<vmem_shared>>
      tpu.enqueue_indirect_dma source(%arg13 : memref<72x128xf32, #tpu.memory_space<vmem>>) target(%dma_start3A_190 : memref<10240x128xf32, #tpu.memory_space<vmem_shared>>) offsets(%arg9 : memref<72xi32, #tpu.memory_space<vmem>>) semaphore(%arg21 : memref<!tpu.dma_semaphore, #tpu.memory_space<semaphore_mem>>) {add = true}
      %dma_wait3A_191 = arith.constant 0 : i32
      %dma_wait3A_192 = arith.constant 0 : i32
      %dma_wait3A_193 = tpu.memref_slice %arg7[%dma_wait3A_191, %dma_wait3A_192] : memref<10240x128xf32, #tpu.memory_space<vmem_shared>> -> memref<10240x128xf32, #tpu.memory_space<vmem_shared>>
      tpu.wait_indirect_dma semaphore(%arg23 : memref<!tpu.dma_semaphore, #tpu.memory_space<semaphore_mem>>) src(%arg15 : memref<72x128xf32, #tpu.memory_space<vmem>>) dst(%dma_wait3A_193 : memref<10240x128xf32, #tpu.memory_space<vmem_shared>>)
      %add3A_194 = arith.constant 2 : i32
      %add3A_195 = arith.addi %add3A_174, %add3A_194 : i32
      %lt3A = arith.constant 140 : i32
      %lt3A_196 = arith.cmpi slt, %add3A_195, %lt3A : i32
      %convert_element_type3A_197 = arith.extui %lt3A_196 : i1 to i32
      %cond3A_198 = arith.constant 0 : i32
      %cond3A_199 = arith.cmpi ne, %convert_element_type3A_197, %cond3A_198 : i32
      scf.if %cond3A_199 {
        %add3A_290 = arith.constant 2 : i32
        %add3A_291 = arith.addi %add3A_174, %add3A_290 : i32
        %dma_start3A_292 = arith.constant 0 : i32
        %dma_start3A_293 = tpu.memref_slice %arg5[%add3A, %add3A_291, %dma_start3A_292] : memref<32x140x72xi32, #tpu.memory_space<hbm>> -> memref<1x1x72xi32, #tpu.memory_space<hbm>>
        %dma_start3A_294 = tpu.memref_squeeze %dma_start3A_293 : memref<1x1x72xi32, #tpu.memory_space<hbm>> -> memref<72xi32, #tpu.memory_space<hbm>>
        %dma_start3A_295 = arith.constant 0 : i32
        %dma_start3A_296 = tpu.memref_slice %arg5[%add3A, %add3A_291, %dma_start3A_295] : memref<32x140x72xi32, #tpu.memory_space<hbm>> -> memref<1x1x72xi32, #tpu.memory_space<hbm>>
        %dma_start3A_297 = tpu.memref_squeeze %dma_start3A_296 : memref<1x1x72xi32, #tpu.memory_space<hbm>> -> memref<72xi32, #tpu.memory_space<hbm>>
        tpu.enqueue_dma source(%dma_start3A_297 : memref<72xi32, #tpu.memory_space<hbm>>) target(%arg11 : memref<72xi32, #tpu.memory_space<vmem>>) target_semaphore(%arg27 : memref<!tpu.dma_semaphore, #tpu.memory_space<semaphore_mem>>)
        %add3A_298 = arith.constant 2 : i32
        %add3A_299 = arith.addi %add3A_174, %add3A_298 : i32
        %mul3A_300 = arith.constant 72 : i32
        %mul3A_301 = arith.muli %add3A_299, %mul3A_300 : i32
        %dma_start3A_302 = tpu.memref_slice %arg8[%mul3A_301] : memref<10080xi32, #tpu.memory_space<vmem>> -> memref<72xi32, #tpu.memory_space<vmem>>
        %dma_start3A_303 = arith.constant 0 : i32
        %dma_start3A_304 = arith.constant 0 : i32
        %dma_start3A_305 = tpu.memref_slice %arg2[%dma_start3A_303, %dma_start3A_304] : memref<10240x128xf32, #tpu.memory_space<hbm>> -> memref<10240x128xf32, #tpu.memory_space<hbm>>
        tpu.enqueue_indirect_dma source(%dma_start3A_305 : memref<10240x128xf32, #tpu.memory_space<hbm>>) target(%arg15 : memref<72x128xf32, #tpu.memory_space<vmem>>) offsets(%dma_start3A_302 : memref<72xi32, #tpu.memory_space<vmem>>) semaphore(%arg19 : memref<!tpu.dma_semaphore, #tpu.memory_space<semaphore_mem>>)
      } else {
      }
      %mul3A_200 = arith.constant 4 : i32
      %mul3A_201 = arith.muli %mul3A_200, %scan3A_170 : i32
      %add3A_202 = arith.constant 1 : i32
      %add3A_203 = arith.addi %mul3A_201, %add3A_202 : i32
      %mul3A_204 = arith.constant 72 : i32
      %mul3A_205 = arith.muli %add3A_203, %mul3A_204 : i32
      %dma_wait3A_206 = tpu.memref_slice %arg8[%mul3A_205] : memref<10080xi32, #tpu.memory_space<vmem>> -> memref<72xi32, #tpu.memory_space<vmem>>
      %dma_wait3A_207 = arith.constant 0 : i32
      %dma_wait3A_208 = arith.constant 0 : i32
      %dma_wait3A_209 = tpu.memref_slice %arg2[%dma_wait3A_207, %dma_wait3A_208] : memref<10240x128xf32, #tpu.memory_space<hbm>> -> memref<10240x128xf32, #tpu.memory_space<hbm>>
      tpu.wait_indirect_dma semaphore(%arg18 : memref<!tpu.dma_semaphore, #tpu.memory_space<semaphore_mem>>) src(%dma_wait3A_209 : memref<10240x128xf32, #tpu.memory_space<hbm>>) dst(%arg14 : memref<72x128xf32, #tpu.memory_space<vmem>>)
      %dma_wait3A_210 = arith.constant 0 : i32
      %dma_wait3A_211 = arith.constant 0 : i32
      %dma_wait3A_212 = tpu.memref_slice %arg5[%add3A, %dma_wait3A_210, %dma_wait3A_211] : memref<32x140x72xi32, #tpu.memory_space<hbm>> -> memref<1x1x72xi32, #tpu.memory_space<hbm>>
      %dma_wait3A_213 = tpu.memref_squeeze %dma_wait3A_212 : memref<1x1x72xi32, #tpu.memory_space<hbm>> -> memref<72xi32, #tpu.memory_space<hbm>>
      %dma_wait3A_214 = arith.constant 0 : i32
      %dma_wait3A_215 = tpu.memref_slice %arg5[%add3A, %dma_wait3A_210, %dma_wait3A_214] : memref<32x140x72xi32, #tpu.memory_space<hbm>> -> memref<1x1x72xi32, #tpu.memory_space<hbm>>
      %dma_wait3A_216 = tpu.memref_squeeze %dma_wait3A_215 : memref<1x1x72xi32, #tpu.memory_space<hbm>> -> memref<72xi32, #tpu.memory_space<hbm>>
      tpu.wait_dma2 semaphore(%arg26 : memref<!tpu.dma_semaphore, #tpu.memory_space<semaphore_mem>>) src(%dma_wait3A_216 : memref<72xi32, #tpu.memory_space<hbm>>) dst(%arg10 : memref<72xi32, #tpu.memory_space<vmem>>)
      %dma_start3A_217 = arith.constant 0 : i32
      %dma_start3A_218 = arith.constant 0 : i32
      %dma_start3A_219 = tpu.memref_slice %arg7[%dma_start3A_217, %dma_start3A_218] : memref<10240x128xf32, #tpu.memory_space<vmem_shared>> -> memref<10240x128xf32, #tpu.memory_space<vmem_shared>>
      tpu.enqueue_indirect_dma source(%arg14 : memref<72x128xf32, #tpu.memory_space<vmem>>) target(%dma_start3A_219 : memref<10240x128xf32, #tpu.memory_space<vmem_shared>>) offsets(%arg10 : memref<72xi32, #tpu.memory_space<vmem>>) semaphore(%arg22 : memref<!tpu.dma_semaphore, #tpu.memory_space<semaphore_mem>>) {add = true}
      %dma_wait3A_220 = arith.constant 0 : i32
      %dma_wait3A_221 = arith.constant 0 : i32
      %dma_wait3A_222 = tpu.memref_slice %arg7[%dma_wait3A_220, %dma_wait3A_221] : memref<10240x128xf32, #tpu.memory_space<vmem_shared>> -> memref<10240x128xf32, #tpu.memory_space<vmem_shared>>
      tpu.wait_indirect_dma semaphore(%arg24 : memref<!tpu.dma_semaphore, #tpu.memory_space<semaphore_mem>>) src(%arg16 : memref<72x128xf32, #tpu.memory_space<vmem>>) dst(%dma_wait3A_222 : memref<10240x128xf32, #tpu.memory_space<vmem_shared>>)
      %add3A_223 = arith.constant 2 : i32
      %add3A_224 = arith.addi %add3A_203, %add3A_223 : i32
      %lt3A_225 = arith.constant 140 : i32
      %lt3A_226 = arith.cmpi slt, %add3A_224, %lt3A_225 : i32
      %convert_element_type3A_227 = arith.extui %lt3A_226 : i1 to i32
      %cond3A_228 = arith.constant 0 : i32
      %cond3A_229 = arith.cmpi ne, %convert_element_type3A_227, %cond3A_228 : i32
      scf.if %cond3A_229 {
        %add3A_290 = arith.constant 2 : i32
        %add3A_291 = arith.addi %add3A_203, %add3A_290 : i32
        %dma_start3A_292 = arith.constant 0 : i32
        %dma_start3A_293 = tpu.memref_slice %arg5[%add3A, %add3A_291, %dma_start3A_292] : memref<32x140x72xi32, #tpu.memory_space<hbm>> -> memref<1x1x72xi32, #tpu.memory_space<hbm>>
        %dma_start3A_294 = tpu.memref_squeeze %dma_start3A_293 : memref<1x1x72xi32, #tpu.memory_space<hbm>> -> memref<72xi32, #tpu.memory_space<hbm>>
        %dma_start3A_295 = arith.constant 0 : i32
        %dma_start3A_296 = tpu.memref_slice %arg5[%add3A, %add3A_291, %dma_start3A_295] : memref<32x140x72xi32, #tpu.memory_space<hbm>> -> memref<1x1x72xi32, #tpu.memory_space<hbm>>
        %dma_start3A_297 = tpu.memref_squeeze %dma_start3A_296 : memref<1x1x72xi32, #tpu.memory_space<hbm>> -> memref<72xi32, #tpu.memory_space<hbm>>
        tpu.enqueue_dma source(%dma_start3A_297 : memref<72xi32, #tpu.memory_space<hbm>>) target(%arg12 : memref<72xi32, #tpu.memory_space<vmem>>) target_semaphore(%arg28 : memref<!tpu.dma_semaphore, #tpu.memory_space<semaphore_mem>>)
        %add3A_298 = arith.constant 2 : i32
        %add3A_299 = arith.addi %add3A_203, %add3A_298 : i32
        %mul3A_300 = arith.constant 72 : i32
        %mul3A_301 = arith.muli %add3A_299, %mul3A_300 : i32
        %dma_start3A_302 = tpu.memref_slice %arg8[%mul3A_301] : memref<10080xi32, #tpu.memory_space<vmem>> -> memref<72xi32, #tpu.memory_space<vmem>>
        %dma_start3A_303 = arith.constant 0 : i32
        %dma_start3A_304 = arith.constant 0 : i32
        %dma_start3A_305 = tpu.memref_slice %arg2[%dma_start3A_303, %dma_start3A_304] : memref<10240x128xf32, #tpu.memory_space<hbm>> -> memref<10240x128xf32, #tpu.memory_space<hbm>>
        tpu.enqueue_indirect_dma source(%dma_start3A_305 : memref<10240x128xf32, #tpu.memory_space<hbm>>) target(%arg16 : memref<72x128xf32, #tpu.memory_space<vmem>>) offsets(%dma_start3A_302 : memref<72xi32, #tpu.memory_space<vmem>>) semaphore(%arg20 : memref<!tpu.dma_semaphore, #tpu.memory_space<semaphore_mem>>)
      } else {
      }
      %mul3A_230 = arith.constant 4 : i32
      %mul3A_231 = arith.muli %mul3A_230, %scan3A_170 : i32
      %add3A_232 = arith.constant 2 : i32
      %add3A_233 = arith.addi %mul3A_231, %add3A_232 : i32
      %mul3A_234 = arith.constant 72 : i32
      %mul3A_235 = arith.muli %add3A_233, %mul3A_234 : i32
      %dma_wait3A_236 = tpu.memref_slice %arg8[%mul3A_235] : memref<10080xi32, #tpu.memory_space<vmem>> -> memref<72xi32, #tpu.memory_space<vmem>>
      %dma_wait3A_237 = arith.constant 0 : i32
      %dma_wait3A_238 = arith.constant 0 : i32
      %dma_wait3A_239 = tpu.memref_slice %arg2[%dma_wait3A_237, %dma_wait3A_238] : memref<10240x128xf32, #tpu.memory_space<hbm>> -> memref<10240x128xf32, #tpu.memory_space<hbm>>
      tpu.wait_indirect_dma semaphore(%arg19 : memref<!tpu.dma_semaphore, #tpu.memory_space<semaphore_mem>>) src(%dma_wait3A_239 : memref<10240x128xf32, #tpu.memory_space<hbm>>) dst(%arg15 : memref<72x128xf32, #tpu.memory_space<vmem>>)
      %dma_wait3A_240 = arith.constant 0 : i32
      %dma_wait3A_241 = arith.constant 0 : i32
      %dma_wait3A_242 = tpu.memref_slice %arg5[%add3A, %dma_wait3A_240, %dma_wait3A_241] : memref<32x140x72xi32, #tpu.memory_space<hbm>> -> memref<1x1x72xi32, #tpu.memory_space<hbm>>
      %dma_wait3A_243 = tpu.memref_squeeze %dma_wait3A_242 : memref<1x1x72xi32, #tpu.memory_space<hbm>> -> memref<72xi32, #tpu.memory_space<hbm>>
      %dma_wait3A_244 = arith.constant 0 : i32
      %dma_wait3A_245 = tpu.memref_slice %arg5[%add3A, %dma_wait3A_240, %dma_wait3A_244] : memref<32x140x72xi32, #tpu.memory_space<hbm>> -> memref<1x1x72xi32, #tpu.memory_space<hbm>>
      %dma_wait3A_246 = tpu.memref_squeeze %dma_wait3A_245 : memref<1x1x72xi32, #tpu.memory_space<hbm>> -> memref<72xi32, #tpu.memory_space<hbm>>
      tpu.wait_dma2 semaphore(%arg27 : memref<!tpu.dma_semaphore, #tpu.memory_space<semaphore_mem>>) src(%dma_wait3A_246 : memref<72xi32, #tpu.memory_space<hbm>>) dst(%arg11 : memref<72xi32, #tpu.memory_space<vmem>>)
      %dma_start3A_247 = arith.constant 0 : i32
      %dma_start3A_248 = arith.constant 0 : i32
      %dma_start3A_249 = tpu.memref_slice %arg7[%dma_start3A_247, %dma_start3A_248] : memref<10240x128xf32, #tpu.memory_space<vmem_shared>> -> memref<10240x128xf32, #tpu.memory_space<vmem_shared>>
      tpu.enqueue_indirect_dma source(%arg15 : memref<72x128xf32, #tpu.memory_space<vmem>>) target(%dma_start3A_249 : memref<10240x128xf32, #tpu.memory_space<vmem_shared>>) offsets(%arg11 : memref<72xi32, #tpu.memory_space<vmem>>) semaphore(%arg23 : memref<!tpu.dma_semaphore, #tpu.memory_space<semaphore_mem>>) {add = true}
      %dma_wait3A_250 = arith.constant 0 : i32
      %dma_wait3A_251 = arith.constant 0 : i32
      %dma_wait3A_252 = tpu.memref_slice %arg7[%dma_wait3A_250, %dma_wait3A_251] : memref<10240x128xf32, #tpu.memory_space<vmem_shared>> -> memref<10240x128xf32, #tpu.memory_space<vmem_shared>>
      tpu.wait_indirect_dma semaphore(%arg21 : memref<!tpu.dma_semaphore, #tpu.memory_space<semaphore_mem>>) src(%arg13 : memref<72x128xf32, #tpu.memory_space<vmem>>) dst(%dma_wait3A_252 : memref<10240x128xf32, #tpu.memory_space<vmem_shared>>)
      %add3A_253 = arith.constant 2 : i32
      %add3A_254 = arith.addi %add3A_233, %add3A_253 : i32
      %lt3A_255 = arith.constant 140 : i32
      %lt3A_256 = arith.cmpi slt, %add3A_254, %lt3A_255 : i32
      %convert_element_type3A_257 = arith.extui %lt3A_256 : i1 to i32
      %cond3A_258 = arith.constant 0 : i32
      %cond3A_259 = arith.cmpi ne, %convert_element_type3A_257, %cond3A_258 : i32
      scf.if %cond3A_259 {
        %add3A_290 = arith.constant 2 : i32
        %add3A_291 = arith.addi %add3A_233, %add3A_290 : i32
        %dma_start3A_292 = arith.constant 0 : i32
        %dma_start3A_293 = tpu.memref_slice %arg5[%add3A, %add3A_291, %dma_start3A_292] : memref<32x140x72xi32, #tpu.memory_space<hbm>> -> memref<1x1x72xi32, #tpu.memory_space<hbm>>
        %dma_start3A_294 = tpu.memref_squeeze %dma_start3A_293 : memref<1x1x72xi32, #tpu.memory_space<hbm>> -> memref<72xi32, #tpu.memory_space<hbm>>
        %dma_start3A_295 = arith.constant 0 : i32
        %dma_start3A_296 = tpu.memref_slice %arg5[%add3A, %add3A_291, %dma_start3A_295] : memref<32x140x72xi32, #tpu.memory_space<hbm>> -> memref<1x1x72xi32, #tpu.memory_space<hbm>>
        %dma_start3A_297 = tpu.memref_squeeze %dma_start3A_296 : memref<1x1x72xi32, #tpu.memory_space<hbm>> -> memref<72xi32, #tpu.memory_space<hbm>>
        tpu.enqueue_dma source(%dma_start3A_297 : memref<72xi32, #tpu.memory_space<hbm>>) target(%arg9 : memref<72xi32, #tpu.memory_space<vmem>>) target_semaphore(%arg25 : memref<!tpu.dma_semaphore, #tpu.memory_space<semaphore_mem>>)
        %add3A_298 = arith.constant 2 : i32
        %add3A_299 = arith.addi %add3A_233, %add3A_298 : i32
        %mul3A_300 = arith.constant 72 : i32
        %mul3A_301 = arith.muli %add3A_299, %mul3A_300 : i32
        %dma_start3A_302 = tpu.memref_slice %arg8[%mul3A_301] : memref<10080xi32, #tpu.memory_space<vmem>> -> memref<72xi32, #tpu.memory_space<vmem>>
        %dma_start3A_303 = arith.constant 0 : i32
        %dma_start3A_304 = arith.constant 0 : i32
        %dma_start3A_305 = tpu.memref_slice %arg2[%dma_start3A_303, %dma_start3A_304] : memref<10240x128xf32, #tpu.memory_space<hbm>> -> memref<10240x128xf32, #tpu.memory_space<hbm>>
        tpu.enqueue_indirect_dma source(%dma_start3A_305 : memref<10240x128xf32, #tpu.memory_space<hbm>>) target(%arg13 : memref<72x128xf32, #tpu.memory_space<vmem>>) offsets(%dma_start3A_302 : memref<72xi32, #tpu.memory_space<vmem>>) semaphore(%arg17 : memref<!tpu.dma_semaphore, #tpu.memory_space<semaphore_mem>>)
      } else {
      }
      %mul3A_260 = arith.constant 4 : i32
      %mul3A_261 = arith.muli %mul3A_260, %scan3A_170 : i32
      %add3A_262 = arith.constant 3 : i32
      %add3A_263 = arith.addi %mul3A_261, %add3A_262 : i32
      %mul3A_264 = arith.constant 72 : i32
      %mul3A_265 = arith.muli %add3A_263, %mul3A_264 : i32
      %dma_wait3A_266 = tpu.memref_slice %arg8[%mul3A_265] : memref<10080xi32, #tpu.memory_space<vmem>> -> memref<72xi32, #tpu.memory_space<vmem>>
      %dma_wait3A_267 = arith.constant 0 : i32
      %dma_wait3A_268 = arith.constant 0 : i32
      %dma_wait3A_269 = tpu.memref_slice %arg2[%dma_wait3A_267, %dma_wait3A_268] : memref<10240x128xf32, #tpu.memory_space<hbm>> -> memref<10240x128xf32, #tpu.memory_space<hbm>>
      tpu.wait_indirect_dma semaphore(%arg20 : memref<!tpu.dma_semaphore, #tpu.memory_space<semaphore_mem>>) src(%dma_wait3A_269 : memref<10240x128xf32, #tpu.memory_space<hbm>>) dst(%arg16 : memref<72x128xf32, #tpu.memory_space<vmem>>)
      %dma_wait3A_270 = arith.constant 0 : i32
      %dma_wait3A_271 = arith.constant 0 : i32
      %dma_wait3A_272 = tpu.memref_slice %arg5[%add3A, %dma_wait3A_270, %dma_wait3A_271] : memref<32x140x72xi32, #tpu.memory_space<hbm>> -> memref<1x1x72xi32, #tpu.memory_space<hbm>>
      %dma_wait3A_273 = tpu.memref_squeeze %dma_wait3A_272 : memref<1x1x72xi32, #tpu.memory_space<hbm>> -> memref<72xi32, #tpu.memory_space<hbm>>
      %dma_wait3A_274 = arith.constant 0 : i32
      %dma_wait3A_275 = tpu.memref_slice %arg5[%add3A, %dma_wait3A_270, %dma_wait3A_274] : memref<32x140x72xi32, #tpu.memory_space<hbm>> -> memref<1x1x72xi32, #tpu.memory_space<hbm>>
      %dma_wait3A_276 = tpu.memref_squeeze %dma_wait3A_275 : memref<1x1x72xi32, #tpu.memory_space<hbm>> -> memref<72xi32, #tpu.memory_space<hbm>>
      tpu.wait_dma2 semaphore(%arg28 : memref<!tpu.dma_semaphore, #tpu.memory_space<semaphore_mem>>) src(%dma_wait3A_276 : memref<72xi32, #tpu.memory_space<hbm>>) dst(%arg12 : memref<72xi32, #tpu.memory_space<vmem>>)
      %dma_start3A_277 = arith.constant 0 : i32
      %dma_start3A_278 = arith.constant 0 : i32
      %dma_start3A_279 = tpu.memref_slice %arg7[%dma_start3A_277, %dma_start3A_278] : memref<10240x128xf32, #tpu.memory_space<vmem_shared>> -> memref<10240x128xf32, #tpu.memory_space<vmem_shared>>
      tpu.enqueue_indirect_dma source(%arg16 : memref<72x128xf32, #tpu.memory_space<vmem>>) target(%dma_start3A_279 : memref<10240x128xf32, #tpu.memory_space<vmem_shared>>) offsets(%arg12 : memref<72xi32, #tpu.memory_space<vmem>>) semaphore(%arg24 : memref<!tpu.dma_semaphore, #tpu.memory_space<semaphore_mem>>) {add = true}
      %dma_wait3A_280 = arith.constant 0 : i32
      %dma_wait3A_281 = arith.constant 0 : i32
      %dma_wait3A_282 = tpu.memref_slice %arg7[%dma_wait3A_280, %dma_wait3A_281] : memref<10240x128xf32, #tpu.memory_space<vmem_shared>> -> memref<10240x128xf32, #tpu.memory_space<vmem_shared>>
      tpu.wait_indirect_dma semaphore(%arg22 : memref<!tpu.dma_semaphore, #tpu.memory_space<semaphore_mem>>) src(%arg14 : memref<72x128xf32, #tpu.memory_space<vmem>>) dst(%dma_wait3A_282 : memref<10240x128xf32, #tpu.memory_space<vmem_shared>>)
      %add3A_283 = arith.constant 2 : i32
      %add3A_284 = arith.addi %add3A_263, %add3A_283 : i32
      %lt3A_285 = arith.constant 140 : i32
      %lt3A_286 = arith.cmpi slt, %add3A_284, %lt3A_285 : i32
      %convert_element_type3A_287 = arith.extui %lt3A_286 : i1 to i32
      %cond3A_288 = arith.constant 0 : i32
      %cond3A_289 = arith.cmpi ne, %convert_element_type3A_287, %cond3A_288 : i32
      scf.if %cond3A_289 {
        %add3A_290 = arith.constant 2 : i32
        %add3A_291 = arith.addi %add3A_263, %add3A_290 : i32
        %dma_start3A_292 = arith.constant 0 : i32
        %dma_start3A_293 = tpu.memref_slice %arg5[%add3A, %add3A_291, %dma_start3A_292] : memref<32x140x72xi32, #tpu.memory_space<hbm>> -> memref<1x1x72xi32, #tpu.memory_space<hbm>>
        %dma_start3A_294 = tpu.memref_squeeze %dma_start3A_293 : memref<1x1x72xi32, #tpu.memory_space<hbm>> -> memref<72xi32, #tpu.memory_space<hbm>>
        %dma_start3A_295 = arith.constant 0 : i32
        %dma_start3A_296 = tpu.memref_slice %arg5[%add3A, %add3A_291, %dma_start3A_295] : memref<32x140x72xi32, #tpu.memory_space<hbm>> -> memref<1x1x72xi32, #tpu.memory_space<hbm>>
        %dma_start3A_297 = tpu.memref_squeeze %dma_start3A_296 : memref<1x1x72xi32, #tpu.memory_space<hbm>> -> memref<72xi32, #tpu.memory_space<hbm>>
        tpu.enqueue_dma source(%dma_start3A_297 : memref<72xi32, #tpu.memory_space<hbm>>) target(%arg10 : memref<72xi32, #tpu.memory_space<vmem>>) target_semaphore(%arg26 : memref<!tpu.dma_semaphore, #tpu.memory_space<semaphore_mem>>)
        %add3A_298 = arith.constant 2 : i32
        %add3A_299 = arith.addi %add3A_263, %add3A_298 : i32
        %mul3A_300 = arith.constant 72 : i32
        %mul3A_301 = arith.muli %add3A_299, %mul3A_300 : i32
        %dma_start3A_302 = tpu.memref_slice %arg8[%mul3A_301] : memref<10080xi32, #tpu.memory_space<vmem>> -> memref<72xi32, #tpu.memory_space<vmem>>
        %dma_start3A_303 = arith.constant 0 : i32
        %dma_start3A_304 = arith.constant 0 : i32
        %dma_start3A_305 = tpu.memref_slice %arg2[%dma_start3A_303, %dma_start3A_304] : memref<10240x128xf32, #tpu.memory_space<hbm>> -> memref<10240x128xf32, #tpu.memory_space<hbm>>
        tpu.enqueue_indirect_dma source(%dma_start3A_305 : memref<10240x128xf32, #tpu.memory_space<hbm>>) target(%arg14 : memref<72x128xf32, #tpu.memory_space<vmem>>) offsets(%dma_start3A_302 : memref<72xi32, #tpu.memory_space<vmem>>) semaphore(%arg18 : memref<!tpu.dma_semaphore, #tpu.memory_space<semaphore_mem>>)
      } else {
      }
    }
    %scan3A_162 = arith.constant 34 : i32
    %dma_wait3A_163 = arith.constant 0 : i32
    %dma_wait3A_164 = arith.constant 0 : i32
    %dma_wait3A_165 = tpu.memref_slice %arg7[%dma_wait3A_163, %dma_wait3A_164] : memref<10240x128xf32, #tpu.memory_space<vmem_shared>> -> memref<10240x128xf32, #tpu.memory_space<vmem_shared>>
    tpu.wait_indirect_dma semaphore(%arg23 : memref<!tpu.dma_semaphore, #tpu.memory_space<semaphore_mem>>) src(%arg15 : memref<72x128xf32, #tpu.memory_space<vmem>>) dst(%dma_wait3A_165 : memref<10240x128xf32, #tpu.memory_space<vmem_shared>>)
    %dma_wait3A_166 = arith.constant 0 : i32
    %dma_wait3A_167 = arith.constant 0 : i32
    %dma_wait3A_168 = tpu.memref_slice %arg7[%dma_wait3A_166, %dma_wait3A_167] : memref<10240x128xf32, #tpu.memory_space<vmem_shared>> -> memref<10240x128xf32, #tpu.memory_space<vmem_shared>>
    tpu.wait_indirect_dma semaphore(%arg24 : memref<!tpu.dma_semaphore, #tpu.memory_space<semaphore_mem>>) src(%arg16 : memref<72x128xf32, #tpu.memory_space<vmem>>) dst(%dma_wait3A_168 : memref<10240x128xf32, #tpu.memory_space<vmem_shared>>)
    %barrier3A_169 = arith.constant 0 : index
    tpu.barrier barrier_id(%barrier3A_169)
    "tpu.region"() ({
      %run_scoped3A = tpu.sem_alloc : memref<!tpu.dma_semaphore, #tpu.memory_space<semaphore_mem>>
      %dma_start3A_170 = arith.constant 0 : i32
      %dma_start3A_171 = arith.constant 0 : i32
      %dma_start3A_172 = tpu.memref_slice %arg6[%arg0, %dma_start3A_170, %dma_start3A_171] : memref<2x10240x128xf32, #tpu.memory_space<hbm>> -> memref<1x10240x128xf32, #tpu.memory_space<hbm>>
      %dma_start3A_173 = tpu.memref_squeeze %dma_start3A_172 : memref<1x10240x128xf32, #tpu.memory_space<hbm>> -> memref<10240x128xf32, #tpu.memory_space<hbm>>
      %dma_start3A_174 = arith.constant 0 : i32
      %dma_start3A_175 = tpu.memref_slice %dma_start3A_173[%mul3A_7, %dma_start3A_174] : memref<10240x128xf32, #tpu.memory_space<hbm>> -> memref<640x128xf32, #tpu.memory_space<hbm>>
      %dma_start3A_176 = arith.constant 0 : i32
      %dma_start3A_177 = tpu.memref_slice %arg7[%mul3A_7, %dma_start3A_176] : memref<10240x128xf32, #tpu.memory_space<vmem_shared>> -> memref<640x128xf32, #tpu.memory_space<vmem_shared>>
      tpu.enqueue_dma source(%dma_start3A_177 : memref<640x128xf32, #tpu.memory_space<vmem_shared>>) target(%dma_start3A_175 : memref<640x128xf32, #tpu.memory_space<hbm>>) target_semaphore(%run_scoped3A : memref<!tpu.dma_semaphore, #tpu.memory_space<semaphore_mem>>)
      %dma_wait3A_178 = arith.constant 0 : i32
      %dma_wait3A_179 = arith.constant 0 : i32
      %dma_wait3A_180 = tpu.memref_slice %arg6[%arg0, %dma_wait3A_178, %dma_wait3A_179] : memref<2x10240x128xf32, #tpu.memory_space<hbm>> -> memref<1x10240x128xf32, #tpu.memory_space<hbm>>
      %dma_wait3A_181 = tpu.memref_squeeze %dma_wait3A_180 : memref<1x10240x128xf32, #tpu.memory_space<hbm>> -> memref<10240x128xf32, #tpu.memory_space<hbm>>
      %dma_wait3A_182 = arith.constant 0 : i32
      %dma_wait3A_183 = tpu.memref_slice %dma_wait3A_181[%mul3A_7, %dma_wait3A_182] : memref<10240x128xf32, #tpu.memory_space<hbm>> -> memref<640x128xf32, #tpu.memory_space<hbm>>
      %dma_wait3A_184 = arith.constant 0 : i32
      %dma_wait3A_185 = tpu.memref_slice %arg7[%mul3A_7, %dma_wait3A_184] : memref<10240x128xf32, #tpu.memory_space<vmem_shared>> -> memref<640x128xf32, #tpu.memory_space<vmem_shared>>
      tpu.wait_dma2 semaphore(%run_scoped3A : memref<!tpu.dma_semaphore, #tpu.memory_space<semaphore_mem>>) src(%dma_wait3A_185 : memref<640x128xf32, #tpu.memory_space<vmem_shared>>) dst(%dma_wait3A_183 : memref<640x128xf32, #tpu.memory_space<hbm>>)
      tpu.yield
    }) : () -> ()
    return
  }
}

#map = affine_map<(d0, d1) -> (0, 0)>
#map1 = affine_map<(d0, d1) -> (0, 0, 0)>
module attributes {stable_mosaic.version = 14 : i64} {
  func.func @agg(%arg0: i32, %arg1: i32, %arg2: memref<10240x128xf32, #tpu.memory_space<hbm>>, %arg3: memref<10240x128xf32, #tpu.memory_space<hbm>>, %arg4: memref<32x10080xi32, #tpu.memory_space<hbm>>, %arg5: memref<32x140x72xi32, #tpu.memory_space<hbm>>, %arg6: memref<2x10240x128xf32, #tpu.memory_space<hbm>>, %arg7: memref<10240x128xf32, #tpu.memory_space<vmem_shared>>, %arg8: memref<10080xi32, #tpu.memory_space<vmem>>, %arg9: memref<72xi32, #tpu.memory_space<vmem>>, %arg10: memref<72xi32, #tpu.memory_space<vmem>>, %arg11: memref<72xi32, #tpu.memory_space<vmem>>, %arg12: memref<72xi32, #tpu.memory_space<vmem>>, %arg13: memref<72x128xf32, #tpu.memory_space<vmem>>, %arg14: memref<72x128xf32, #tpu.memory_space<vmem>>, %arg15: memref<72x128xf32, #tpu.memory_space<vmem>>, %arg16: memref<72x128xf32, #tpu.memory_space<vmem>>, %arg17: memref<!tpu.dma_semaphore, #tpu.memory_space<semaphore_mem>>, %arg18: memref<!tpu.dma_semaphore, #tpu.memory_space<semaphore_mem>>, %arg19: memref<!tpu.dma_semaphore, #tpu.memory_space<semaphore_mem>>, %arg20: memref<!tpu.dma_semaphore, #tpu.memory_space<semaphore_mem>>, %arg21: memref<!tpu.dma_semaphore, #tpu.memory_space<semaphore_mem>>, %arg22: memref<!tpu.dma_semaphore, #tpu.memory_space<semaphore_mem>>, %arg23: memref<!tpu.dma_semaphore, #tpu.memory_space<semaphore_mem>>, %arg24: memref<!tpu.dma_semaphore, #tpu.memory_space<semaphore_mem>>, %arg25: memref<!tpu.dma_semaphore, #tpu.memory_space<semaphore_mem>>, %arg26: memref<!tpu.dma_semaphore, #tpu.memory_space<semaphore_mem>>, %arg27: memref<!tpu.dma_semaphore, #tpu.memory_space<semaphore_mem>>, %arg28: memref<!tpu.dma_semaphore, #tpu.memory_space<semaphore_mem>>, %arg29: memref<!tpu.dma_semaphore, #tpu.memory_space<semaphore_mem>>) attributes {dimension_semantics = [#tpu.dimension_semantics<core_parallel>, #tpu.dimension_semantics<subcore_parallel>], iteration_bounds = array<i64: 2, 16>, scalar_prefetch = 0 : i64, scratch_operands = 23 : i64, tpu.core_type = #tpu.core_type<sc_vector_subcore>, window_params = [{transform_indices = #map}, {transform_indices = #map}, {transform_indices = #map}, {transform_indices = #map1}, {transform_indices = #map1}]} {
    %mul3A = arith.constant 2 : i32
    %mul3A_0 = arith.muli %arg1, %mul3A : i32
    %add3A = arith.addi %mul3A_0, %arg0 : i32
    %dma_start3A = arith.constant 0 : i32
    %dma_start3A_1 = tpu.memref_slice %arg4[%add3A, %dma_start3A] : memref<32x10080xi32, #tpu.memory_space<hbm>> -> memref<1x10080xi32, #tpu.memory_space<hbm>>
    %dma_start3A_2 = tpu.memref_squeeze %dma_start3A_1 : memref<1x10080xi32, #tpu.memory_space<hbm>> -> memref<10080xi32, #tpu.memory_space<hbm>>
    %dma_start3A_3 = arith.constant 0 : i32
    %dma_start3A_4 = tpu.memref_slice %arg4[%add3A, %dma_start3A_3] : memref<32x10080xi32, #tpu.memory_space<hbm>> -> memref<1x10080xi32, #tpu.memory_space<hbm>>
    %dma_start3A_5 = tpu.memref_squeeze %dma_start3A_4 : memref<1x10080xi32, #tpu.memory_space<hbm>> -> memref<10080xi32, #tpu.memory_space<hbm>>
    tpu.enqueue_dma source(%dma_start3A_5 : memref<10080xi32, #tpu.memory_space<hbm>>) target(%arg8 : memref<10080xi32, #tpu.memory_space<vmem>>) target_semaphore(%arg29 : memref<!tpu.dma_semaphore, #tpu.memory_space<semaphore_mem>>)
    %mul3A_6 = arith.constant 640 : i32
    %mul3A_7 = arith.muli %arg1, %mul3A_6 : i32
    %eq3A = arith.constant 0 : i32
    %eq3A_8 = arith.cmpi eq, %arg0, %eq3A : i32
    %convert_element_type3A = arith.extui %eq3A_8 : i1 to i32
    %cond3A = arith.constant 0 : i32
    %cond3A_9 = arith.cmpi ne, %convert_element_type3A, %cond3A : i32
    scf.if %cond3A_9 {
      "tpu.region"() ({
        %run_scoped3A = tpu.sem_alloc : memref<!tpu.dma_semaphore, #tpu.memory_space<semaphore_mem>>
        %dma_start3A_170 = arith.constant 0 : i32
        %dma_start3A_171 = tpu.memref_slice %arg7[%mul3A_7, %dma_start3A_170] : memref<10240x128xf32, #tpu.memory_space<vmem_shared>> -> memref<640x128xf32, #tpu.memory_space<vmem_shared>>
        %dma_start3A_172 = arith.constant 0 : i32
        %dma_start3A_173 = tpu.memref_slice %arg2[%mul3A_7, %dma_start3A_172] : memref<10240x128xf32, #tpu.memory_space<hbm>> -> memref<640x128xf32, #tpu.memory_space<hbm>>
        tpu.enqueue_dma source(%dma_start3A_173 : memref<640x128xf32, #tpu.memory_space<hbm>>) target(%dma_start3A_171 : memref<640x128xf32, #tpu.memory_space<vmem_shared>>) target_semaphore(%run_scoped3A : memref<!tpu.dma_semaphore, #tpu.memory_space<semaphore_mem>>)
        %dma_wait3A_174 = arith.constant 0 : i32
        %dma_wait3A_175 = tpu.memref_slice %arg7[%mul3A_7, %dma_wait3A_174] : memref<10240x128xf32, #tpu.memory_space<vmem_shared>> -> memref<640x128xf32, #tpu.memory_space<vmem_shared>>
        %dma_wait3A_176 = arith.constant 0 : i32
        %dma_wait3A_177 = tpu.memref_slice %arg2[%mul3A_7, %dma_wait3A_176] : memref<10240x128xf32, #tpu.memory_space<hbm>> -> memref<640x128xf32, #tpu.memory_space<hbm>>
        tpu.wait_dma2 semaphore(%run_scoped3A : memref<!tpu.dma_semaphore, #tpu.memory_space<semaphore_mem>>) src(%dma_wait3A_177 : memref<640x128xf32, #tpu.memory_space<hbm>>) dst(%dma_wait3A_175 : memref<640x128xf32, #tpu.memory_space<vmem_shared>>)
        tpu.yield
      }) : () -> ()
    } else {
    }
    %eq3A_10 = arith.constant 1 : i32
    %eq3A_11 = arith.cmpi eq, %arg0, %eq3A_10 : i32
    %convert_element_type3A_12 = arith.extui %eq3A_11 : i1 to i32
    %cond3A_13 = arith.constant 0 : i32
    %cond3A_14 = arith.cmpi ne, %convert_element_type3A_12, %cond3A_13 : i32
    scf.if %cond3A_14 {
      "tpu.region"() ({
        %run_scoped3A = tpu.sem_alloc : memref<!tpu.dma_semaphore, #tpu.memory_space<semaphore_mem>>
        %dma_start3A_170 = arith.constant 0 : i32
        %dma_start3A_171 = tpu.memref_slice %arg7[%mul3A_7, %dma_start3A_170] : memref<10240x128xf32, #tpu.memory_space<vmem_shared>> -> memref<640x128xf32, #tpu.memory_space<vmem_shared>>
        %dma_start3A_172 = arith.constant 0 : i32
        %dma_start3A_173 = tpu.memref_slice %arg3[%mul3A_7, %dma_start3A_172] : memref<10240x128xf32, #tpu.memory_space<hbm>> -> memref<640x128xf32, #tpu.memory_space<hbm>>
        tpu.enqueue_dma source(%dma_start3A_173 : memref<640x128xf32, #tpu.memory_space<hbm>>) target(%dma_start3A_171 : memref<640x128xf32, #tpu.memory_space<vmem_shared>>) target_semaphore(%run_scoped3A : memref<!tpu.dma_semaphore, #tpu.memory_space<semaphore_mem>>)
        %dma_wait3A_174 = arith.constant 0 : i32
        %dma_wait3A_175 = tpu.memref_slice %arg7[%mul3A_7, %dma_wait3A_174] : memref<10240x128xf32, #tpu.memory_space<vmem_shared>> -> memref<640x128xf32, #tpu.memory_space<vmem_shared>>
        %dma_wait3A_176 = arith.constant 0 : i32
        %dma_wait3A_177 = tpu.memref_slice %arg3[%mul3A_7, %dma_wait3A_176] : memref<10240x128xf32, #tpu.memory_space<hbm>> -> memref<640x128xf32, #tpu.memory_space<hbm>>
        tpu.wait_dma2 semaphore(%run_scoped3A : memref<!tpu.dma_semaphore, #tpu.memory_space<semaphore_mem>>) src(%dma_wait3A_177 : memref<640x128xf32, #tpu.memory_space<hbm>>) dst(%dma_wait3A_175 : memref<640x128xf32, #tpu.memory_space<vmem_shared>>)
        tpu.yield
      }) : () -> ()
    } else {
    }
    %dma_wait3A = arith.constant 0 : i32
    %dma_wait3A_15 = tpu.memref_slice %arg4[%add3A, %dma_wait3A] : memref<32x10080xi32, #tpu.memory_space<hbm>> -> memref<1x10080xi32, #tpu.memory_space<hbm>>
    %dma_wait3A_16 = tpu.memref_squeeze %dma_wait3A_15 : memref<1x10080xi32, #tpu.memory_space<hbm>> -> memref<10080xi32, #tpu.memory_space<hbm>>
    %dma_wait3A_17 = arith.constant 0 : i32
    %dma_wait3A_18 = tpu.memref_slice %arg4[%add3A, %dma_wait3A_17] : memref<32x10080xi32, #tpu.memory_space<hbm>> -> memref<1x10080xi32, #tpu.memory_space<hbm>>
    %dma_wait3A_19 = tpu.memref_squeeze %dma_wait3A_18 : memref<1x10080xi32, #tpu.memory_space<hbm>> -> memref<10080xi32, #tpu.memory_space<hbm>>
    tpu.wait_dma2 semaphore(%arg29 : memref<!tpu.dma_semaphore, #tpu.memory_space<semaphore_mem>>) src(%dma_wait3A_19 : memref<10080xi32, #tpu.memory_space<hbm>>) dst(%arg8 : memref<10080xi32, #tpu.memory_space<vmem>>)
    %dma_start3A_20 = arith.constant 0 : i32
    %dma_start3A_21 = arith.constant 0 : i32
    %dma_start3A_22 = tpu.memref_slice %arg5[%add3A, %dma_start3A_20, %dma_start3A_21] : memref<32x140x72xi32, #tpu.memory_space<hbm>> -> memref<1x1x72xi32, #tpu.memory_space<hbm>>
    %dma_start3A_23 = tpu.memref_squeeze %dma_start3A_22 : memref<1x1x72xi32, #tpu.memory_space<hbm>> -> memref<72xi32, #tpu.memory_space<hbm>>
    %dma_start3A_24 = arith.constant 0 : i32
    %dma_start3A_25 = tpu.memref_slice %arg5[%add3A, %dma_start3A_20, %dma_start3A_24] : memref<32x140x72xi32, #tpu.memory_space<hbm>> -> memref<1x1x72xi32, #tpu.memory_space<hbm>>
    %dma_start3A_26 = tpu.memref_squeeze %dma_start3A_25 : memref<1x1x72xi32, #tpu.memory_space<hbm>> -> memref<72xi32, #tpu.memory_space<hbm>>
    tpu.enqueue_dma source(%dma_start3A_26 : memref<72xi32, #tpu.memory_space<hbm>>) target(%arg9 : memref<72xi32, #tpu.memory_space<vmem>>) target_semaphore(%arg25 : memref<!tpu.dma_semaphore, #tpu.memory_space<semaphore_mem>>)
    %dma_start3A_27 = arith.constant 0 : i32
    %dma_start3A_28 = tpu.memref_slice %arg8[%dma_start3A_27] : memref<10080xi32, #tpu.memory_space<vmem>> -> memref<72xi32, #tpu.memory_space<vmem>>
    %dma_start3A_29 = arith.constant 0 : i32
    %dma_start3A_30 = arith.constant 0 : i32
    %dma_start3A_31 = tpu.memref_slice %arg2[%dma_start3A_29, %dma_start3A_30] : memref<10240x128xf32, #tpu.memory_space<hbm>> -> memref<10240x128xf32, #tpu.memory_space<hbm>>
    tpu.enqueue_indirect_dma source(%dma_start3A_31 : memref<10240x128xf32, #tpu.memory_space<hbm>>) target(%arg13 : memref<72x128xf32, #tpu.memory_space<vmem>>) offsets(%dma_start3A_28 : memref<72xi32, #tpu.memory_space<vmem>>) semaphore(%arg17 : memref<!tpu.dma_semaphore, #tpu.memory_space<semaphore_mem>>)
    %dma_start3A_32 = arith.constant 1 : i32
    %dma_start3A_33 = arith.constant 0 : i32
    %dma_start3A_34 = tpu.memref_slice %arg5[%add3A, %dma_start3A_32, %dma_start3A_33] : memref<32x140x72xi32, #tpu.memory_space<hbm>> -> memref<1x1x72xi32, #tpu.memory_space<hbm>>
    %dma_start3A_35 = tpu.memref_squeeze %dma_start3A_34 : memref<1x1x72xi32, #tpu.memory_space<hbm>> -> memref<72xi32, #tpu.memory_space<hbm>>
    %dma_start3A_36 = arith.constant 0 : i32
    %dma_start3A_37 = tpu.memref_slice %arg5[%add3A, %dma_start3A_32, %dma_start3A_36] : memref<32x140x72xi32, #tpu.memory_space<hbm>> -> memref<1x1x72xi32, #tpu.memory_space<hbm>>
    %dma_start3A_38 = tpu.memref_squeeze %dma_start3A_37 : memref<1x1x72xi32, #tpu.memory_space<hbm>> -> memref<72xi32, #tpu.memory_space<hbm>>
    tpu.enqueue_dma source(%dma_start3A_38 : memref<72xi32, #tpu.memory_space<hbm>>) target(%arg10 : memref<72xi32, #tpu.memory_space<vmem>>) target_semaphore(%arg26 : memref<!tpu.dma_semaphore, #tpu.memory_space<semaphore_mem>>)
    %dma_start3A_39 = arith.constant 72 : i32
    %dma_start3A_40 = tpu.memref_slice %arg8[%dma_start3A_39] : memref<10080xi32, #tpu.memory_space<vmem>> -> memref<72xi32, #tpu.memory_space<vmem>>
    %dma_start3A_41 = arith.constant 0 : i32
    %dma_start3A_42 = arith.constant 0 : i32
    %dma_start3A_43 = tpu.memref_slice %arg2[%dma_start3A_41, %dma_start3A_42] : memref<10240x128xf32, #tpu.memory_space<hbm>> -> memref<10240x128xf32, #tpu.memory_space<hbm>>
    tpu.enqueue_indirect_dma source(%dma_start3A_43 : memref<10240x128xf32, #tpu.memory_space<hbm>>) target(%arg14 : memref<72x128xf32, #tpu.memory_space<vmem>>) offsets(%dma_start3A_40 : memref<72xi32, #tpu.memory_space<vmem>>) semaphore(%arg18 : memref<!tpu.dma_semaphore, #tpu.memory_space<semaphore_mem>>)
    %barrier3A = arith.constant 0 : index
    tpu.barrier barrier_id(%barrier3A)
    %dma_wait3A_44 = arith.constant 0 : i32
    %dma_wait3A_45 = tpu.memref_slice %arg8[%dma_wait3A_44] : memref<10080xi32, #tpu.memory_space<vmem>> -> memref<72xi32, #tpu.memory_space<vmem>>
    %dma_wait3A_46 = arith.constant 0 : i32
    %dma_wait3A_47 = arith.constant 0 : i32
    %dma_wait3A_48 = tpu.memref_slice %arg2[%dma_wait3A_46, %dma_wait3A_47] : memref<10240x128xf32, #tpu.memory_space<hbm>> -> memref<10240x128xf32, #tpu.memory_space<hbm>>
    tpu.wait_indirect_dma semaphore(%arg17 : memref<!tpu.dma_semaphore, #tpu.memory_space<semaphore_mem>>) src(%dma_wait3A_48 : memref<10240x128xf32, #tpu.memory_space<hbm>>) dst(%arg13 : memref<72x128xf32, #tpu.memory_space<vmem>>)
    %dma_wait3A_49 = arith.constant 0 : i32
    %dma_wait3A_50 = arith.constant 0 : i32
    %dma_wait3A_51 = tpu.memref_slice %arg5[%add3A, %dma_wait3A_49, %dma_wait3A_50] : memref<32x140x72xi32, #tpu.memory_space<hbm>> -> memref<1x1x72xi32, #tpu.memory_space<hbm>>
    %dma_wait3A_52 = tpu.memref_squeeze %dma_wait3A_51 : memref<1x1x72xi32, #tpu.memory_space<hbm>> -> memref<72xi32, #tpu.memory_space<hbm>>
    %dma_wait3A_53 = arith.constant 0 : i32
    %dma_wait3A_54 = tpu.memref_slice %arg5[%add3A, %dma_wait3A_49, %dma_wait3A_53] : memref<32x140x72xi32, #tpu.memory_space<hbm>> -> memref<1x1x72xi32, #tpu.memory_space<hbm>>
    %dma_wait3A_55 = tpu.memref_squeeze %dma_wait3A_54 : memref<1x1x72xi32, #tpu.memory_space<hbm>> -> memref<72xi32, #tpu.memory_space<hbm>>
    tpu.wait_dma2 semaphore(%arg25 : memref<!tpu.dma_semaphore, #tpu.memory_space<semaphore_mem>>) src(%dma_wait3A_55 : memref<72xi32, #tpu.memory_space<hbm>>) dst(%arg9 : memref<72xi32, #tpu.memory_space<vmem>>)
    %dma_start3A_56 = arith.constant 0 : i32
    %dma_start3A_57 = arith.constant 0 : i32
    %dma_start3A_58 = tpu.memref_slice %arg7[%dma_start3A_56, %dma_start3A_57] : memref<10240x128xf32, #tpu.memory_space<vmem_shared>> -> memref<10240x128xf32, #tpu.memory_space<vmem_shared>>
    tpu.enqueue_indirect_dma source(%arg13 : memref<72x128xf32, #tpu.memory_space<vmem>>) target(%dma_start3A_58 : memref<10240x128xf32, #tpu.memory_space<vmem_shared>>) offsets(%arg9 : memref<72xi32, #tpu.memory_space<vmem>>) semaphore(%arg21 : memref<!tpu.dma_semaphore, #tpu.memory_space<semaphore_mem>>) {add = true}
    %dma_start3A_59 = arith.constant 2 : i32
    %dma_start3A_60 = arith.constant 0 : i32
    %dma_start3A_61 = tpu.memref_slice %arg5[%add3A, %dma_start3A_59, %dma_start3A_60] : memref<32x140x72xi32, #tpu.memory_space<hbm>> -> memref<1x1x72xi32, #tpu.memory_space<hbm>>
    %dma_start3A_62 = tpu.memref_squeeze %dma_start3A_61 : memref<1x1x72xi32, #tpu.memory_space<hbm>> -> memref<72xi32, #tpu.memory_space<hbm>>
    %dma_start3A_63 = arith.constant 0 : i32
    %dma_start3A_64 = tpu.memref_slice %arg5[%add3A, %dma_start3A_59, %dma_start3A_63] : memref<32x140x72xi32, #tpu.memory_space<hbm>> -> memref<1x1x72xi32, #tpu.memory_space<hbm>>
    %dma_start3A_65 = tpu.memref_squeeze %dma_start3A_64 : memref<1x1x72xi32, #tpu.memory_space<hbm>> -> memref<72xi32, #tpu.memory_space<hbm>>
    tpu.enqueue_dma source(%dma_start3A_65 : memref<72xi32, #tpu.memory_space<hbm>>) target(%arg11 : memref<72xi32, #tpu.memory_space<vmem>>) target_semaphore(%arg27 : memref<!tpu.dma_semaphore, #tpu.memory_space<semaphore_mem>>)
    %dma_start3A_66 = arith.constant 144 : i32
    %dma_start3A_67 = tpu.memref_slice %arg8[%dma_start3A_66] : memref<10080xi32, #tpu.memory_space<vmem>> -> memref<72xi32, #tpu.memory_space<vmem>>
    %dma_start3A_68 = arith.constant 0 : i32
    %dma_start3A_69 = arith.constant 0 : i32
    %dma_start3A_70 = tpu.memref_slice %arg2[%dma_start3A_68, %dma_start3A_69] : memref<10240x128xf32, #tpu.memory_space<hbm>> -> memref<10240x128xf32, #tpu.memory_space<hbm>>
    tpu.enqueue_indirect_dma source(%dma_start3A_70 : memref<10240x128xf32, #tpu.memory_space<hbm>>) target(%arg15 : memref<72x128xf32, #tpu.memory_space<vmem>>) offsets(%dma_start3A_67 : memref<72xi32, #tpu.memory_space<vmem>>) semaphore(%arg19 : memref<!tpu.dma_semaphore, #tpu.memory_space<semaphore_mem>>)
    %dma_wait3A_71 = arith.constant 72 : i32
    %dma_wait3A_72 = tpu.memref_slice %arg8[%dma_wait3A_71] : memref<10080xi32, #tpu.memory_space<vmem>> -> memref<72xi32, #tpu.memory_space<vmem>>
    %dma_wait3A_73 = arith.constant 0 : i32
    %dma_wait3A_74 = arith.constant 0 : i32
    %dma_wait3A_75 = tpu.memref_slice %arg2[%dma_wait3A_73, %dma_wait3A_74] : memref<10240x128xf32, #tpu.memory_space<hbm>> -> memref<10240x128xf32, #tpu.memory_space<hbm>>
    tpu.wait_indirect_dma semaphore(%arg18 : memref<!tpu.dma_semaphore, #tpu.memory_space<semaphore_mem>>) src(%dma_wait3A_75 : memref<10240x128xf32, #tpu.memory_space<hbm>>) dst(%arg14 : memref<72x128xf32, #tpu.memory_space<vmem>>)
    %dma_wait3A_76 = arith.constant 0 : i32
    %dma_wait3A_77 = arith.constant 0 : i32
    %dma_wait3A_78 = tpu.memref_slice %arg5[%add3A, %dma_wait3A_76, %dma_wait3A_77] : memref<32x140x72xi32, #tpu.memory_space<hbm>> -> memref<1x1x72xi32, #tpu.memory_space<hbm>>
    %dma_wait3A_79 = tpu.memref_squeeze %dma_wait3A_78 : memref<1x1x72xi32, #tpu.memory_space<hbm>> -> memref<72xi32, #tpu.memory_space<hbm>>
    %dma_wait3A_80 = arith.constant 0 : i32
    %dma_wait3A_81 = tpu.memref_slice %arg5[%add3A, %dma_wait3A_76, %dma_wait3A_80] : memref<32x140x72xi32, #tpu.memory_space<hbm>> -> memref<1x1x72xi32, #tpu.memory_space<hbm>>
    %dma_wait3A_82 = tpu.memref_squeeze %dma_wait3A_81 : memref<1x1x72xi32, #tpu.memory_space<hbm>> -> memref<72xi32, #tpu.memory_space<hbm>>
    tpu.wait_dma2 semaphore(%arg26 : memref<!tpu.dma_semaphore, #tpu.memory_space<semaphore_mem>>) src(%dma_wait3A_82 : memref<72xi32, #tpu.memory_space<hbm>>) dst(%arg10 : memref<72xi32, #tpu.memory_space<vmem>>)
    %dma_start3A_83 = arith.constant 0 : i32
    %dma_start3A_84 = arith.constant 0 : i32
    %dma_start3A_85 = tpu.memref_slice %arg7[%dma_start3A_83, %dma_start3A_84] : memref<10240x128xf32, #tpu.memory_space<vmem_shared>> -> memref<10240x128xf32, #tpu.memory_space<vmem_shared>>
    tpu.enqueue_indirect_dma source(%arg14 : memref<72x128xf32, #tpu.memory_space<vmem>>) target(%dma_start3A_85 : memref<10240x128xf32, #tpu.memory_space<vmem_shared>>) offsets(%arg10 : memref<72xi32, #tpu.memory_space<vmem>>) semaphore(%arg22 : memref<!tpu.dma_semaphore, #tpu.memory_space<semaphore_mem>>) {add = true}
    %dma_start3A_86 = arith.constant 3 : i32
    %dma_start3A_87 = arith.constant 0 : i32
    %dma_start3A_88 = tpu.memref_slice %arg5[%add3A, %dma_start3A_86, %dma_start3A_87] : memref<32x140x72xi32, #tpu.memory_space<hbm>> -> memref<1x1x72xi32, #tpu.memory_space<hbm>>
    %dma_start3A_89 = tpu.memref_squeeze %dma_start3A_88 : memref<1x1x72xi32, #tpu.memory_space<hbm>> -> memref<72xi32, #tpu.memory_space<hbm>>
    %dma_start3A_90 = arith.constant 0 : i32
    %dma_start3A_91 = tpu.memref_slice %arg5[%add3A, %dma_start3A_86, %dma_start3A_90] : memref<32x140x72xi32, #tpu.memory_space<hbm>> -> memref<1x1x72xi32, #tpu.memory_space<hbm>>
    %dma_start3A_92 = tpu.memref_squeeze %dma_start3A_91 : memref<1x1x72xi32, #tpu.memory_space<hbm>> -> memref<72xi32, #tpu.memory_space<hbm>>
    tpu.enqueue_dma source(%dma_start3A_92 : memref<72xi32, #tpu.memory_space<hbm>>) target(%arg12 : memref<72xi32, #tpu.memory_space<vmem>>) target_semaphore(%arg28 : memref<!tpu.dma_semaphore, #tpu.memory_space<semaphore_mem>>)
    %dma_start3A_93 = arith.constant 216 : i32
    %dma_start3A_94 = tpu.memref_slice %arg8[%dma_start3A_93] : memref<10080xi32, #tpu.memory_space<vmem>> -> memref<72xi32, #tpu.memory_space<vmem>>
    %dma_start3A_95 = arith.constant 0 : i32
    %dma_start3A_96 = arith.constant 0 : i32
    %dma_start3A_97 = tpu.memref_slice %arg2[%dma_start3A_95, %dma_start3A_96] : memref<10240x128xf32, #tpu.memory_space<hbm>> -> memref<10240x128xf32, #tpu.memory_space<hbm>>
    tpu.enqueue_indirect_dma source(%dma_start3A_97 : memref<10240x128xf32, #tpu.memory_space<hbm>>) target(%arg16 : memref<72x128xf32, #tpu.memory_space<vmem>>) offsets(%dma_start3A_94 : memref<72xi32, #tpu.memory_space<vmem>>) semaphore(%arg20 : memref<!tpu.dma_semaphore, #tpu.memory_space<semaphore_mem>>)
    %dma_wait3A_98 = arith.constant 144 : i32
    %dma_wait3A_99 = tpu.memref_slice %arg8[%dma_wait3A_98] : memref<10080xi32, #tpu.memory_space<vmem>> -> memref<72xi32, #tpu.memory_space<vmem>>
    %dma_wait3A_100 = arith.constant 0 : i32
    %dma_wait3A_101 = arith.constant 0 : i32
    %dma_wait3A_102 = tpu.memref_slice %arg2[%dma_wait3A_100, %dma_wait3A_101] : memref<10240x128xf32, #tpu.memory_space<hbm>> -> memref<10240x128xf32, #tpu.memory_space<hbm>>
    tpu.wait_indirect_dma semaphore(%arg19 : memref<!tpu.dma_semaphore, #tpu.memory_space<semaphore_mem>>) src(%dma_wait3A_102 : memref<10240x128xf32, #tpu.memory_space<hbm>>) dst(%arg15 : memref<72x128xf32, #tpu.memory_space<vmem>>)
    %dma_wait3A_103 = arith.constant 0 : i32
    %dma_wait3A_104 = arith.constant 0 : i32
    %dma_wait3A_105 = tpu.memref_slice %arg5[%add3A, %dma_wait3A_103, %dma_wait3A_104] : memref<32x140x72xi32, #tpu.memory_space<hbm>> -> memref<1x1x72xi32, #tpu.memory_space<hbm>>
    %dma_wait3A_106 = tpu.memref_squeeze %dma_wait3A_105 : memref<1x1x72xi32, #tpu.memory_space<hbm>> -> memref<72xi32, #tpu.memory_space<hbm>>
    %dma_wait3A_107 = arith.constant 0 : i32
    %dma_wait3A_108 = tpu.memref_slice %arg5[%add3A, %dma_wait3A_103, %dma_wait3A_107] : memref<32x140x72xi32, #tpu.memory_space<hbm>> -> memref<1x1x72xi32, #tpu.memory_space<hbm>>
    %dma_wait3A_109 = tpu.memref_squeeze %dma_wait3A_108 : memref<1x1x72xi32, #tpu.memory_space<hbm>> -> memref<72xi32, #tpu.memory_space<hbm>>
    tpu.wait_dma2 semaphore(%arg27 : memref<!tpu.dma_semaphore, #tpu.memory_space<semaphore_mem>>) src(%dma_wait3A_109 : memref<72xi32, #tpu.memory_space<hbm>>) dst(%arg11 : memref<72xi32, #tpu.memory_space<vmem>>)
    %dma_start3A_110 = arith.constant 0 : i32
    %dma_start3A_111 = arith.constant 0 : i32
    %dma_start3A_112 = tpu.memref_slice %arg7[%dma_start3A_110, %dma_start3A_111] : memref<10240x128xf32, #tpu.memory_space<vmem_shared>> -> memref<10240x128xf32, #tpu.memory_space<vmem_shared>>
    tpu.enqueue_indirect_dma source(%arg15 : memref<72x128xf32, #tpu.memory_space<vmem>>) target(%dma_start3A_112 : memref<10240x128xf32, #tpu.memory_space<vmem_shared>>) offsets(%arg11 : memref<72xi32, #tpu.memory_space<vmem>>) semaphore(%arg23 : memref<!tpu.dma_semaphore, #tpu.memory_space<semaphore_mem>>) {add = true}
    %dma_wait3A_113 = arith.constant 0 : i32
    %dma_wait3A_114 = arith.constant 0 : i32
    %dma_wait3A_115 = tpu.memref_slice %arg7[%dma_wait3A_113, %dma_wait3A_114] : memref<10240x128xf32, #tpu.memory_space<vmem_shared>> -> memref<10240x128xf32, #tpu.memory_space<vmem_shared>>
    tpu.wait_indirect_dma semaphore(%arg21 : memref<!tpu.dma_semaphore, #tpu.memory_space<semaphore_mem>>) src(%arg13 : memref<72x128xf32, #tpu.memory_space<vmem>>) dst(%dma_wait3A_115 : memref<10240x128xf32, #tpu.memory_space<vmem_shared>>)
    %dma_start3A_116 = arith.constant 4 : i32
    %dma_start3A_117 = arith.constant 0 : i32
    %dma_start3A_118 = tpu.memref_slice %arg5[%add3A, %dma_start3A_116, %dma_start3A_117] : memref<32x140x72xi32, #tpu.memory_space<hbm>> -> memref<1x1x72xi32, #tpu.memory_space<hbm>>
    %dma_start3A_119 = tpu.memref_squeeze %dma_start3A_118 : memref<1x1x72xi32, #tpu.memory_space<hbm>> -> memref<72xi32, #tpu.memory_space<hbm>>
    %dma_start3A_120 = arith.constant 0 : i32
    %dma_start3A_121 = tpu.memref_slice %arg5[%add3A, %dma_start3A_116, %dma_start3A_120] : memref<32x140x72xi32, #tpu.memory_space<hbm>> -> memref<1x1x72xi32, #tpu.memory_space<hbm>>
    %dma_start3A_122 = tpu.memref_squeeze %dma_start3A_121 : memref<1x1x72xi32, #tpu.memory_space<hbm>> -> memref<72xi32, #tpu.memory_space<hbm>>
    tpu.enqueue_dma source(%dma_start3A_122 : memref<72xi32, #tpu.memory_space<hbm>>) target(%arg9 : memref<72xi32, #tpu.memory_space<vmem>>) target_semaphore(%arg25 : memref<!tpu.dma_semaphore, #tpu.memory_space<semaphore_mem>>)
    %dma_start3A_123 = arith.constant 288 : i32
    %dma_start3A_124 = tpu.memref_slice %arg8[%dma_start3A_123] : memref<10080xi32, #tpu.memory_space<vmem>> -> memref<72xi32, #tpu.memory_space<vmem>>
    %dma_start3A_125 = arith.constant 0 : i32
    %dma_start3A_126 = arith.constant 0 : i32
    %dma_start3A_127 = tpu.memref_slice %arg2[%dma_start3A_125, %dma_start3A_126] : memref<10240x128xf32, #tpu.memory_space<hbm>> -> memref<10240x128xf32, #tpu.memory_space<hbm>>
    tpu.enqueue_indirect_dma source(%dma_start3A_127 : memref<10240x128xf32, #tpu.memory_space<hbm>>) target(%arg13 : memref<72x128xf32, #tpu.memory_space<vmem>>) offsets(%dma_start3A_124 : memref<72xi32, #tpu.memory_space<vmem>>) semaphore(%arg17 : memref<!tpu.dma_semaphore, #tpu.memory_space<semaphore_mem>>)
    %dma_wait3A_128 = arith.constant 216 : i32
    %dma_wait3A_129 = tpu.memref_slice %arg8[%dma_wait3A_128] : memref<10080xi32, #tpu.memory_space<vmem>> -> memref<72xi32, #tpu.memory_space<vmem>>
    %dma_wait3A_130 = arith.constant 0 : i32
    %dma_wait3A_131 = arith.constant 0 : i32
    %dma_wait3A_132 = tpu.memref_slice %arg2[%dma_wait3A_130, %dma_wait3A_131] : memref<10240x128xf32, #tpu.memory_space<hbm>> -> memref<10240x128xf32, #tpu.memory_space<hbm>>
    tpu.wait_indirect_dma semaphore(%arg20 : memref<!tpu.dma_semaphore, #tpu.memory_space<semaphore_mem>>) src(%dma_wait3A_132 : memref<10240x128xf32, #tpu.memory_space<hbm>>) dst(%arg16 : memref<72x128xf32, #tpu.memory_space<vmem>>)
    %dma_wait3A_133 = arith.constant 0 : i32
    %dma_wait3A_134 = arith.constant 0 : i32
    %dma_wait3A_135 = tpu.memref_slice %arg5[%add3A, %dma_wait3A_133, %dma_wait3A_134] : memref<32x140x72xi32, #tpu.memory_space<hbm>> -> memref<1x1x72xi32, #tpu.memory_space<hbm>>
    %dma_wait3A_136 = tpu.memref_squeeze %dma_wait3A_135 : memref<1x1x72xi32, #tpu.memory_space<hbm>> -> memref<72xi32, #tpu.memory_space<hbm>>
    %dma_wait3A_137 = arith.constant 0 : i32
    %dma_wait3A_138 = tpu.memref_slice %arg5[%add3A, %dma_wait3A_133, %dma_wait3A_137] : memref<32x140x72xi32, #tpu.memory_space<hbm>> -> memref<1x1x72xi32, #tpu.memory_space<hbm>>
    %dma_wait3A_139 = tpu.memref_squeeze %dma_wait3A_138 : memref<1x1x72xi32, #tpu.memory_space<hbm>> -> memref<72xi32, #tpu.memory_space<hbm>>
    tpu.wait_dma2 semaphore(%arg28 : memref<!tpu.dma_semaphore, #tpu.memory_space<semaphore_mem>>) src(%dma_wait3A_139 : memref<72xi32, #tpu.memory_space<hbm>>) dst(%arg12 : memref<72xi32, #tpu.memory_space<vmem>>)
    %dma_start3A_140 = arith.constant 0 : i32
    %dma_start3A_141 = arith.constant 0 : i32
    %dma_start3A_142 = tpu.memref_slice %arg7[%dma_start3A_140, %dma_start3A_141] : memref<10240x128xf32, #tpu.memory_space<vmem_shared>> -> memref<10240x128xf32, #tpu.memory_space<vmem_shared>>
    tpu.enqueue_indirect_dma source(%arg16 : memref<72x128xf32, #tpu.memory_space<vmem>>) target(%dma_start3A_142 : memref<10240x128xf32, #tpu.memory_space<vmem_shared>>) offsets(%arg12 : memref<72xi32, #tpu.memory_space<vmem>>) semaphore(%arg24 : memref<!tpu.dma_semaphore, #tpu.memory_space<semaphore_mem>>) {add = true}
    %dma_wait3A_143 = arith.constant 0 : i32
    %dma_wait3A_144 = arith.constant 0 : i32
    %dma_wait3A_145 = tpu.memref_slice %arg7[%dma_wait3A_143, %dma_wait3A_144] : memref<10240x128xf32, #tpu.memory_space<vmem_shared>> -> memref<10240x128xf32, #tpu.memory_space<vmem_shared>>
    tpu.wait_indirect_dma semaphore(%arg22 : memref<!tpu.dma_semaphore, #tpu.memory_space<semaphore_mem>>) src(%arg14 : memref<72x128xf32, #tpu.memory_space<vmem>>) dst(%dma_wait3A_145 : memref<10240x128xf32, #tpu.memory_space<vmem_shared>>)
    %dma_start3A_146 = arith.constant 5 : i32
    %dma_start3A_147 = arith.constant 0 : i32
    %dma_start3A_148 = tpu.memref_slice %arg5[%add3A, %dma_start3A_146, %dma_start3A_147] : memref<32x140x72xi32, #tpu.memory_space<hbm>> -> memref<1x1x72xi32, #tpu.memory_space<hbm>>
    %dma_start3A_149 = tpu.memref_squeeze %dma_start3A_148 : memref<1x1x72xi32, #tpu.memory_space<hbm>> -> memref<72xi32, #tpu.memory_space<hbm>>
    %dma_start3A_150 = arith.constant 0 : i32
    %dma_start3A_151 = tpu.memref_slice %arg5[%add3A, %dma_start3A_146, %dma_start3A_150] : memref<32x140x72xi32, #tpu.memory_space<hbm>> -> memref<1x1x72xi32, #tpu.memory_space<hbm>>
    %dma_start3A_152 = tpu.memref_squeeze %dma_start3A_151 : memref<1x1x72xi32, #tpu.memory_space<hbm>> -> memref<72xi32, #tpu.memory_space<hbm>>
    tpu.enqueue_dma source(%dma_start3A_152 : memref<72xi32, #tpu.memory_space<hbm>>) target(%arg10 : memref<72xi32, #tpu.memory_space<vmem>>) target_semaphore(%arg26 : memref<!tpu.dma_semaphore, #tpu.memory_space<semaphore_mem>>)
    %dma_start3A_153 = arith.constant 360 : i32
    %dma_start3A_154 = tpu.memref_slice %arg8[%dma_start3A_153] : memref<10080xi32, #tpu.memory_space<vmem>> -> memref<72xi32, #tpu.memory_space<vmem>>
    %dma_start3A_155 = arith.constant 0 : i32
    %dma_start3A_156 = arith.constant 0 : i32
    %dma_start3A_157 = tpu.memref_slice %arg2[%dma_start3A_155, %dma_start3A_156] : memref<10240x128xf32, #tpu.memory_space<hbm>> -> memref<10240x128xf32, #tpu.memory_space<hbm>>
    tpu.enqueue_indirect_dma source(%dma_start3A_157 : memref<10240x128xf32, #tpu.memory_space<hbm>>) target(%arg14 : memref<72x128xf32, #tpu.memory_space<vmem>>) offsets(%dma_start3A_154 : memref<72xi32, #tpu.memory_space<vmem>>) semaphore(%arg18 : memref<!tpu.dma_semaphore, #tpu.memory_space<semaphore_mem>>)
    %scan3A = arith.constant 0 : i32
    %scan3A_158 = arith.constant 1 : i32
    %scan3A_159 = arith.constant 34 : i32
    %scan3A_160 = arith.addi %scan3A_158, %scan3A_159 : i32
    %scan3A_161 = arith.constant 1 : i32
    scf.for %scan3A_170 = %scan3A_158 to %scan3A_160 step %scan3A_161  : i32 {
      %mul3A_171 = arith.constant 4 : i32
      %mul3A_172 = arith.muli %mul3A_171, %scan3A_170 : i32
      %add3A_173 = arith.constant 0 : i32
      %add3A_174 = arith.addi %mul3A_172, %add3A_173 : i32
      %mul3A_175 = arith.constant 72 : i32
      %mul3A_176 = arith.muli %add3A_174, %mul3A_175 : i32
      %dma_wait3A_177 = tpu.memref_slice %arg8[%mul3A_176] : memref<10080xi32, #tpu.memory_space<vmem>> -> memref<72xi32, #tpu.memory_space<vmem>>
      %dma_wait3A_178 = arith.constant 0 : i32
      %dma_wait3A_179 = arith.constant 0 : i32
      %dma_wait3A_180 = tpu.memref_slice %arg2[%dma_wait3A_178, %dma_wait3A_179] : memref<10240x128xf32, #tpu.memory_space<hbm>> -> memref<10240x128xf32, #tpu.memory_space<hbm>>
      tpu.wait_indirect_dma semaphore(%arg17 : memref<!tpu.dma_semaphore, #tpu.memory_space<semaphore_mem>>) src(%dma_wait3A_180 : memref<10240x128xf32, #tpu.memory_space<hbm>>) dst(%arg13 : memref<72x128xf32, #tpu.memory_space<vmem>>)
      %dma_wait3A_181 = arith.constant 0 : i32
      %dma_wait3A_182 = arith.constant 0 : i32
      %dma_wait3A_183 = tpu.memref_slice %arg5[%add3A, %dma_wait3A_181, %dma_wait3A_182] : memref<32x140x72xi32, #tpu.memory_space<hbm>> -> memref<1x1x72xi32, #tpu.memory_space<hbm>>
      %dma_wait3A_184 = tpu.memref_squeeze %dma_wait3A_183 : memref<1x1x72xi32, #tpu.memory_space<hbm>> -> memref<72xi32, #tpu.memory_space<hbm>>
      %dma_wait3A_185 = arith.constant 0 : i32
      %dma_wait3A_186 = tpu.memref_slice %arg5[%add3A, %dma_wait3A_181, %dma_wait3A_185] : memref<32x140x72xi32, #tpu.memory_space<hbm>> -> memref<1x1x72xi32, #tpu.memory_space<hbm>>
      %dma_wait3A_187 = tpu.memref_squeeze %dma_wait3A_186 : memref<1x1x72xi32, #tpu.memory_space<hbm>> -> memref<72xi32, #tpu.memory_space<hbm>>
      tpu.wait_dma2 semaphore(%arg25 : memref<!tpu.dma_semaphore, #tpu.memory_space<semaphore_mem>>) src(%dma_wait3A_187 : memref<72xi32, #tpu.memory_space<hbm>>) dst(%arg9 : memref<72xi32, #tpu.memory_space<vmem>>)
      %dma_start3A_188 = arith.constant 0 : i32
      %dma_start3A_189 = arith.constant 0 : i32
      %dma_start3A_190 = tpu.memref_slice %arg7[%dma_start3A_188, %dma_start3A_189] : memref<10240x128xf32, #tpu.memory_space<vmem_shared>> -> memref<10240x128xf32, #tpu.memory_space<vmem_shared>>
      tpu.enqueue_indirect_dma source(%arg13 : memref<72x128xf32, #tpu.memory_space<vmem>>) target(%dma_start3A_190 : memref<10240x128xf32, #tpu.memory_space<vmem_shared>>) offsets(%arg9 : memref<72xi32, #tpu.memory_space<vmem>>) semaphore(%arg21 : memref<!tpu.dma_semaphore, #tpu.memory_space<semaphore_mem>>) {add = true}
      %dma_wait3A_191 = arith.constant 0 : i32
      %dma_wait3A_192 = arith.constant 0 : i32
      %dma_wait3A_193 = tpu.memref_slice %arg7[%dma_wait3A_191, %dma_wait3A_192] : memref<10240x128xf32, #tpu.memory_space<vmem_shared>> -> memref<10240x128xf32, #tpu.memory_space<vmem_shared>>
      tpu.wait_indirect_dma semaphore(%arg23 : memref<!tpu.dma_semaphore, #tpu.memory_space<semaphore_mem>>) src(%arg15 : memref<72x128xf32, #tpu.memory_space<vmem>>) dst(%dma_wait3A_193 : memref<10240x128xf32, #tpu.memory_space<vmem_shared>>)
      %add3A_194 = arith.constant 2 : i32
      %add3A_195 = arith.addi %add3A_174, %add3A_194 : i32
      %lt3A = arith.constant 140 : i32
      %lt3A_196 = arith.cmpi slt, %add3A_195, %lt3A : i32
      %convert_element_type3A_197 = arith.extui %lt3A_196 : i1 to i32
      %cond3A_198 = arith.constant 0 : i32
      %cond3A_199 = arith.cmpi ne, %convert_element_type3A_197, %cond3A_198 : i32
      scf.if %cond3A_199 {
        %add3A_290 = arith.constant 2 : i32
        %add3A_291 = arith.addi %add3A_174, %add3A_290 : i32
        %dma_start3A_292 = arith.constant 0 : i32
        %dma_start3A_293 = tpu.memref_slice %arg5[%add3A, %add3A_291, %dma_start3A_292] : memref<32x140x72xi32, #tpu.memory_space<hbm>> -> memref<1x1x72xi32, #tpu.memory_space<hbm>>
        %dma_start3A_294 = tpu.memref_squeeze %dma_start3A_293 : memref<1x1x72xi32, #tpu.memory_space<hbm>> -> memref<72xi32, #tpu.memory_space<hbm>>
        %dma_start3A_295 = arith.constant 0 : i32
        %dma_start3A_296 = tpu.memref_slice %arg5[%add3A, %add3A_291, %dma_start3A_295] : memref<32x140x72xi32, #tpu.memory_space<hbm>> -> memref<1x1x72xi32, #tpu.memory_space<hbm>>
        %dma_start3A_297 = tpu.memref_squeeze %dma_start3A_296 : memref<1x1x72xi32, #tpu.memory_space<hbm>> -> memref<72xi32, #tpu.memory_space<hbm>>
        tpu.enqueue_dma source(%dma_start3A_297 : memref<72xi32, #tpu.memory_space<hbm>>) target(%arg11 : memref<72xi32, #tpu.memory_space<vmem>>) target_semaphore(%arg27 : memref<!tpu.dma_semaphore, #tpu.memory_space<semaphore_mem>>)
        %add3A_298 = arith.constant 2 : i32
        %add3A_299 = arith.addi %add3A_174, %add3A_298 : i32
        %mul3A_300 = arith.constant 72 : i32
        %mul3A_301 = arith.muli %add3A_299, %mul3A_300 : i32
        %dma_start3A_302 = tpu.memref_slice %arg8[%mul3A_301] : memref<10080xi32, #tpu.memory_space<vmem>> -> memref<72xi32, #tpu.memory_space<vmem>>
        %dma_start3A_303 = arith.constant 0 : i32
        %dma_start3A_304 = arith.constant 0 : i32
        %dma_start3A_305 = tpu.memref_slice %arg2[%dma_start3A_303, %dma_start3A_304] : memref<10240x128xf32, #tpu.memory_space<hbm>> -> memref<10240x128xf32, #tpu.memory_space<hbm>>
        tpu.enqueue_indirect_dma source(%dma_start3A_305 : memref<10240x128xf32, #tpu.memory_space<hbm>>) target(%arg15 : memref<72x128xf32, #tpu.memory_space<vmem>>) offsets(%dma_start3A_302 : memref<72xi32, #tpu.memory_space<vmem>>) semaphore(%arg19 : memref<!tpu.dma_semaphore, #tpu.memory_space<semaphore_mem>>)
      } else {
      }
      %mul3A_200 = arith.constant 4 : i32
      %mul3A_201 = arith.muli %mul3A_200, %scan3A_170 : i32
      %add3A_202 = arith.constant 1 : i32
      %add3A_203 = arith.addi %mul3A_201, %add3A_202 : i32
      %mul3A_204 = arith.constant 72 : i32
      %mul3A_205 = arith.muli %add3A_203, %mul3A_204 : i32
      %dma_wait3A_206 = tpu.memref_slice %arg8[%mul3A_205] : memref<10080xi32, #tpu.memory_space<vmem>> -> memref<72xi32, #tpu.memory_space<vmem>>
      %dma_wait3A_207 = arith.constant 0 : i32
      %dma_wait3A_208 = arith.constant 0 : i32
      %dma_wait3A_209 = tpu.memref_slice %arg2[%dma_wait3A_207, %dma_wait3A_208] : memref<10240x128xf32, #tpu.memory_space<hbm>> -> memref<10240x128xf32, #tpu.memory_space<hbm>>
      tpu.wait_indirect_dma semaphore(%arg18 : memref<!tpu.dma_semaphore, #tpu.memory_space<semaphore_mem>>) src(%dma_wait3A_209 : memref<10240x128xf32, #tpu.memory_space<hbm>>) dst(%arg14 : memref<72x128xf32, #tpu.memory_space<vmem>>)
      %dma_wait3A_210 = arith.constant 0 : i32
      %dma_wait3A_211 = arith.constant 0 : i32
      %dma_wait3A_212 = tpu.memref_slice %arg5[%add3A, %dma_wait3A_210, %dma_wait3A_211] : memref<32x140x72xi32, #tpu.memory_space<hbm>> -> memref<1x1x72xi32, #tpu.memory_space<hbm>>
      %dma_wait3A_213 = tpu.memref_squeeze %dma_wait3A_212 : memref<1x1x72xi32, #tpu.memory_space<hbm>> -> memref<72xi32, #tpu.memory_space<hbm>>
      %dma_wait3A_214 = arith.constant 0 : i32
      %dma_wait3A_215 = tpu.memref_slice %arg5[%add3A, %dma_wait3A_210, %dma_wait3A_214] : memref<32x140x72xi32, #tpu.memory_space<hbm>> -> memref<1x1x72xi32, #tpu.memory_space<hbm>>
      %dma_wait3A_216 = tpu.memref_squeeze %dma_wait3A_215 : memref<1x1x72xi32, #tpu.memory_space<hbm>> -> memref<72xi32, #tpu.memory_space<hbm>>
      tpu.wait_dma2 semaphore(%arg26 : memref<!tpu.dma_semaphore, #tpu.memory_space<semaphore_mem>>) src(%dma_wait3A_216 : memref<72xi32, #tpu.memory_space<hbm>>) dst(%arg10 : memref<72xi32, #tpu.memory_space<vmem>>)
      %dma_start3A_217 = arith.constant 0 : i32
      %dma_start3A_218 = arith.constant 0 : i32
      %dma_start3A_219 = tpu.memref_slice %arg7[%dma_start3A_217, %dma_start3A_218] : memref<10240x128xf32, #tpu.memory_space<vmem_shared>> -> memref<10240x128xf32, #tpu.memory_space<vmem_shared>>
      tpu.enqueue_indirect_dma source(%arg14 : memref<72x128xf32, #tpu.memory_space<vmem>>) target(%dma_start3A_219 : memref<10240x128xf32, #tpu.memory_space<vmem_shared>>) offsets(%arg10 : memref<72xi32, #tpu.memory_space<vmem>>) semaphore(%arg22 : memref<!tpu.dma_semaphore, #tpu.memory_space<semaphore_mem>>) {add = true}
      %dma_wait3A_220 = arith.constant 0 : i32
      %dma_wait3A_221 = arith.constant 0 : i32
      %dma_wait3A_222 = tpu.memref_slice %arg7[%dma_wait3A_220, %dma_wait3A_221] : memref<10240x128xf32, #tpu.memory_space<vmem_shared>> -> memref<10240x128xf32, #tpu.memory_space<vmem_shared>>
      tpu.wait_indirect_dma semaphore(%arg24 : memref<!tpu.dma_semaphore, #tpu.memory_space<semaphore_mem>>) src(%arg16 : memref<72x128xf32, #tpu.memory_space<vmem>>) dst(%dma_wait3A_222 : memref<10240x128xf32, #tpu.memory_space<vmem_shared>>)
      %add3A_223 = arith.constant 2 : i32
      %add3A_224 = arith.addi %add3A_203, %add3A_223 : i32
      %lt3A_225 = arith.constant 140 : i32
      %lt3A_226 = arith.cmpi slt, %add3A_224, %lt3A_225 : i32
      %convert_element_type3A_227 = arith.extui %lt3A_226 : i1 to i32
      %cond3A_228 = arith.constant 0 : i32
      %cond3A_229 = arith.cmpi ne, %convert_element_type3A_227, %cond3A_228 : i32
      scf.if %cond3A_229 {
        %add3A_290 = arith.constant 2 : i32
        %add3A_291 = arith.addi %add3A_203, %add3A_290 : i32
        %dma_start3A_292 = arith.constant 0 : i32
        %dma_start3A_293 = tpu.memref_slice %arg5[%add3A, %add3A_291, %dma_start3A_292] : memref<32x140x72xi32, #tpu.memory_space<hbm>> -> memref<1x1x72xi32, #tpu.memory_space<hbm>>
        %dma_start3A_294 = tpu.memref_squeeze %dma_start3A_293 : memref<1x1x72xi32, #tpu.memory_space<hbm>> -> memref<72xi32, #tpu.memory_space<hbm>>
        %dma_start3A_295 = arith.constant 0 : i32
        %dma_start3A_296 = tpu.memref_slice %arg5[%add3A, %add3A_291, %dma_start3A_295] : memref<32x140x72xi32, #tpu.memory_space<hbm>> -> memref<1x1x72xi32, #tpu.memory_space<hbm>>
        %dma_start3A_297 = tpu.memref_squeeze %dma_start3A_296 : memref<1x1x72xi32, #tpu.memory_space<hbm>> -> memref<72xi32, #tpu.memory_space<hbm>>
        tpu.enqueue_dma source(%dma_start3A_297 : memref<72xi32, #tpu.memory_space<hbm>>) target(%arg12 : memref<72xi32, #tpu.memory_space<vmem>>) target_semaphore(%arg28 : memref<!tpu.dma_semaphore, #tpu.memory_space<semaphore_mem>>)
        %add3A_298 = arith.constant 2 : i32
        %add3A_299 = arith.addi %add3A_203, %add3A_298 : i32
        %mul3A_300 = arith.constant 72 : i32
        %mul3A_301 = arith.muli %add3A_299, %mul3A_300 : i32
        %dma_start3A_302 = tpu.memref_slice %arg8[%mul3A_301] : memref<10080xi32, #tpu.memory_space<vmem>> -> memref<72xi32, #tpu.memory_space<vmem>>
        %dma_start3A_303 = arith.constant 0 : i32
        %dma_start3A_304 = arith.constant 0 : i32
        %dma_start3A_305 = tpu.memref_slice %arg2[%dma_start3A_303, %dma_start3A_304] : memref<10240x128xf32, #tpu.memory_space<hbm>> -> memref<10240x128xf32, #tpu.memory_space<hbm>>
        tpu.enqueue_indirect_dma source(%dma_start3A_305 : memref<10240x128xf32, #tpu.memory_space<hbm>>) target(%arg16 : memref<72x128xf32, #tpu.memory_space<vmem>>) offsets(%dma_start3A_302 : memref<72xi32, #tpu.memory_space<vmem>>) semaphore(%arg20 : memref<!tpu.dma_semaphore, #tpu.memory_space<semaphore_mem>>)
      } else {
      }
      %mul3A_230 = arith.constant 4 : i32
      %mul3A_231 = arith.muli %mul3A_230, %scan3A_170 : i32
      %add3A_232 = arith.constant 2 : i32
      %add3A_233 = arith.addi %mul3A_231, %add3A_232 : i32
      %mul3A_234 = arith.constant 72 : i32
      %mul3A_235 = arith.muli %add3A_233, %mul3A_234 : i32
      %dma_wait3A_236 = tpu.memref_slice %arg8[%mul3A_235] : memref<10080xi32, #tpu.memory_space<vmem>> -> memref<72xi32, #tpu.memory_space<vmem>>
      %dma_wait3A_237 = arith.constant 0 : i32
      %dma_wait3A_238 = arith.constant 0 : i32
      %dma_wait3A_239 = tpu.memref_slice %arg2[%dma_wait3A_237, %dma_wait3A_238] : memref<10240x128xf32, #tpu.memory_space<hbm>> -> memref<10240x128xf32, #tpu.memory_space<hbm>>
      tpu.wait_indirect_dma semaphore(%arg19 : memref<!tpu.dma_semaphore, #tpu.memory_space<semaphore_mem>>) src(%dma_wait3A_239 : memref<10240x128xf32, #tpu.memory_space<hbm>>) dst(%arg15 : memref<72x128xf32, #tpu.memory_space<vmem>>)
      %dma_wait3A_240 = arith.constant 0 : i32
      %dma_wait3A_241 = arith.constant 0 : i32
      %dma_wait3A_242 = tpu.memref_slice %arg5[%add3A, %dma_wait3A_240, %dma_wait3A_241] : memref<32x140x72xi32, #tpu.memory_space<hbm>> -> memref<1x1x72xi32, #tpu.memory_space<hbm>>
      %dma_wait3A_243 = tpu.memref_squeeze %dma_wait3A_242 : memref<1x1x72xi32, #tpu.memory_space<hbm>> -> memref<72xi32, #tpu.memory_space<hbm>>
      %dma_wait3A_244 = arith.constant 0 : i32
      %dma_wait3A_245 = tpu.memref_slice %arg5[%add3A, %dma_wait3A_240, %dma_wait3A_244] : memref<32x140x72xi32, #tpu.memory_space<hbm>> -> memref<1x1x72xi32, #tpu.memory_space<hbm>>
      %dma_wait3A_246 = tpu.memref_squeeze %dma_wait3A_245 : memref<1x1x72xi32, #tpu.memory_space<hbm>> -> memref<72xi32, #tpu.memory_space<hbm>>
      tpu.wait_dma2 semaphore(%arg27 : memref<!tpu.dma_semaphore, #tpu.memory_space<semaphore_mem>>) src(%dma_wait3A_246 : memref<72xi32, #tpu.memory_space<hbm>>) dst(%arg11 : memref<72xi32, #tpu.memory_space<vmem>>)
      %dma_start3A_247 = arith.constant 0 : i32
      %dma_start3A_248 = arith.constant 0 : i32
      %dma_start3A_249 = tpu.memref_slice %arg7[%dma_start3A_247, %dma_start3A_248] : memref<10240x128xf32, #tpu.memory_space<vmem_shared>> -> memref<10240x128xf32, #tpu.memory_space<vmem_shared>>
      tpu.enqueue_indirect_dma source(%arg15 : memref<72x128xf32, #tpu.memory_space<vmem>>) target(%dma_start3A_249 : memref<10240x128xf32, #tpu.memory_space<vmem_shared>>) offsets(%arg11 : memref<72xi32, #tpu.memory_space<vmem>>) semaphore(%arg23 : memref<!tpu.dma_semaphore, #tpu.memory_space<semaphore_mem>>) {add = true}
      %dma_wait3A_250 = arith.constant 0 : i32
      %dma_wait3A_251 = arith.constant 0 : i32
      %dma_wait3A_252 = tpu.memref_slice %arg7[%dma_wait3A_250, %dma_wait3A_251] : memref<10240x128xf32, #tpu.memory_space<vmem_shared>> -> memref<10240x128xf32, #tpu.memory_space<vmem_shared>>
      tpu.wait_indirect_dma semaphore(%arg21 : memref<!tpu.dma_semaphore, #tpu.memory_space<semaphore_mem>>) src(%arg13 : memref<72x128xf32, #tpu.memory_space<vmem>>) dst(%dma_wait3A_252 : memref<10240x128xf32, #tpu.memory_space<vmem_shared>>)
      %add3A_253 = arith.constant 2 : i32
      %add3A_254 = arith.addi %add3A_233, %add3A_253 : i32
      %lt3A_255 = arith.constant 140 : i32
      %lt3A_256 = arith.cmpi slt, %add3A_254, %lt3A_255 : i32
      %convert_element_type3A_257 = arith.extui %lt3A_256 : i1 to i32
      %cond3A_258 = arith.constant 0 : i32
      %cond3A_259 = arith.cmpi ne, %convert_element_type3A_257, %cond3A_258 : i32
      scf.if %cond3A_259 {
        %add3A_290 = arith.constant 2 : i32
        %add3A_291 = arith.addi %add3A_233, %add3A_290 : i32
        %dma_start3A_292 = arith.constant 0 : i32
        %dma_start3A_293 = tpu.memref_slice %arg5[%add3A, %add3A_291, %dma_start3A_292] : memref<32x140x72xi32, #tpu.memory_space<hbm>> -> memref<1x1x72xi32, #tpu.memory_space<hbm>>
        %dma_start3A_294 = tpu.memref_squeeze %dma_start3A_293 : memref<1x1x72xi32, #tpu.memory_space<hbm>> -> memref<72xi32, #tpu.memory_space<hbm>>
        %dma_start3A_295 = arith.constant 0 : i32
        %dma_start3A_296 = tpu.memref_slice %arg5[%add3A, %add3A_291, %dma_start3A_295] : memref<32x140x72xi32, #tpu.memory_space<hbm>> -> memref<1x1x72xi32, #tpu.memory_space<hbm>>
        %dma_start3A_297 = tpu.memref_squeeze %dma_start3A_296 : memref<1x1x72xi32, #tpu.memory_space<hbm>> -> memref<72xi32, #tpu.memory_space<hbm>>
        tpu.enqueue_dma source(%dma_start3A_297 : memref<72xi32, #tpu.memory_space<hbm>>) target(%arg9 : memref<72xi32, #tpu.memory_space<vmem>>) target_semaphore(%arg25 : memref<!tpu.dma_semaphore, #tpu.memory_space<semaphore_mem>>)
        %add3A_298 = arith.constant 2 : i32
        %add3A_299 = arith.addi %add3A_233, %add3A_298 : i32
        %mul3A_300 = arith.constant 72 : i32
        %mul3A_301 = arith.muli %add3A_299, %mul3A_300 : i32
        %dma_start3A_302 = tpu.memref_slice %arg8[%mul3A_301] : memref<10080xi32, #tpu.memory_space<vmem>> -> memref<72xi32, #tpu.memory_space<vmem>>
        %dma_start3A_303 = arith.constant 0 : i32
        %dma_start3A_304 = arith.constant 0 : i32
        %dma_start3A_305 = tpu.memref_slice %arg2[%dma_start3A_303, %dma_start3A_304] : memref<10240x128xf32, #tpu.memory_space<hbm>> -> memref<10240x128xf32, #tpu.memory_space<hbm>>
        tpu.enqueue_indirect_dma source(%dma_start3A_305 : memref<10240x128xf32, #tpu.memory_space<hbm>>) target(%arg13 : memref<72x128xf32, #tpu.memory_space<vmem>>) offsets(%dma_start3A_302 : memref<72xi32, #tpu.memory_space<vmem>>) semaphore(%arg17 : memref<!tpu.dma_semaphore, #tpu.memory_space<semaphore_mem>>)
      } else {
      }
      %mul3A_260 = arith.constant 4 : i32
      %mul3A_261 = arith.muli %mul3A_260, %scan3A_170 : i32
      %add3A_262 = arith.constant 3 : i32
      %add3A_263 = arith.addi %mul3A_261, %add3A_262 : i32
      %mul3A_264 = arith.constant 72 : i32
      %mul3A_265 = arith.muli %add3A_263, %mul3A_264 : i32
      %dma_wait3A_266 = tpu.memref_slice %arg8[%mul3A_265] : memref<10080xi32, #tpu.memory_space<vmem>> -> memref<72xi32, #tpu.memory_space<vmem>>
      %dma_wait3A_267 = arith.constant 0 : i32
      %dma_wait3A_268 = arith.constant 0 : i32
      %dma_wait3A_269 = tpu.memref_slice %arg2[%dma_wait3A_267, %dma_wait3A_268] : memref<10240x128xf32, #tpu.memory_space<hbm>> -> memref<10240x128xf32, #tpu.memory_space<hbm>>
      tpu.wait_indirect_dma semaphore(%arg20 : memref<!tpu.dma_semaphore, #tpu.memory_space<semaphore_mem>>) src(%dma_wait3A_269 : memref<10240x128xf32, #tpu.memory_space<hbm>>) dst(%arg16 : memref<72x128xf32, #tpu.memory_space<vmem>>)
      %dma_wait3A_270 = arith.constant 0 : i32
      %dma_wait3A_271 = arith.constant 0 : i32
      %dma_wait3A_272 = tpu.memref_slice %arg5[%add3A, %dma_wait3A_270, %dma_wait3A_271] : memref<32x140x72xi32, #tpu.memory_space<hbm>> -> memref<1x1x72xi32, #tpu.memory_space<hbm>>
      %dma_wait3A_273 = tpu.memref_squeeze %dma_wait3A_272 : memref<1x1x72xi32, #tpu.memory_space<hbm>> -> memref<72xi32, #tpu.memory_space<hbm>>
      %dma_wait3A_274 = arith.constant 0 : i32
      %dma_wait3A_275 = tpu.memref_slice %arg5[%add3A, %dma_wait3A_270, %dma_wait3A_274] : memref<32x140x72xi32, #tpu.memory_space<hbm>> -> memref<1x1x72xi32, #tpu.memory_space<hbm>>
      %dma_wait3A_276 = tpu.memref_squeeze %dma_wait3A_275 : memref<1x1x72xi32, #tpu.memory_space<hbm>> -> memref<72xi32, #tpu.memory_space<hbm>>
      tpu.wait_dma2 semaphore(%arg28 : memref<!tpu.dma_semaphore, #tpu.memory_space<semaphore_mem>>) src(%dma_wait3A_276 : memref<72xi32, #tpu.memory_space<hbm>>) dst(%arg12 : memref<72xi32, #tpu.memory_space<vmem>>)
      %dma_start3A_277 = arith.constant 0 : i32
      %dma_start3A_278 = arith.constant 0 : i32
      %dma_start3A_279 = tpu.memref_slice %arg7[%dma_start3A_277, %dma_start3A_278] : memref<10240x128xf32, #tpu.memory_space<vmem_shared>> -> memref<10240x128xf32, #tpu.memory_space<vmem_shared>>
      tpu.enqueue_indirect_dma source(%arg16 : memref<72x128xf32, #tpu.memory_space<vmem>>) target(%dma_start3A_279 : memref<10240x128xf32, #tpu.memory_space<vmem_shared>>) offsets(%arg12 : memref<72xi32, #tpu.memory_space<vmem>>) semaphore(%arg24 : memref<!tpu.dma_semaphore, #tpu.memory_space<semaphore_mem>>) {add = true}
      %dma_wait3A_280 = arith.constant 0 : i32
      %dma_wait3A_281 = arith.constant 0 : i32
      %dma_wait3A_282 = tpu.memref_slice %arg7[%dma_wait3A_280, %dma_wait3A_281] : memref<10240x128xf32, #tpu.memory_space<vmem_shared>> -> memref<10240x128xf32, #tpu.memory_space<vmem_shared>>
      tpu.wait_indirect_dma semaphore(%arg22 : memref<!tpu.dma_semaphore, #tpu.memory_space<semaphore_mem>>) src(%arg14 : memref<72x128xf32, #tpu.memory_space<vmem>>) dst(%dma_wait3A_282 : memref<10240x128xf32, #tpu.memory_space<vmem_shared>>)
      %add3A_283 = arith.constant 2 : i32
      %add3A_284 = arith.addi %add3A_263, %add3A_283 : i32
      %lt3A_285 = arith.constant 140 : i32
      %lt3A_286 = arith.cmpi slt, %add3A_284, %lt3A_285 : i32
      %convert_element_type3A_287 = arith.extui %lt3A_286 : i1 to i32
      %cond3A_288 = arith.constant 0 : i32
      %cond3A_289 = arith.cmpi ne, %convert_element_type3A_287, %cond3A_288 : i32
      scf.if %cond3A_289 {
        %add3A_290 = arith.constant 2 : i32
        %add3A_291 = arith.addi %add3A_263, %add3A_290 : i32
        %dma_start3A_292 = arith.constant 0 : i32
        %dma_start3A_293 = tpu.memref_slice %arg5[%add3A, %add3A_291, %dma_start3A_292] : memref<32x140x72xi32, #tpu.memory_space<hbm>> -> memref<1x1x72xi32, #tpu.memory_space<hbm>>
        %dma_start3A_294 = tpu.memref_squeeze %dma_start3A_293 : memref<1x1x72xi32, #tpu.memory_space<hbm>> -> memref<72xi32, #tpu.memory_space<hbm>>
        %dma_start3A_295 = arith.constant 0 : i32
        %dma_start3A_296 = tpu.memref_slice %arg5[%add3A, %add3A_291, %dma_start3A_295] : memref<32x140x72xi32, #tpu.memory_space<hbm>> -> memref<1x1x72xi32, #tpu.memory_space<hbm>>
        %dma_start3A_297 = tpu.memref_squeeze %dma_start3A_296 : memref<1x1x72xi32, #tpu.memory_space<hbm>> -> memref<72xi32, #tpu.memory_space<hbm>>
        tpu.enqueue_dma source(%dma_start3A_297 : memref<72xi32, #tpu.memory_space<hbm>>) target(%arg10 : memref<72xi32, #tpu.memory_space<vmem>>) target_semaphore(%arg26 : memref<!tpu.dma_semaphore, #tpu.memory_space<semaphore_mem>>)
        %add3A_298 = arith.constant 2 : i32
        %add3A_299 = arith.addi %add3A_263, %add3A_298 : i32
        %mul3A_300 = arith.constant 72 : i32
        %mul3A_301 = arith.muli %add3A_299, %mul3A_300 : i32
        %dma_start3A_302 = tpu.memref_slice %arg8[%mul3A_301] : memref<10080xi32, #tpu.memory_space<vmem>> -> memref<72xi32, #tpu.memory_space<vmem>>
        %dma_start3A_303 = arith.constant 0 : i32
        %dma_start3A_304 = arith.constant 0 : i32
        %dma_start3A_305 = tpu.memref_slice %arg2[%dma_start3A_303, %dma_start3A_304] : memref<10240x128xf32, #tpu.memory_space<hbm>> -> memref<10240x128xf32, #tpu.memory_space<hbm>>
        tpu.enqueue_indirect_dma source(%dma_start3A_305 : memref<10240x128xf32, #tpu.memory_space<hbm>>) target(%arg14 : memref<72x128xf32, #tpu.memory_space<vmem>>) offsets(%dma_start3A_302 : memref<72xi32, #tpu.memory_space<vmem>>) semaphore(%arg18 : memref<!tpu.dma_semaphore, #tpu.memory_space<semaphore_mem>>)
      } else {
      }
    }
    %scan3A_162 = arith.constant 34 : i32
    %dma_wait3A_163 = arith.constant 0 : i32
    %dma_wait3A_164 = arith.constant 0 : i32
    %dma_wait3A_165 = tpu.memref_slice %arg7[%dma_wait3A_163, %dma_wait3A_164] : memref<10240x128xf32, #tpu.memory_space<vmem_shared>> -> memref<10240x128xf32, #tpu.memory_space<vmem_shared>>
    tpu.wait_indirect_dma semaphore(%arg23 : memref<!tpu.dma_semaphore, #tpu.memory_space<semaphore_mem>>) src(%arg15 : memref<72x128xf32, #tpu.memory_space<vmem>>) dst(%dma_wait3A_165 : memref<10240x128xf32, #tpu.memory_space<vmem_shared>>)
    %dma_wait3A_166 = arith.constant 0 : i32
    %dma_wait3A_167 = arith.constant 0 : i32
    %dma_wait3A_168 = tpu.memref_slice %arg7[%dma_wait3A_166, %dma_wait3A_167] : memref<10240x128xf32, #tpu.memory_space<vmem_shared>> -> memref<10240x128xf32, #tpu.memory_space<vmem_shared>>
    tpu.wait_indirect_dma semaphore(%arg24 : memref<!tpu.dma_semaphore, #tpu.memory_space<semaphore_mem>>) src(%arg16 : memref<72x128xf32, #tpu.memory_space<vmem>>) dst(%dma_wait3A_168 : memref<10240x128xf32, #tpu.memory_space<vmem_shared>>)
    %barrier3A_169 = arith.constant 0 : index
    tpu.barrier barrier_id(%barrier3A_169)
    "tpu.region"() ({
      %run_scoped3A = tpu.sem_alloc : memref<!tpu.dma_semaphore, #tpu.memory_space<semaphore_mem>>
      %dma_start3A_170 = arith.constant 0 : i32
      %dma_start3A_171 = arith.constant 0 : i32
      %dma_start3A_172 = tpu.memref_slice %arg6[%arg0, %dma_start3A_170, %dma_start3A_171] : memref<2x10240x128xf32, #tpu.memory_space<hbm>> -> memref<1x10240x128xf32, #tpu.memory_space<hbm>>
      %dma_start3A_173 = tpu.memref_squeeze %dma_start3A_172 : memref<1x10240x128xf32, #tpu.memory_space<hbm>> -> memref<10240x128xf32, #tpu.memory_space<hbm>>
      %dma_start3A_174 = arith.constant 0 : i32
      %dma_start3A_175 = tpu.memref_slice %dma_start3A_173[%mul3A_7, %dma_start3A_174] : memref<10240x128xf32, #tpu.memory_space<hbm>> -> memref<640x128xf32, #tpu.memory_space<hbm>>
      %dma_start3A_176 = arith.constant 0 : i32
      %dma_start3A_177 = tpu.memref_slice %arg7[%mul3A_7, %dma_start3A_176] : memref<10240x128xf32, #tpu.memory_space<vmem_shared>> -> memref<640x128xf32, #tpu.memory_space<vmem_shared>>
      tpu.enqueue_dma source(%dma_start3A_177 : memref<640x128xf32, #tpu.memory_space<vmem_shared>>) target(%dma_start3A_175 : memref<640x128xf32, #tpu.memory_space<hbm>>) target_semaphore(%run_scoped3A : memref<!tpu.dma_semaphore, #tpu.memory_space<semaphore_mem>>)
      %dma_wait3A_178 = arith.constant 0 : i32
      %dma_wait3A_179 = arith.constant 0 : i32
      %dma_wait3A_180 = tpu.memref_slice %arg6[%arg0, %dma_wait3A_178, %dma_wait3A_179] : memref<2x10240x128xf32, #tpu.memory_space<hbm>> -> memref<1x10240x128xf32, #tpu.memory_space<hbm>>
      %dma_wait3A_181 = tpu.memref_squeeze %dma_wait3A_180 : memref<1x10240x128xf32, #tpu.memory_space<hbm>> -> memref<10240x128xf32, #tpu.memory_space<hbm>>
      %dma_wait3A_182 = arith.constant 0 : i32
      %dma_wait3A_183 = tpu.memref_slice %dma_wait3A_181[%mul3A_7, %dma_wait3A_182] : memref<10240x128xf32, #tpu.memory_space<hbm>> -> memref<640x128xf32, #tpu.memory_space<hbm>>
      %dma_wait3A_184 = arith.constant 0 : i32
      %dma_wait3A_185 = tpu.memref_slice %arg7[%mul3A_7, %dma_wait3A_184] : memref<10240x128xf32, #tpu.memory_space<vmem_shared>> -> memref<640x128xf32, #tpu.memory_space<vmem_shared>>
      tpu.wait_dma2 semaphore(%run_scoped3A : memref<!tpu.dma_semaphore, #tpu.memory_space<semaphore_mem>>) src(%dma_wait3A_185 : memref<640x128xf32, #tpu.memory_space<vmem_shared>>) dst(%dma_wait3A_183 : memref<640x128xf32, #tpu.memory_space<hbm>>)
      tpu.yield
    }) : () -> ()
    return
  }
}

module attributes {stable_mosaic.version = 14 : i64} {
  func.func @_dense_body(%arg0: memref<2x10240x128xf32, #tpu.memory_space<vmem>>, %arg1: memref<128x128xf32, #tpu.memory_space<vmem>>, %arg2: memref<1x128xf32, #tpu.memory_space<vmem>>, %arg3: memref<1x128xf32, #tpu.memory_space<vmem>>, %arg4: memref<1x128xf32, #tpu.memory_space<vmem>>, %arg5: memref<10240x128xf32, #tpu.memory_space<vmem>>) attributes {dimension_semantics = [], scalar_prefetch = 0 : i64, scratch_operands = 0 : i64, tpu.core_type = #tpu.core_type<tc>} {
    %get3A = arith.constant 0 : index
    %get3A_0 = arith.constant 0 : index
    %get3A_1 = arith.constant 0 : index
    %get3A_2 = vector.load %arg0[%get3A, %get3A_0, %get3A_1] : memref<2x10240x128xf32, #tpu.memory_space<vmem>>, vector<1x10240x128xf32>
    %get3A_3 = vector.shape_cast %get3A_2 : vector<1x10240x128xf32> to vector<10240x128xf32>
    %get3A_4 = arith.constant 1 : index
    %get3A_5 = arith.constant 0 : index
    %get3A_6 = arith.constant 0 : index
    %get3A_7 = vector.load %arg0[%get3A_4, %get3A_5, %get3A_6] : memref<2x10240x128xf32, #tpu.memory_space<vmem>>, vector<1x10240x128xf32>
    %get3A_8 = vector.shape_cast %get3A_7 : vector<1x10240x128xf32> to vector<10240x128xf32>
    %add3A = arith.addf %get3A_3, %get3A_8 : vector<10240x128xf32>
    %get3A_9 = arith.constant 0 : index
    %get3A_10 = arith.constant 0 : index
    %get3A_11 = vector.load %arg1[%get3A_9, %get3A_10] : memref<128x128xf32, #tpu.memory_space<vmem>>, vector<128x128xf32>
    %dot_general3A = arith.constant dense<0.000000e+00> : vector<10240x128xf32>
    %dot_general3A_12 = tpu.matmul %add3A, %get3A_11, %dot_general3A {dimension_numbers = #tpu.dot_dimension_numbers<[1], [0], [0], [1], [0, 0, 1, 1], [], []>, transpose_lhs_hint = false} : vector<10240x128xf32>, vector<128x128xf32>, vector<10240x128xf32> -> vector<10240x128xf32>
    %get3A_13 = arith.constant 0 : index
    %get3A_14 = arith.constant 0 : index
    %get3A_15 = vector.load %arg2[%get3A_13, %get3A_14] : memref<1x128xf32, #tpu.memory_space<vmem>>, vector<1x128xf32>
    %add3A_16 = vector.broadcast %get3A_15 : vector<1x128xf32> to vector<10240x128xf32>
    %add3A_17 = arith.addf %dot_general3A_12, %add3A_16 : vector<10240x128xf32>
    %iota3A = tpu.iota {dimensions = array<i32: 0>} : vector<10240x1xi32>
    %lt3A = arith.constant 10000 : i32
    %lt3A_18 = vector.broadcast %lt3A : i32 to vector<10240x1xi32>
    %lt3A_19 = arith.cmpi slt, %iota3A, %lt3A_18 : vector<10240x1xi32>
    %convert_element_type3A = arith.extui %lt3A_19 : vector<10240x1xi1> to vector<10240x1xi32>
    %convert_element_type3A_20 = arith.sitofp %convert_element_type3A : vector<10240x1xi32> to vector<10240x1xf32>
    %mul3A = vector.broadcast %convert_element_type3A_20 : vector<10240x1xf32> to vector<10240x128xf32>
    %mul3A_21 = arith.mulf %add3A_17, %mul3A : vector<10240x128xf32>
    %reduce_sum3A = arith.constant dense<0.000000e+00> : vector<128xf32>
    %reduce_sum3A_22 = vector.multi_reduction <add>, %mul3A_21, %reduce_sum3A [0] : vector<10240x128xf32> to vector<128xf32>
    %broadcast_in_dim3A = vector.shape_cast %reduce_sum3A_22 : vector<128xf32> to vector<1x128xf32>
    %mul3A_23 = arith.mulf %mul3A_21, %mul3A_21 : vector<10240x128xf32>
    %reduce_sum3A_24 = arith.constant dense<0.000000e+00> : vector<128xf32>
    %reduce_sum3A_25 = vector.multi_reduction <add>, %mul3A_23, %reduce_sum3A_24 [0] : vector<10240x128xf32> to vector<128xf32>
    %broadcast_in_dim3A_26 = vector.shape_cast %reduce_sum3A_25 : vector<128xf32> to vector<1x128xf32>
    %div3A = arith.constant 1.000000e+04 : f32
    %div3A_27 = vector.broadcast %div3A : f32 to vector<1x128xf32>
    %div3A_28 = arith.divf %broadcast_in_dim3A, %div3A_27 : vector<1x128xf32>
    %div3A_29 = arith.constant 1.000000e+04 : f32
    %div3A_30 = vector.broadcast %div3A_29 : f32 to vector<1x128xf32>
    %div3A_31 = arith.divf %broadcast_in_dim3A_26, %div3A_30 : vector<1x128xf32>
    %mul3A_32 = arith.mulf %div3A_28, %div3A_28 : vector<1x128xf32>
    %sub3A = arith.subf %div3A_31, %mul3A_32 : vector<1x128xf32>
    %add3A_33 = arith.constant 9.99999974E-6 : f32
    %add3A_34 = vector.broadcast %add3A_33 : f32 to vector<1x128xf32>
    %add3A_35 = arith.addf %sub3A, %add3A_34 : vector<1x128xf32>
    %rsqrt3A = math.rsqrt %add3A_35 : vector<1x128xf32>
    %get3A_36 = arith.constant 0 : index
    %get3A_37 = arith.constant 0 : index
    %get3A_38 = vector.load %arg3[%get3A_36, %get3A_37] : memref<1x128xf32, #tpu.memory_space<vmem>>, vector<1x128xf32>
    %sub3A_39 = vector.broadcast %div3A_28 : vector<1x128xf32> to vector<10240x128xf32>
    %sub3A_40 = arith.subf %add3A_17, %sub3A_39 : vector<10240x128xf32>
    %mul3A_41 = vector.broadcast %get3A_38 : vector<1x128xf32> to vector<10240x128xf32>
    %mul3A_42 = arith.mulf %mul3A_41, %sub3A_40 : vector<10240x128xf32>
    %mul3A_43 = vector.broadcast %rsqrt3A : vector<1x128xf32> to vector<10240x128xf32>
    %mul3A_44 = arith.mulf %mul3A_42, %mul3A_43 : vector<10240x128xf32>
    %get3A_45 = arith.constant 0 : index
    %get3A_46 = arith.constant 0 : index
    %get3A_47 = vector.load %arg4[%get3A_45, %get3A_46] : memref<1x128xf32, #tpu.memory_space<vmem>>, vector<1x128xf32>
    %add3A_48 = vector.broadcast %get3A_47 : vector<1x128xf32> to vector<10240x128xf32>
    %add3A_49 = arith.addf %mul3A_44, %add3A_48 : vector<10240x128xf32>
    %max3A = arith.constant 0.000000e+00 : f32
    %max3A_50 = vector.broadcast %max3A : f32 to vector<10240x128xf32>
    %max3A_51 = arith.maximumf %add3A_49, %max3A_50 : vector<10240x128xf32>
    %mul3A_52 = vector.broadcast %convert_element_type3A_20 : vector<10240x1xf32> to vector<10240x128xf32>
    %mul3A_53 = arith.mulf %max3A_51, %mul3A_52 : vector<10240x128xf32>
    %swap3A = arith.constant 0 : index
    %swap3A_54 = arith.constant 0 : index
    %swap3A_55 = vector.load %arg5[%swap3A, %swap3A_54] : memref<10240x128xf32, #tpu.memory_space<vmem>>, vector<10240x128xf32>
    tpu.vector_store %arg5[%swap3A, %swap3A_54], %mul3A_53 {strides = array<i32>} : memref<10240x128xf32, #tpu.memory_space<vmem>>, vector<10240x128xf32>,
    return
  }
}

module attributes {stable_mosaic.version = 14 : i64} {
  func.func @_dense3_body(%arg0: memref<2x10240x128xf32, #tpu.memory_space<vmem>>, %arg1: memref<128x128xf32, #tpu.memory_space<vmem>>, %arg2: memref<1x128xf32, #tpu.memory_space<vmem>>, %arg3: memref<1x128xf32, #tpu.memory_space<vmem>>, %arg4: memref<1x128xf32, #tpu.memory_space<vmem>>, %arg5: memref<128x128xf32, #tpu.memory_space<vmem>>, %arg6: memref<1x128xf32, #tpu.memory_space<vmem>>, %arg7: memref<10240x128xf32, #tpu.memory_space<vmem>>) attributes {dimension_semantics = [], scalar_prefetch = 0 : i64, scratch_operands = 0 : i64, tpu.core_type = #tpu.core_type<tc>} {
    %get3A = arith.constant 0 : index
    %get3A_0 = arith.constant 0 : index
    %get3A_1 = arith.constant 0 : index
    %get3A_2 = vector.load %arg0[%get3A, %get3A_0, %get3A_1] : memref<2x10240x128xf32, #tpu.memory_space<vmem>>, vector<1x10240x128xf32>
    %get3A_3 = vector.shape_cast %get3A_2 : vector<1x10240x128xf32> to vector<10240x128xf32>
    %get3A_4 = arith.constant 1 : index
    %get3A_5 = arith.constant 0 : index
    %get3A_6 = arith.constant 0 : index
    %get3A_7 = vector.load %arg0[%get3A_4, %get3A_5, %get3A_6] : memref<2x10240x128xf32, #tpu.memory_space<vmem>>, vector<1x10240x128xf32>
    %get3A_8 = vector.shape_cast %get3A_7 : vector<1x10240x128xf32> to vector<10240x128xf32>
    %add3A = arith.addf %get3A_3, %get3A_8 : vector<10240x128xf32>
    %get3A_9 = arith.constant 0 : index
    %get3A_10 = arith.constant 0 : index
    %get3A_11 = vector.load %arg1[%get3A_9, %get3A_10] : memref<128x128xf32, #tpu.memory_space<vmem>>, vector<128x128xf32>
    %dot_general3A = arith.constant dense<0.000000e+00> : vector<10240x128xf32>
    %dot_general3A_12 = tpu.matmul %add3A, %get3A_11, %dot_general3A {dimension_numbers = #tpu.dot_dimension_numbers<[1], [0], [0], [1], [0, 0, 1, 1], [], []>, transpose_lhs_hint = false} : vector<10240x128xf32>, vector<128x128xf32>, vector<10240x128xf32> -> vector<10240x128xf32>
    %get3A_13 = arith.constant 0 : index
    %get3A_14 = arith.constant 0 : index
    %get3A_15 = vector.load %arg2[%get3A_13, %get3A_14] : memref<1x128xf32, #tpu.memory_space<vmem>>, vector<1x128xf32>
    %add3A_16 = vector.broadcast %get3A_15 : vector<1x128xf32> to vector<10240x128xf32>
    %add3A_17 = arith.addf %dot_general3A_12, %add3A_16 : vector<10240x128xf32>
    %iota3A = tpu.iota {dimensions = array<i32: 0>} : vector<10240x1xi32>
    %lt3A = arith.constant 10000 : i32
    %lt3A_18 = vector.broadcast %lt3A : i32 to vector<10240x1xi32>
    %lt3A_19 = arith.cmpi slt, %iota3A, %lt3A_18 : vector<10240x1xi32>
    %convert_element_type3A = arith.extui %lt3A_19 : vector<10240x1xi1> to vector<10240x1xi32>
    %convert_element_type3A_20 = arith.sitofp %convert_element_type3A : vector<10240x1xi32> to vector<10240x1xf32>
    %mul3A = vector.broadcast %convert_element_type3A_20 : vector<10240x1xf32> to vector<10240x128xf32>
    %mul3A_21 = arith.mulf %add3A_17, %mul3A : vector<10240x128xf32>
    %reduce_sum3A = arith.constant dense<0.000000e+00> : vector<128xf32>
    %reduce_sum3A_22 = vector.multi_reduction <add>, %mul3A_21, %reduce_sum3A [0] : vector<10240x128xf32> to vector<128xf32>
    %broadcast_in_dim3A = vector.shape_cast %reduce_sum3A_22 : vector<128xf32> to vector<1x128xf32>
    %mul3A_23 = arith.mulf %mul3A_21, %mul3A_21 : vector<10240x128xf32>
    %reduce_sum3A_24 = arith.constant dense<0.000000e+00> : vector<128xf32>
    %reduce_sum3A_25 = vector.multi_reduction <add>, %mul3A_23, %reduce_sum3A_24 [0] : vector<10240x128xf32> to vector<128xf32>
    %broadcast_in_dim3A_26 = vector.shape_cast %reduce_sum3A_25 : vector<128xf32> to vector<1x128xf32>
    %div3A = arith.constant 1.000000e+04 : f32
    %div3A_27 = vector.broadcast %div3A : f32 to vector<1x128xf32>
    %div3A_28 = arith.divf %broadcast_in_dim3A, %div3A_27 : vector<1x128xf32>
    %div3A_29 = arith.constant 1.000000e+04 : f32
    %div3A_30 = vector.broadcast %div3A_29 : f32 to vector<1x128xf32>
    %div3A_31 = arith.divf %broadcast_in_dim3A_26, %div3A_30 : vector<1x128xf32>
    %mul3A_32 = arith.mulf %div3A_28, %div3A_28 : vector<1x128xf32>
    %sub3A = arith.subf %div3A_31, %mul3A_32 : vector<1x128xf32>
    %add3A_33 = arith.constant 9.99999974E-6 : f32
    %add3A_34 = vector.broadcast %add3A_33 : f32 to vector<1x128xf32>
    %add3A_35 = arith.addf %sub3A, %add3A_34 : vector<1x128xf32>
    %rsqrt3A = math.rsqrt %add3A_35 : vector<1x128xf32>
    %get3A_36 = arith.constant 0 : index
    %get3A_37 = arith.constant 0 : index
    %get3A_38 = vector.load %arg3[%get3A_36, %get3A_37] : memref<1x128xf32, #tpu.memory_space<vmem>>, vector<1x128xf32>
    %sub3A_39 = vector.broadcast %div3A_28 : vector<1x128xf32> to vector<10240x128xf32>
    %sub3A_40 = arith.subf %add3A_17, %sub3A_39 : vector<10240x128xf32>
    %mul3A_41 = vector.broadcast %get3A_38 : vector<1x128xf32> to vector<10240x128xf32>
    %mul3A_42 = arith.mulf %mul3A_41, %sub3A_40 : vector<10240x128xf32>
    %mul3A_43 = vector.broadcast %rsqrt3A : vector<1x128xf32> to vector<10240x128xf32>
    %mul3A_44 = arith.mulf %mul3A_42, %mul3A_43 : vector<10240x128xf32>
    %get3A_45 = arith.constant 0 : index
    %get3A_46 = arith.constant 0 : index
    %get3A_47 = vector.load %arg4[%get3A_45, %get3A_46] : memref<1x128xf32, #tpu.memory_space<vmem>>, vector<1x128xf32>
    %add3A_48 = vector.broadcast %get3A_47 : vector<1x128xf32> to vector<10240x128xf32>
    %add3A_49 = arith.addf %mul3A_44, %add3A_48 : vector<10240x128xf32>
    %max3A = arith.constant 0.000000e+00 : f32
    %max3A_50 = vector.broadcast %max3A : f32 to vector<10240x128xf32>
    %max3A_51 = arith.maximumf %add3A_49, %max3A_50 : vector<10240x128xf32>
    %get3A_52 = arith.constant 0 : index
    %get3A_53 = arith.constant 0 : index
    %get3A_54 = vector.load %arg5[%get3A_52, %get3A_53] : memref<128x128xf32, #tpu.memory_space<vmem>>, vector<128x128xf32>
    %dot_general3A_55 = arith.constant dense<0.000000e+00> : vector<10240x128xf32>
    %dot_general3A_56 = tpu.matmul %max3A_51, %get3A_54, %dot_general3A_55 {dimension_numbers = #tpu.dot_dimension_numbers<[1], [0], [0], [1], [0, 0, 1, 1], [], []>, transpose_lhs_hint = false} : vector<10240x128xf32>, vector<128x128xf32>, vector<10240x128xf32> -> vector<10240x128xf32>
    %get3A_57 = arith.constant 0 : index
    %get3A_58 = arith.constant 0 : index
    %get3A_59 = vector.load %arg6[%get3A_57, %get3A_58] : memref<1x128xf32, #tpu.memory_space<vmem>>, vector<1x128xf32>
    %add3A_60 = vector.broadcast %get3A_59 : vector<1x128xf32> to vector<10240x128xf32>
    %add3A_61 = arith.addf %dot_general3A_56, %add3A_60 : vector<10240x128xf32>
    %swap3A = arith.constant 0 : index
    %swap3A_62 = arith.constant 0 : index
    %swap3A_63 = vector.load %arg7[%swap3A, %swap3A_62] : memref<10240x128xf32, #tpu.memory_space<vmem>>, vector<10240x128xf32>
    tpu.vector_store %arg7[%swap3A, %swap3A_62], %add3A_61 {strides = array<i32>} : memref<10240x128xf32, #tpu.memory_space<vmem>>, vector<10240x128xf32>,
    return
  }
}

</mosaic_0001>

<sc_bundles>
// kernel: kernel.11.cloned.1.call-start
scs
__scs_entry_jumppad:
0x0: {  	(pc) =	sbr.rel $0x88, $3  }
0x1: {  	(tag) =	ssettag $0x0;
	lr =	simm.s32 $0x1  }
0x2: {  	[smem:$0x3F91] =	sst lr;
	_ =	strace $0xD0000000  }
0x3: {  	_ = 	snop  }
0x4: {  	_ = 	snop  }
0x5: {  	_ = 	snop  }
0x6: {  	_ = 	snop  }
0x7: {  	_ = 	snop  }
__scs_overlays_trampoline_lowered:
0x8: {  	[smem:$0x3FA0] =	sst s0  }
0x9: {  	[smem:$0x3FA1] =	sst s1  }
0xa: {  	[smem:$0x3FA2] =	sst s2  }
0xb: {  	[smem:$0x3FA3] =	sst s3  }
0xc: {  	[smem:$0x3FA4] =	sst s4  }
0xd: {  	[smem:$0x3FA5] =	sst s5  }
0xe: {  	[smem:$0x3FA6] =	sst s6  }
0xf: {  	[smem:$0x3FA7] =	sst s7  }
0x10: {  	[smem:$0x3FA8] =	sst s8  }
0x11: {  	[smem:$0x3FA9] =	sst s9;
	s0 =	simm.s32 @!p0 $0x0  }
0x12: {  	s1 =	sld [smem:$0x3F8F];
	s0 =	simm.s32 @p0 $0x1  }
0x13: {  	[smem:$0x3FAA] =	sst s0;
	s0 =	simm.s32 @!p1 $0x0  }
0x14: {  	s2 =	sld [smem:$0x3F8E];
	s0 =	simm.s32 @p1 $0x1  }
0x15: {  	[smem:$0x3FAB] =	sst s0;
	s0 =	simm.s32 @!p2 $0x0  }
0x16: {  	s3 =	sld [smem:$0x3FDB];
	s0 =	simm.s32 @p2 $0x1  }
0x17: {  	s4 =	simm.s32 $0x1BF5;
	[smem:$0x3FAD] =	sst s0  }
0x18: {  	s0 =	sld [smem:$0x3F90];
	_ =	swait.ge [sflag:s4], $0x0  }
0x19: {  	s7 =	sld [smem:$0x3F91]  }
0x1a: {  	s8 =	sadd.s32 $0xFFFFE003, lr  }
0x1b: {  	s9 =	sadd.s32 $0xFFFFFEF7, lr;
	s5 =	simm.s32 $0xFFFFFFFF;
	p2 =	slt.u32 s8, $0xFFFFF086  }
0x1c: {  	p1 =	slt.u32 s9, $0xF7A;
	s5 =	simm.s32 @!p2 $0x0  }
0x1d: {  	s5 =	simm.s32 @p1 $0x1;
	p0 =	seq.s32 s7, s2  }
0x1e: {  	s7 =	smul.u32 @!p0 $0xF7A, s2;
	p2 =	seq.s32 @!p0 s5, $0x0  }
0x1f: {  	s9 =	smul.u32 $0xF7A, s1;
	s8 =	simm.s32 @!p0 $0x1BF5;
	p2 =	por !p2, p0  }
0x20: {  	[sflag:s8] =	ssyncset.s32 @!p0 $0xFFFFF086;
	s6 =	sadd.s32 @!p0 s3, s7;
	s7 =	simm.s32 @!p0 $0x108  }
0x21: {  	s3 =	sadd.s32 s3, s9;
	s6 =	sadd.s32 @!p0 $0x88, s6;
	s7 =	simm.s32 @p2 $0x1082  }
0x22: {  	[simem:s7], [sflag:s8] =	dma.local @!p0 [hbm:s6], $0xF7A  }
0x23: {  	s9 =	sor.u32 $0xD0000000, s2;
	s6 =	simm.s32 $0x108;
	_ =	swait.ge @!p0 [sflag:s8], $0x0  }
0x24: {  	s3 =	sadd.s32 $0x88, s3;
	s6 =	simm.s32 @!p1 $0x1082;
	[sflag:s4] =	ssyncset.s32 $0xFFFFF086  }
0x25: {  	[simem:s6], [sflag:s4] =	dma.local [hbm:s3], $0xF7A  }
0x26: {  	[smem:$0x3F91] =	sst s1;
	(tag) =	ssettag s2;
	_ =	strace s9  }
0x27: {  	s1 =	sld [smem:$0x3FA1]  }
0x28: {  	s2 =	sld [smem:$0x3FA2]  }
0x29: {  	s4 =	sld [smem:$0x3FA4]  }
0x2a: {  	p0 =	seq.s32 s5, $0x0;
	s5 =	sld [smem:$0x3FA5]  }
0x2b: {  	s6 =	sld [smem:$0x3FA6]  }
0x2c: {  	s7 =	sld [smem:$0x3FA7]  }
0x2d: {  	s3 =	simm.s32 $0x108;
	s8 =	sld [smem:$0x3FA8]  }
0x2e: {  	s3 =	simm.s32 @!p0 $0x1082;
	s9 =	sld [smem:$0x3FA9]  }
0x2f: {  	lr =	sadd.s32 s0, s3;
	s0 =	sld [smem:$0x3FA0]  }
0x30: {  	s3 =	sld [smem:$0x3FA3]  }
0x31: {  	[smem:$0x3FAC] =	sst s10  }
0x32: {  	s10 =	sld [smem:$0x3FAA];
	_ =	sdelay $0x3  }
0x33: {  	p0 =	seq.s32 s10, $0x1;
	s10 =	sld [smem:$0x3FAC];
	_ =	sdelay $0x3  }
0x34: {  	[smem:$0x3FAC] =	sst s10  }
0x35: {  	s10 =	sld [smem:$0x3FAB];
	_ =	sdelay $0x3  }
0x36: {  	p1 =	seq.s32 s10, $0x1;
	s10 =	sld [smem:$0x3FAC];
	_ =	sdelay $0x3  }
0x37: {  	[smem:$0x3FAC] =	sst s10  }
0x38: {  	s10 =	sld [smem:$0x3FAD]  }
0x39: {  	_ = 	snop;
	(pc) =	sbr.ind lr, $3  }
0x3a: {  	_ = 	snop  }
0x3b: {  	_ = 	snop  }
0x3c: {  	p2 =	seq.s32 s10, $0x1;
	s10 =	sld [smem:$0x3FAC]  }
0x3d: {  	_ =	shalt  }
0x3e: {  	_ =	shalt  }
0x3f: {  	_ =	shalt  }
0x40: {  	_ =	shalt  }
0x41: {  	_ =	shalt  }
0x42: {  	_ =	shalt  }
0x43: {  	_ =	shalt  }
0x44: {  	_ =	shalt  }
0x45: {  	_ =	shalt  }
0x46: {  	_ =	shalt  }
0x47: {  	_ =	shalt  }
0x48: {  	_ =	shalt  }
0x49: {  	_ =	shalt  }
0x4a: {  	_ =	shalt  }
0x4b: {  	_ =	shalt  }
0x4c: {  	_ =	shalt  }
0x4d: {  	_ =	shalt  }
0x4e: {  	_ =	shalt  }
0x4f: {  	_ =	shalt  }
0x50: {  	_ =	shalt  }
0x51: {  	_ =	shalt  }
0x52: {  	_ =	shalt  }
0x53: {  	_ =	shalt  }
0x54: {  	_ =	shalt  }
0x55: {  	_ =	shalt  }
0x56: {  	_ =	shalt  }
0x57: {  	_ =	shalt  }
0x58: {  	_ =	shalt  }
0x59: {  	_ =	shalt  }
0x5a: {  	_ =	shalt  }
0x5b: {  	_ =	shalt  }
0x5c: {  	_ =	shalt  }
0x5d: {  	_ =	shalt  }
0x5e: {  	_ =	shalt  }
0x5f: {  	_ =	shalt  }
0x60: {  	_ =	shalt  }
0x61: {  	_ =	shalt  }
0x62: {  	_ =	shalt  }
0x63: {  	_ =	shalt  }
0x64: {  	_ =	shalt  }
0x65: {  	_ =	shalt  }
0x66: {  	_ =	shalt  }
0x67: {  	_ =	shalt  }
0x68: {  	_ =	shalt  }
0x69: {  	_ =	shalt  }
0x6a: {  	_ =	shalt  }
0x6b: {  	_ =	shalt  }
0x6c: {  	_ =	shalt  }
0x6d: {  	_ =	shalt  }
0x6e: {  	_ =	shalt  }
0x6f: {  	_ =	shalt  }
0x70: {  	_ =	shalt  }
0x71: {  	_ =	shalt  }
0x72: {  	_ =	shalt  }
0x73: {  	_ =	shalt  }
0x74: {  	_ =	shalt  }
0x75: {  	_ =	shalt  }
0x76: {  	_ =	shalt  }
0x77: {  	_ =	shalt  }
0x78: {  	_ =	shalt  }
0x79: {  	_ =	shalt  }
0x7a: {  	_ =	shalt  }
0x7b: {  	_ =	shalt  }
0x7c: {  	_ =	shalt  }
0x7d: {  	_ =	shalt  }
0x7e: {  	_ =	shalt  }
0x7f: {  	_ =	shalt  }
0x80: {  	_ =	shalt  }
0x81: {  	_ =	shalt  }
0x82: {  	_ =	shalt  }
0x83: {  	_ =	shalt  }
0x84: {  	_ =	shalt  }
0x85: {  	_ =	shalt  }
0x86: {  	_ =	shalt  }
0x87: {  	_ =	shalt  }
.Lfunc_end0:
.L_simem_size_0:
called_computation.1_lowered:
.L_overlay_start_0:
0x88: {  	s2 =	sld [smem:$0x3FD9]  }
0x89: {  	s3 =	sld [smem:$0x3FFE];
	_ =	sdelay $0x1  }
0x8a: {  	s1 =	srdreg.scid  }
0x8b: {  	s0 =	sand.u32 $0x1, s1  }
0x8c: {  	s17 =	sshll.u32 s0, $0xA;
	s2 =	sadd.s32 s3, s2  }
0x8d: {  	s2 =	sadd.s32 s2, s17  }
0x8e: {  	[smem:$0x3FB8] =	sst s2  }
0x8f: {  	_ = 	snop  }
0x90: {  	s2 =	sld [smem:$0x3FD0];
	(tm) =	ssettm $0x1  }
0x91: {  	s18 =	sld [smem:$0x3FFB];
	_ =	sdelay $0x3  }
0x92: {  	_ =	strace s18  }
0x93: {  	s3 =	sld [smem:$0x3FFC];
	_ =	sdelay $0x3  }
0x94: {  	_ =	strace s3  }
0x95: {  	s3 =	sld [smem:$0x3FFD];
	_ =	sdelay $0x3  }
0x96: {  	_ =	strace s3  }
0x97: {  	_ =	strace $0x8FFFFFFF  }
0x98: {  	s19 =	sld [smem:$0x3FDB];
	_ =	sdelay $0x1  }
0x99: {  	s4 =	simm.s32 $_scs_section_size  }
0x9a: {  	s5 =	simm.s32 $_size__tile_overlayer_lowered;
	s6 =	simm.s32 $_tile_overlayer_lowered  }
0x9b: {  	s22 =	simm.s32 $0x1BFF;
	s21 =	sshll.u32 s6, $0x1;
	s3 =	sadd.s32 s4, s19  }
0x9c: {  	s7 =	simm.s32 $0x0;
	s20 =	sshll.u32 s5, $0x1;
	s5 =	sadd.s32 s21, s3  }
0x9d: {  	[timem:s7], [sflag:s22] =	dma.local [hbm:s5], s20  }
0x9e: {  	_ =	swait.ge [sflag:s22], s20  }
0x9f: {  	s4 =	ssub.s32 $0x0, s20;
	[sflag:s22] =	ssyncset.done $0x0  }
0xa0: {  	[sflag:s22] =	ssyncadd.s32 s4;
	_ =	sdelay $0x1  }
0xa1: {  	s23 =	simm.s32 $0x1B8B  }
0xa2: {  	_ =	swait.ge [sflag:s23], $0x1  }
0xa3: {  	[sflag:s23] =	ssyncset.done $0x0  }
0xa4: {  	s25 =	simm.s32 $0x1B8E;
	s24 =	sld [smem:$0x3FFE];
	[sflag:s23] =	ssyncadd.s32 $0xFFFFFFFF  }
0xa5: {  	s26 =	simm.s32 $execute0_lowered;
	[smem:$0x3FD2] =	sst s25  }
0xa6: {  	s5 =	sshll.u32 s26, $0x1;
	_ =	strace $0x80000049;
	[dreg:$0x1] =	wrdreg $0xFFFFFFFF  }
0xa7: {  	s28 =	simm.s32 $_size_execute0_lowered;
	s3 =	sadd.s32 s3, s5;
	[dreg:$0x0] =	wrdreg $0x0  }
0xa8: {  	s5 =	sshll.u32 s28, $0x1;
	[dreg:$0x2] =	wrdreg s3  }
0xa9: {  	[dreg:$0x3] =	wrdreg s5  }
0xaa: {  	[dreg:$0x4] =	wrdreg $0xC0  }
0xab: {  	_ =	task [dreg:s7], $0x5FFFF  }
0xac: {  	[dreg:$0x1] =	wrdreg $0xFFFFFFFF  }
0xad: {  	[dreg:$0x0] =	wrdreg $0x60  }
0xae: {  	[dreg:$0x2] =	wrdreg s24  }
0xaf: {  	[dreg:$0x3] =	wrdreg s2  }
0xb0: {  	[dreg:$0x4] =	wrdreg $0x0  }
0xb1: {  	[dreg:$0x5] =	wrdreg $0x9  }
0xb2: {  	_ =	task.clear_ibuf [dreg:s7], $0x6FFFF;
	_ =	strace $0x90000049  }
0xb3: {  	s29 =	simm.s32 $0x9;
	_ =	strace $0x8000004B  }
0xb4: {  	_ =	swait.ge [sflag:s29], $0x1  }
0xb5: {  	[sflag:s29] =	ssyncadd.s32 $0xFFFFFFFF  }
0xb6: {  	_ =	strace $0x9000004B  }
0xb7: {  	_ =	sfence  }
0xb8: {  	s30 =	sld [smem:$0x0];
	_ =	sdelay $0x2  }
0xb9: {  	s31 =	sshll.u32 s1, $0xD;
	s1 =	sshrl.u32 s1, $0x2  }
0xba: {  	s3 =	sand.u32 $0x4000, s31;
	s1 =	sadd.s32 s1, s30  }
0xbb: {  	s0 =	sor.u32 s3, s0;
	s1 =	sshll.u32 s1, $0x11  }
0xbc: {  	s0 =	sor.u32 s1, s0  }
0xbd: {  	s0 =	sadd.s32 $0x8F2B, s0  }
0xbe: {  	[sflag:s0] =	ssyncadd.remote.s32 $0x1  }
0xbf: {  	_ =	sfence.sel $0xFFFF  }
0xc0: {  	[dreg:$0x0] =	wrdreg $0xFFFFFFFF;
	(pc) =	sbr.abs _section_cstart, $3  }
0xc1: {  	[dreg:$0x1] =	wrdreg $0xFFFFFFFF  }
0xc2: {  	_ =	task.clear_ibuf [dreg:s7], $0x2FFFF;
	_ =	strace $0x9FFFFFFF  }
0xc3: {  	(tm) =	ssettm $0x7FFFFFFF  }
tec
execute0_lowered:
.L_overlay_start_1:
0x0: {  	(tag) =	ssettag $0x1  }
0x1: {  	s0 =	rddreg [dreg:$0x0]  }
0x2: {  	s2 =	rddreg [dreg:$0x1]  }
0x3: {  	s3 =	rddreg [dreg:$0x2]  }
0x4: {  	s1 =	srdreg.scid;
	s13 =	stileid.u32  }
0x5: {  	s4 =	simm.s32 $0x0;
	s23 =	simm.s32 $0x16780;
	s28 =	simm.s32 $0x16800  }
0x6: {  	s30 =	simm.s32 $0x18D80;
	s31 =	simm.s32 $0x1;
	s29 =	simm.s32 $0x2  }
0x7: {  	s24 =	simm.s32 $0x8;
	s22 =	simm.s32 $0x0;
	s1 =	sand.u32 $0x1, s1  }
0x8: {  	s5 =	sshll.u32 s13, $0x1;
	s25 =	sshrl.u32 s13, $0x2;
	s11 =	smul.u32 $0x50000, s13  }
0x9: {  	[smem:$0x7FF] =	sst s4;
	s9 =	sadd.s32 $0x35200, s0;
	s15 =	smul.u32 $0x2800, s13  }
0xa: {  	s20 =	sshll.u32 s13, $0x6;
	s13 =	simm.s32 $0x4;
	s6 =	sor.u32 s1, s5  }
0xb: {  	s7 =	smul.u32 $0x13C00, s25;
	_ =	strace $0x8000004A;
	s5 =	sadd.s32 $0xD200, s0  }
0xc: {  	s26 =	smul.u32 $0x28000, s1;
	s10 =	ssub.s32 $0x2, s1;
	p0 =	seq.s32 s1, $0x1  }
0xd: {  	s20 =	sor.u32 $0x1C0E, s20;
	s25 =	simm.s32 $0x48;
	s8 =	sshll.u32 s6, $0x7  }
0xe: {  	s12 =	sshrl.u32 s10, $0x1;
	s6 =	smul.u32 $0x4800, s6;
	[dreg:$0xd] =	wrdreg s20  }
0xf: {  	s8 =	sand.u32 $0x380, s8;
	s10 =	ssub.s32 s10, s12;
	s12 =	sshrl.u32 s11, $0x2  }
0x10: {  	s11 =	simm.s32 $0xB;
	s7 =	sor.u32 s7, s8;
	s14 =	sshrl.u32 s6, $0x3  }
0x11: {  	s1 =	sadd.s32 s12, s3;
	s8 =	smax.u32 s10, $0x1;
	s7 =	sshrl.u32 s7, $0x3  }
0x12: {  	[dreg:$0xb] =	wrdreg s8;
	s21 =	sshrl.u32 s1, $0x3;
	s7 =	sadd.s32 s7, s0  }
0x13: {  	s0 =	sadd.s32 s26, s0;
	[dreg:$0xe] =	wrdreg s21;
	s7 =	sadd.s32 $0x3400, s7  }
0x14: {  	s0 =	sadd.s32 $0x5D200, s0;
	[dreg:$0x4] =	wrdreg s7;
	s7 =	sadd.s32 s2, s14  }
0x15: {  	s10 =	simm.s32 $0x3;
	s0 =	sadd.s32 s15, s0;
	[dreg:$0x5] =	wrdreg s7  }
0x16: {  	s12 =	simm.s32 $0x5;
	s16 =	sadd.s32 $0x10, s7;
	[dreg:$0xf] =	wrdreg s0  }
0x17: {  	s1 =	simm.s32 $0x16880;
	s17 =	sadd.s32 $0x20, s7;
	[dreg:$0x6] =	wrdreg s16  }
0x18: {  	s26 =	simm.s32 $0x16980;
	s18 =	sadd.s32 $0x30, s7;
	[dreg:$0x7] =	wrdreg s17  }
0x19: {  	s14 =	simm.s32 $0xC;
	s19 =	sadd.s32 $0x40, s7;
	[dreg:$0x8] =	wrdreg s18  }
.Ltmp0:
0x1a: {  	s7 =	sadd.s32 $0x50, s7;
	[dreg:$0x9] =	wrdreg s19;
	(pc) =	sbr.rel .LBB2_1-.Ltmp0, $4  }
0x1b: {  	s0 =	simm.s32 $0x9;
	[dreg:$0xa] =	wrdreg s7;
	s7 =	smov.u32 s5  }
0x1c: {  	s18 =	simm.s32 $0x1B180;
	s17 =	simm.s32 $0xA;
	s7 =	smov.u32 @p0 s9  }
0x1d: {  	s19 =	simm.s32 $0x7;
	s9 =	simm.s32 $0x1D580;
	s7 =	sadd.s32 s7, s15  }
0x1e: {  	s15 =	simm.s32 $0x6;
	[dreg:$0xc] =	wrdreg s7;
	s7 =	simm.s32 $0x16900  }
.LBB2_4:
0x1f: {  	_ =	swait.ge [sflag:s13], $0x2400  }
0x20: {  	[sflag:s13] =	ssyncset.done $0x0  }
0x21: {  	[sflag:s13] =	ssyncadd.s32 $0xFFFFDC00  }
0x22: {  	_ =	swait.ge [sflag:s14], $0x80  }
0x23: {  	[sflag:s14] =	ssyncset.done $0x0  }
0x24: {  	[sflag:s14] =	ssyncadd.s32 $0xFFFFFF80  }
0x25: {  	[spmem:s3] =	stream.indirect.scatter.add.f32 [tilespmem:s9], [sflag:$0x8], $0x80, s7, s25, $0xb8;
	[tilespmem:$0x1F980] =	vst v63  }
0x26: {  	_ =	swait.ge [sflag:s15], $0x2400  }
0x27: {  	[sflag:s15] =	ssyncset.done $0x0  }
0x28: {  	[sflag:s15] =	ssyncadd.s32 $0xFFFFDC00  }
0x29: {  	_ =	swait.ge [sflag:s19], $0x2400  }
0x2a: {  	[sflag:s19] =	ssyncset.done $0x0  }
0x2b: {  	[sflag:s19] =	ssyncadd.s32 $0xFFFFDC00  }
0x2c: {  	_ =	swait.ge [sflag:s24], $0x2400  }
0x2d: {  	[sflag:s24] =	ssyncset.done $0x0  }
0x2e: {  	[sflag:s24] =	ssyncadd.s32 $0xFFFFDC00  }
0x2f: {  	[bflag:$0x0] =	sbarrier.arrive $0xFFFF  }
0x30: {  	s20 =	rddreg [dreg:$0xd]  }
0x31: {  	s8 =	rddreg [dreg:$0xe]  }
0x32: {  	s21 =	simm.s32 $0xE;
	s16 =	rddreg [dreg:$0xf]  }
0x33: {  	[hbm:s16], [sflag:s20] =	dma.local [spmem:s8], $0x2800  }
0x34: {  	_ =	swait.ge [sflag:s21], $0x2800  }
0x35: {  	s22 =	rddreg [dreg:$0x10]  }
0x36: {  	s8 =	rddreg [dreg:$0xb];
	s22 =	sadd.s32 $0x1, s22  }
0x37: {  	p0 =	sne.s32 s22, s8  }
.Ltmp1:
0x38: {  	_ = 	snop;
	(pc) =	sbr.rel @!p0 .LBB2_5-.Ltmp1, $3  }
0x39: {  	_ =	sdelay $0x1  }
0x3a: {  	[sflag:s21] =	ssyncset.done $0x0  }
0x3b: {  	[sflag:s21] =	ssyncadd.s32 $0xFFFFD800  }
.LBB2_1:
0x3c: {  	[dreg:$0x10] =	wrdreg s22  }
0x3d: {  	s16 =	rddreg [dreg:$0x4];
	s21 =	simm.s32 $0x80  }
0x3e: {  	s22 =	simm.s32 $0x400;
	s8 =	smov.u32 s20;
	s20 =	simm.s32 $0x14000  }
0x3f: {  	[tilespmem:s20], [sflag:$0xD] =	stream.strided.gather [hbm4b:s16+s21], $0x2780, s22, s21, $0x38;
	[tilespmem:$0x1F980] =	vst v63  }
0x40: {  	s21 =	rddreg [dreg:$0xc]  }
0x41: {  	s22 =	rddreg [dreg:$0xe]  }
0x42: {  	[spmem:s22], [sflag:s8] =	dma.local [hbm:s21], $0x2800  }
0x43: {  	s21 =	simm.s32 $0xE  }
0x44: {  	_ =	swait.ge [sflag:s21], $0x2800  }
0x45: {  	[sflag:s21] =	ssyncset.done $0x0  }
0x46: {  	s22 =	simm.s32 $0xD;
	[sflag:s21] =	ssyncadd.s32 $0xFFFFD800  }
0x47: {  	_ =	swait.ge [sflag:s22], $0x2780  }
0x48: {  	[sflag:s22] =	ssyncset.done $0x0  }
0x49: {  	s8 =	rddreg [dreg:$0x5];
	[sflag:s22] =	ssyncadd.s32 $0xFFFFD880  }
0x4a: {  	[tilespmem:s23], [sflag:$0x9] =	stream.linear.gather [hbm4b:s8+s4], $0x80, $0x38;
	[tilespmem:$0x1F980] =	vst v63  }
0x4b: {  	s20 =	simm.s32 $0x14000  }
0x4c: {  	[tilespmem:s26], [sflag:$0x1] =	stream.indirect.gather [hbm4b:s5+s25], $0x80, s20, s25, $0xb8;
	[tilespmem:$0x1F980] =	vst v63  }
0x4d: {  	s21 =	rddreg [dreg:$0x6]  }
0x4e: {  	[tilespmem:s28], [sflag:$0xA] =	stream.linear.gather [hbm4b:s21+s4], $0x80, $0x38;
	[tilespmem:$0x1F980] =	vst v63  }
0x4f: {  	s22 =	simm.s32 $0x14048  }
0x50: {  	[tilespmem:s30], [sflag:$0x2] =	stream.indirect.gather [hbm4b:s5+s25], $0x80, s22, s25, $0xb8;
	[tilespmem:$0x1F980] =	vst v63  }
0x51: {  	[bflag:$0x0] =	sbarrier.arrive $0xFFFF  }
0x52: {  	_ =	swait.ge [sflag:s31], $0x2400  }
0x53: {  	[sflag:s31] =	ssyncset.done $0x0  }
0x54: {  	[sflag:s31] =	ssyncadd.s32 $0xFFFFDC00  }
0x55: {  	_ =	swait.ge [sflag:s0], $0x80  }
0x56: {  	[sflag:s0] =	ssyncset.done $0x0  }
0x57: {  	[sflag:s0] =	ssyncadd.s32 $0xFFFFFF80  }
0x58: {  	[spmem:s3] =	stream.indirect.scatter.add.f32 [tilespmem:s26], [sflag:$0x5], $0x80, s23, s25, $0xb8;
	[tilespmem:$0x1F980] =	vst v63  }
0x59: {  	s8 =	rddreg [dreg:$0x7]  }
0x5a: {  	[tilespmem:s1], [sflag:$0xB] =	stream.linear.gather [hbm4b:s8+s4], $0x80, $0x38;
	[tilespmem:$0x1F980] =	vst v63  }
0x5b: {  	s20 =	simm.s32 $0x14090  }
0x5c: {  	[tilespmem:s18], [sflag:$0x3] =	stream.indirect.gather [hbm4b:s5+s25], $0x80, s20, s25, $0xb8;
	[tilespmem:$0x1F980] =	vst v63  }
0x5d: {  	_ =	swait.ge [sflag:s29], $0x2400  }
0x5e: {  	[sflag:s29] =	ssyncset.done $0x0  }
0x5f: {  	[sflag:s29] =	ssyncadd.s32 $0xFFFFDC00  }
0x60: {  	_ =	swait.ge [sflag:s17], $0x80  }
0x61: {  	[sflag:s17] =	ssyncset.done $0x0  }
0x62: {  	[sflag:s17] =	ssyncadd.s32 $0xFFFFFF80  }
0x63: {  	[spmem:s3] =	stream.indirect.scatter.add.f32 [tilespmem:s30], [sflag:$0x6], $0x80, s28, s25, $0xb8;
	[tilespmem:$0x1F980] =	vst v63  }
0x64: {  	s21 =	rddreg [dreg:$0x8]  }
0x65: {  	[tilespmem:s7], [sflag:$0xC] =	stream.linear.gather [hbm4b:s21+s4], $0x80, $0x38;
	[tilespmem:$0x1F980] =	vst v63  }
0x66: {  	s22 =	simm.s32 $0x140D8  }
0x67: {  	[tilespmem:s9], [sflag:$0x4] =	stream.indirect.gather [hbm4b:s5+s25], $0x80, s22, s25, $0xb8;
	[tilespmem:$0x1F980] =	vst v63  }
0x68: {  	_ =	swait.ge [sflag:s10], $0x2400  }
0x69: {  	[sflag:s10] =	ssyncset.done $0x0  }
0x6a: {  	[sflag:s10] =	ssyncadd.s32 $0xFFFFDC00  }
0x6b: {  	_ =	swait.ge [sflag:s11], $0x80  }
0x6c: {  	[sflag:s11] =	ssyncset.done $0x0  }
0x6d: {  	[sflag:s11] =	ssyncadd.s32 $0xFFFFFF80  }
0x6e: {  	[spmem:s3] =	stream.indirect.scatter.add.f32 [tilespmem:s18], [sflag:$0x7], $0x80, s1, s25, $0xb8;
	[tilespmem:$0x1F980] =	vst v63  }
0x6f: {  	_ =	swait.ge [sflag:s12], $0x2400  }
0x70: {  	[sflag:s12] =	ssyncset.done $0x0  }
0x71: {  	s8 =	rddreg [dreg:$0x9];
	[sflag:s12] =	ssyncadd.s32 $0xFFFFDC00  }
0x72: {  	[tilespmem:s23], [sflag:$0x9] =	stream.linear.gather [hbm4b:s8+s4], $0x80, $0x38;
	[tilespmem:$0x1F980] =	vst v63  }
0x73: {  	s20 =	simm.s32 $0x14120  }
0x74: {  	[tilespmem:s26], [sflag:$0x1] =	stream.indirect.gather [hbm4b:s5+s25], $0x80, s20, s25, $0xb8;
	[tilespmem:$0x1F980] =	vst v63  }
0x75: {  	_ =	swait.ge [sflag:s13], $0x2400  }
0x76: {  	[sflag:s13] =	ssyncset.done $0x0  }
0x77: {  	[sflag:s13] =	ssyncadd.s32 $0xFFFFDC00  }
0x78: {  	_ =	swait.ge [sflag:s14], $0x80  }
0x79: {  	[sflag:s14] =	ssyncset.done $0x0  }
0x7a: {  	[sflag:s14] =	ssyncadd.s32 $0xFFFFFF80  }
0x7b: {  	[spmem:s3] =	stream.indirect.scatter.add.f32 [tilespmem:s9], [sflag:$0x8], $0x80, s7, s25, $0xb8;
	[tilespmem:$0x1F980] =	vst v63  }
0x7c: {  	_ =	swait.ge [sflag:s15], $0x2400  }
0x7d: {  	[sflag:s15] =	ssyncset.done $0x0  }
0x7e: {  	s21 =	rddreg [dreg:$0xa];
	[sflag:s15] =	ssyncadd.s32 $0xFFFFDC00  }
0x7f: {  	[tilespmem:s28], [sflag:$0xA] =	stream.linear.gather [hbm4b:s21+s4], $0x80, $0x38;
	[tilespmem:$0x1F980] =	vst v63  }
0x80: {  	s22 =	simm.s32 $0x14168  }
0x81: {  	[tilespmem:s30], [sflag:$0x2] =	stream.indirect.gather [hbm4b:s5+s25], $0x80, s22, s25, $0xb8;
	[tilespmem:$0x1F980] =	vst v63  }
0x82: {  	s16 =	simm.s32 $0x14288;
	s22 =	simm.s32 $0x480  }
.LBB2_2:
0x83: {  	_ =	swait.ge [sflag:s31], $0x2400  }
0x84: {  	[sflag:s31] =	ssyncset.done $0x0  }
0x85: {  	[sflag:s31] =	ssyncadd.s32 $0xFFFFDC00  }
0x86: {  	s20 =	sadd.s32 $0xFFFFFD80, s22;
	_ =	swait.ge [sflag:s0], $0x80  }
0x87: {  	s21 =	sadd.s32 $0xFFFFFE80, s22;
	s20 =	sand.u32 $0x7C00, s20;
	[sflag:s0] =	ssyncset.done $0x0  }
0x88: {  	s21 =	sand.u32 $0x300, s21;
	s20 =	sadd.s32 s6, s20;
	[sflag:s0] =	ssyncadd.s32 $0xFFFFFF80  }
0x89: {  	[spmem:s3] =	stream.indirect.scatter.add.f32 [tilespmem:s26], [sflag:$0x5], $0x80, s23, s25, $0xb8;
	[tilespmem:$0x1F980] =	vst v63  }
0x8a: {  	s21 =	sor.u32 s20, s21;
	_ =	swait.ge [sflag:s19], $0x2400  }
0x8b: {  	s21 =	sshrl.u32 s21, $0x3;
	[sflag:s19] =	ssyncset.done $0x0  }
0x8c: {  	s21 =	sadd.s32 s2, s21;
	[sflag:s19] =	ssyncadd.s32 $0xFFFFDC00  }
0x8d: {  	[tilespmem:s1], [sflag:$0xB] =	stream.linear.gather [hbm4b:s21+s4], $0x80, $0x38;
	[tilespmem:$0x1F980] =	vst v63  }
0x8e: {  	s8 =	sadd.s32 $0xFFFFFF28, s16  }
0x8f: {  	[tilespmem:s18], [sflag:$0x3] =	stream.indirect.gather [hbm4b:s5+s25], $0x80, s8, s25, $0xb8;
	[tilespmem:$0x1F980] =	vst v63  }
0x90: {  	_ =	swait.ge [sflag:s29], $0x2400  }
0x91: {  	[sflag:s29] =	ssyncset.done $0x0  }
0x92: {  	[sflag:s29] =	ssyncadd.s32 $0xFFFFDC00  }
0x93: {  	_ =	swait.ge [sflag:s17], $0x80  }
0x94: {  	s8 =	sadd.s32 $0xFFFFFF00, s22;
	[sflag:s17] =	ssyncset.done $0x0  }
0x95: {  	s21 =	sand.u32 $0x380, s8;
	[sflag:s17] =	ssyncadd.s32 $0xFFFFFF80  }
0x96: {  	[spmem:s3] =	stream.indirect.scatter.add.f32 [tilespmem:s30], [sflag:$0x6], $0x80, s28, s25, $0xb8;
	[tilespmem:$0x1F980] =	vst v63  }
0x97: {  	s20 =	sor.u32 s20, s21;
	_ =	swait.ge [sflag:s24], $0x2400  }
0x98: {  	s20 =	sshrl.u32 s20, $0x3;
	[sflag:s24] =	ssyncset.done $0x0  }
0x99: {  	s20 =	sadd.s32 s2, s20;
	[sflag:s24] =	ssyncadd.s32 $0xFFFFDC00  }
0x9a: {  	[tilespmem:s7], [sflag:$0xC] =	stream.linear.gather [hbm4b:s20+s4], $0x80, $0x38;
	[tilespmem:$0x1F980] =	vst v63  }
0x9b: {  	s21 =	sadd.s32 $0xFFFFFF70, s16  }
0x9c: {  	[tilespmem:s9], [sflag:$0x4] =	stream.indirect.gather [hbm4b:s5+s25], $0x80, s21, s25, $0xb8;
	[tilespmem:$0x1F980] =	vst v63  }
0x9d: {  	_ =	swait.ge [sflag:s10], $0x2400  }
0x9e: {  	[sflag:s10] =	ssyncset.done $0x0  }
0x9f: {  	[sflag:s10] =	ssyncadd.s32 $0xFFFFDC00  }
0xa0: {  	_ =	swait.ge [sflag:s11], $0x80  }
0xa1: {  	p0 =	seq.s32 s22, $0x4680;
	[sflag:s11] =	ssyncset.done $0x0  }
.Ltmp2:
0xa2: {  	[sflag:s11] =	ssyncadd.s32 $0xFFFFFF80;
	(pc) =	sbr.rel @p0 .LBB2_4-.Ltmp2, $4  }
0xa3: {  	[spmem:s3] =	stream.indirect.scatter.add.f32 [tilespmem:s18], [sflag:$0x7], $0x80, s1, s25, $0xb8;
	[tilespmem:$0x1F980] =	vst v63  }
0xa4: {  	_ =	swait.ge [sflag:s12], $0x2400  }
0xa5: {  	[sflag:s12] =	ssyncset.done $0x0  }
0xa6: {  	[sflag:s12] =	ssyncadd.s32 $0xFFFFDC00  }
0xa7: {  	s20 =	sadd.s32 $0xFFFFFF80, s22  }
0xa8: {  	s21 =	sand.u32 $0xFC00, s20  }
0xa9: {  	s20 =	sand.u32 $0x200, s20;
	s21 =	sadd.s32 s6, s21  }
0xaa: {  	s20 =	sor.u32 s20, s21  }
0xab: {  	s20 =	sshrl.u32 s20, $0x3  }
0xac: {  	s20 =	sadd.s32 s2, s20  }
0xad: {  	[tilespmem:s23], [sflag:$0x9] =	stream.linear.gather [hbm4b:s20+s4], $0x80, $0x38;
	[tilespmem:$0x1F980] =	vst v63  }
0xae: {  	s8 =	sadd.s32 $0xFFFFFFB8, s16  }
0xaf: {  	[tilespmem:s26], [sflag:$0x1] =	stream.indirect.gather [hbm4b:s5+s25], $0x80, s8, s25, $0xb8;
	[tilespmem:$0x1F980] =	vst v63  }
0xb0: {  	_ =	swait.ge [sflag:s13], $0x2400  }
0xb1: {  	[sflag:s13] =	ssyncset.done $0x0  }
0xb2: {  	[sflag:s13] =	ssyncadd.s32 $0xFFFFDC00  }
0xb3: {  	_ =	swait.ge [sflag:s14], $0x80  }
0xb4: {  	s21 =	sand.u32 $0xFC00, s22;
	[sflag:s14] =	ssyncset.done $0x0  }
0xb5: {  	s20 =	sadd.s32 s6, s21;
	s8 =	sand.u32 $0x280, s22;
	[sflag:s14] =	ssyncadd.s32 $0xFFFFFF80  }
0xb6: {  	[spmem:s3] =	stream.indirect.scatter.add.f32 [tilespmem:s9], [sflag:$0x8], $0x80, s7, s25, $0xb8;
	[tilespmem:$0x1F980] =	vst v63  }
0xb7: {  	s20 =	sor.u32 s8, s20;
	_ =	swait.ge [sflag:s15], $0x2400  }
0xb8: {  	s20 =	sshrl.u32 s20, $0x3;
	[sflag:s15] =	ssyncset.done $0x0  }
.Ltmp3:
0xb9: {  	s20 =	sadd.s32 s2, s20;
	[sflag:s15] =	ssyncadd.s32 $0xFFFFDC00;
	(pc) =	sbr.rel .LBB2_2-.Ltmp3, $4  }
0xba: {  	[tilespmem:s28], [sflag:$0xA] =	stream.linear.gather [hbm4b:s20+s4], $0x80, $0x38;
	[tilespmem:$0x1F980] =	vst v63  }
0xbb: {  	_ = 	snop  }
0xbc: {  	[tilespmem:s30], [sflag:$0x2] =	stream.indirect.gather [hbm4b:s5+s25], $0x80, s16, s25, $0xb8;
	[tilespmem:$0x1F980] =	vst v63  }
0xbd: {  	s22 =	sadd.s32 $0x200, s22;
	s16 =	sadd.s32 $0x120, s16  }
.LBB2_5:
0xbe: {  	_ =	sfence.sel $0x180000  }
0xbf: {  	[bflag:$0x0] =	sbarrier.arrive $0xFFFF  }
0xc0: {  	_ =	strace $0x9000004A  }
0xc1: {  	s0 =	stileid.u32;
	[bflag:$0x2] =	sbarrier.arrive $0xFFFF  }
0xc2: {  	p0 =	sne.s32 s0, $0x0;
	s0 =	rddreg [dreg:$0x3]  }
0xc3: {  	s0 =	sadd.s32 @!p0 $0x100000, s0  }
0xc4: {  	[sflag:s0] =	ssyncadd.tile.s32 @!p0 $0x1;
	_ =	shalt  }
.Lfunc_end2:
_tile_overlayer_lowered:
.L_overlay_start_2:
0xc5: {  	(tag) =	ssettag $0x2  }
0xc6: {  	s0 =	rddreg [dreg:$0x0];
	s2 =	stileid.u32  }
0xc7: {  	s1 =	rddreg [dreg:$0x1];
	p0 =	sne.s32 s2, $0x0  }
0xc8: {  	s3 =	rddreg [dreg:$0x2];
	[bflag:$0x3] =	sbarrier.arrive $0xFFFF;
	s2 =	simm.s32 @!p0 $0x1C0E  }
0xc9: {  	[timem:s3], [sflag:s2] =	dma.local @!p0 [hbm:s0], s1  }
0xca: {  	s0 =	simm.s32 @!p0 $0xE  }
0xcb: {  	_ =	swait.ge @!p0 [sflag:s0], s1  }
0xcc: {  	s1 =	ssub.s32 @!p0 $0x0, s1;
	[sflag:s0] =	ssyncset.done @!p0 $0x0  }
0xcd: {  	[sflag:s0] =	ssyncadd.s32 @!p0 s1  }
0xce: {  	[bflag:$0x3] =	sbarrier.arrive $0xFFFF  }
0xcf: {  	_ =	shalt  }

// kernel: kernel.14.cloned.1.call-start
scs
__scs_entry_jumppad:
0x0: {  	(pc) =	sbr.rel $0x88, $3  }
0x1: {  	(tag) =	ssettag $0x0;
	lr =	simm.s32 $0x1  }
0x2: {  	[smem:$0x3F91] =	sst lr;
	_ =	strace $0xD0000000  }
0x3: {  	_ = 	snop  }
0x4: {  	_ = 	snop  }
0x5: {  	_ = 	snop  }
0x6: {  	_ = 	snop  }
0x7: {  	_ = 	snop  }
__scs_overlays_trampoline_lowered:
0x8: {  	[smem:$0x3FA0] =	sst s0  }
0x9: {  	[smem:$0x3FA1] =	sst s1  }
0xa: {  	[smem:$0x3FA2] =	sst s2  }
0xb: {  	[smem:$0x3FA3] =	sst s3  }
0xc: {  	[smem:$0x3FA4] =	sst s4  }
0xd: {  	[smem:$0x3FA5] =	sst s5  }
0xe: {  	[smem:$0x3FA6] =	sst s6  }
0xf: {  	[smem:$0x3FA7] =	sst s7  }
0x10: {  	[smem:$0x3FA8] =	sst s8  }
0x11: {  	[smem:$0x3FA9] =	sst s9;
	s0 =	simm.s32 @!p0 $0x0  }
0x12: {  	s1 =	sld [smem:$0x3F8F];
	s0 =	simm.s32 @p0 $0x1  }
0x13: {  	[smem:$0x3FAA] =	sst s0;
	s0 =	simm.s32 @!p1 $0x0  }
0x14: {  	s2 =	sld [smem:$0x3F8E];
	s0 =	simm.s32 @p1 $0x1  }
0x15: {  	[smem:$0x3FAB] =	sst s0;
	s0 =	simm.s32 @!p2 $0x0  }
0x16: {  	s3 =	sld [smem:$0x3FDB];
	s0 =	simm.s32 @p2 $0x1  }
0x17: {  	s4 =	simm.s32 $0x1BF5;
	[smem:$0x3FAD] =	sst s0  }
0x18: {  	s0 =	sld [smem:$0x3F90];
	_ =	swait.ge [sflag:s4], $0x0  }
0x19: {  	s7 =	sld [smem:$0x3F91]  }
0x1a: {  	s8 =	sadd.s32 $0xFFFFE003, lr  }
0x1b: {  	s9 =	sadd.s32 $0xFFFFFEF7, lr;
	s5 =	simm.s32 $0xFFFFFFFF;
	p2 =	slt.u32 s8, $0xFFFFF086  }
0x1c: {  	p1 =	slt.u32 s9, $0xF7A;
	s5 =	simm.s32 @!p2 $0x0  }
0x1d: {  	s5 =	simm.s32 @p1 $0x1;
	p0 =	seq.s32 s7, s2  }
0x1e: {  	s7 =	smul.u32 @!p0 $0xF7A, s2;
	p2 =	seq.s32 @!p0 s5, $0x0  }
0x1f: {  	s9 =	smul.u32 $0xF7A, s1;
	s8 =	simm.s32 @!p0 $0x1BF5;
	p2 =	por !p2, p0  }
0x20: {  	[sflag:s8] =	ssyncset.s32 @!p0 $0xFFFFF086;
	s6 =	sadd.s32 @!p0 s3, s7;
	s7 =	simm.s32 @!p0 $0x108  }
0x21: {  	s3 =	sadd.s32 s3, s9;
	s6 =	sadd.s32 @!p0 $0x88, s6;
	s7 =	simm.s32 @p2 $0x1082  }
0x22: {  	[simem:s7], [sflag:s8] =	dma.local @!p0 [hbm:s6], $0xF7A  }
0x23: {  	s9 =	sor.u32 $0xD0000000, s2;
	s6 =	simm.s32 $0x108;
	_ =	swait.ge @!p0 [sflag:s8], $0x0  }
0x24: {  	s3 =	sadd.s32 $0x88, s3;
	s6 =	simm.s32 @!p1 $0x1082;
	[sflag:s4] =	ssyncset.s32 $0xFFFFF086  }
0x25: {  	[simem:s6], [sflag:s4] =	dma.local [hbm:s3], $0xF7A  }
0x26: {  	[smem:$0x3F91] =	sst s1;
	(tag) =	ssettag s2;
	_ =	strace s9  }
0x27: {  	s1 =	sld [smem:$0x3FA1]  }
0x28: {  	s2 =	sld [smem:$0x3FA2]  }
0x29: {  	s4 =	sld [smem:$0x3FA4]  }
0x2a: {  	p0 =	seq.s32 s5, $0x0;
	s5 =	sld [smem:$0x3FA5]  }
0x2b: {  	s6 =	sld [smem:$0x3FA6]  }
0x2c: {  	s7 =	sld [smem:$0x3FA7]  }
0x2d: {  	s3 =	simm.s32 $0x108;
	s8 =	sld [smem:$0x3FA8]  }
0x2e: {  	s3 =	simm.s32 @!p0 $0x1082;
	s9 =	sld [smem:$0x3FA9]  }
0x2f: {  	lr =	sadd.s32 s0, s3;
	s0 =	sld [smem:$0x3FA0]  }
0x30: {  	s3 =	sld [smem:$0x3FA3]  }
0x31: {  	[smem:$0x3FAC] =	sst s10  }
0x32: {  	s10 =	sld [smem:$0x3FAA];
	_ =	sdelay $0x3  }
0x33: {  	p0 =	seq.s32 s10, $0x1;
	s10 =	sld [smem:$0x3FAC];
	_ =	sdelay $0x3  }
0x34: {  	[smem:$0x3FAC] =	sst s10  }
0x35: {  	s10 =	sld [smem:$0x3FAB];
	_ =	sdelay $0x3  }
0x36: {  	p1 =	seq.s32 s10, $0x1;
	s10 =	sld [smem:$0x3FAC];
	_ =	sdelay $0x3  }
0x37: {  	[smem:$0x3FAC] =	sst s10  }
0x38: {  	s10 =	sld [smem:$0x3FAD]  }
0x39: {  	_ = 	snop;
	(pc) =	sbr.ind lr, $3  }
0x3a: {  	_ = 	snop  }
0x3b: {  	_ = 	snop  }
0x3c: {  	p2 =	seq.s32 s10, $0x1;
	s10 =	sld [smem:$0x3FAC]  }
0x3d: {  	_ =	shalt  }
0x3e: {  	_ =	shalt  }
0x3f: {  	_ =	shalt  }
0x40: {  	_ =	shalt  }
0x41: {  	_ =	shalt  }
0x42: {  	_ =	shalt  }
0x43: {  	_ =	shalt  }
0x44: {  	_ =	shalt  }
0x45: {  	_ =	shalt  }
0x46: {  	_ =	shalt  }
0x47: {  	_ =	shalt  }
0x48: {  	_ =	shalt  }
0x49: {  	_ =	shalt  }
0x4a: {  	_ =	shalt  }
0x4b: {  	_ =	shalt  }
0x4c: {  	_ =	shalt  }
0x4d: {  	_ =	shalt  }
0x4e: {  	_ =	shalt  }
0x4f: {  	_ =	shalt  }
0x50: {  	_ =	shalt  }
0x51: {  	_ =	shalt  }
0x52: {  	_ =	shalt  }
0x53: {  	_ =	shalt  }
0x54: {  	_ =	shalt  }
0x55: {  	_ =	shalt  }
0x56: {  	_ =	shalt  }
0x57: {  	_ =	shalt  }
0x58: {  	_ =	shalt  }
0x59: {  	_ =	shalt  }
0x5a: {  	_ =	shalt  }
0x5b: {  	_ =	shalt  }
0x5c: {  	_ =	shalt  }
0x5d: {  	_ =	shalt  }
0x5e: {  	_ =	shalt  }
0x5f: {  	_ =	shalt  }
0x60: {  	_ =	shalt  }
0x61: {  	_ =	shalt  }
0x62: {  	_ =	shalt  }
0x63: {  	_ =	shalt  }
0x64: {  	_ =	shalt  }
0x65: {  	_ =	shalt  }
0x66: {  	_ =	shalt  }
0x67: {  	_ =	shalt  }
0x68: {  	_ =	shalt  }
0x69: {  	_ =	shalt  }
0x6a: {  	_ =	shalt  }
0x6b: {  	_ =	shalt  }
0x6c: {  	_ =	shalt  }
0x6d: {  	_ =	shalt  }
0x6e: {  	_ =	shalt  }
0x6f: {  	_ =	shalt  }
0x70: {  	_ =	shalt  }
0x71: {  	_ =	shalt  }
0x72: {  	_ =	shalt  }
0x73: {  	_ =	shalt  }
0x74: {  	_ =	shalt  }
0x75: {  	_ =	shalt  }
0x76: {  	_ =	shalt  }
0x77: {  	_ =	shalt  }
0x78: {  	_ =	shalt  }
0x79: {  	_ =	shalt  }
0x7a: {  	_ =	shalt  }
0x7b: {  	_ =	shalt  }
0x7c: {  	_ =	shalt  }
0x7d: {  	_ =	shalt  }
0x7e: {  	_ =	shalt  }
0x7f: {  	_ =	shalt  }
0x80: {  	_ =	shalt  }
0x81: {  	_ =	shalt  }
0x82: {  	_ =	shalt  }
0x83: {  	_ =	shalt  }
0x84: {  	_ =	shalt  }
0x85: {  	_ =	shalt  }
0x86: {  	_ =	shalt  }
0x87: {  	_ =	shalt  }
.Lfunc_end0:
.L_simem_size_0:
called_computation.2_lowered:
.L_overlay_start_0:
0x88: {  	s2 =	sld [smem:$0x3FD9]  }
0x89: {  	s3 =	sld [smem:$0x3FFE];
	_ =	sdelay $0x1  }
0x8a: {  	s1 =	srdreg.scid  }
0x8b: {  	s0 =	sand.u32 $0x1, s1  }
0x8c: {  	s17 =	sshll.u32 s0, $0xA;
	s2 =	sadd.s32 s3, s2  }
0x8d: {  	s2 =	sadd.s32 s2, s17  }
0x8e: {  	[smem:$0x3FB8] =	sst s2  }
0x8f: {  	_ = 	snop  }
0x90: {  	s2 =	sld [smem:$0x3FD0];
	(tm) =	ssettm $0x1  }
0x91: {  	s18 =	sld [smem:$0x3FFB];
	_ =	sdelay $0x3  }
0x92: {  	_ =	strace s18  }
0x93: {  	s3 =	sld [smem:$0x3FFC];
	_ =	sdelay $0x3  }
0x94: {  	_ =	strace s3  }
0x95: {  	s3 =	sld [smem:$0x3FFD];
	_ =	sdelay $0x3  }
0x96: {  	_ =	strace s3  }
0x97: {  	_ =	strace $0x8FFFFFFF  }
0x98: {  	s19 =	sld [smem:$0x3FDB];
	_ =	sdelay $0x1  }
0x99: {  	s4 =	simm.s32 $_scs_section_size  }
0x9a: {  	s5 =	simm.s32 $_size__tile_overlayer_lowered;
	s6 =	simm.s32 $_tile_overlayer_lowered  }
0x9b: {  	s22 =	simm.s32 $0x1BFF;
	s21 =	sshll.u32 s6, $0x1;
	s3 =	sadd.s32 s4, s19  }
0x9c: {  	s7 =	simm.s32 $0x0;
	s20 =	sshll.u32 s5, $0x1;
	s5 =	sadd.s32 s21, s3  }
0x9d: {  	[timem:s7], [sflag:s22] =	dma.local [hbm:s5], s20  }
0x9e: {  	_ =	swait.ge [sflag:s22], s20  }
0x9f: {  	s4 =	ssub.s32 $0x0, s20;
	[sflag:s22] =	ssyncset.done $0x0  }
0xa0: {  	[sflag:s22] =	ssyncadd.s32 s4;
	_ =	sdelay $0x1  }
0xa1: {  	s23 =	simm.s32 $0x1B8B  }
0xa2: {  	_ =	swait.ge [sflag:s23], $0x1  }
0xa3: {  	[sflag:s23] =	ssyncset.done $0x0  }
0xa4: {  	s25 =	simm.s32 $0x1B8E;
	s24 =	sld [smem:$0x3FFE];
	[sflag:s23] =	ssyncadd.s32 $0xFFFFFFFF  }
0xa5: {  	s26 =	simm.s32 $execute0_lowered;
	[smem:$0x3FD2] =	sst s25  }
0xa6: {  	s5 =	sshll.u32 s26, $0x1;
	_ =	strace $0x8000004C;
	[dreg:$0x1] =	wrdreg $0xFFFFFFFF  }
0xa7: {  	s28 =	simm.s32 $_size_execute0_lowered;
	s3 =	sadd.s32 s3, s5;
	[dreg:$0x0] =	wrdreg $0x0  }
0xa8: {  	s5 =	sshll.u32 s28, $0x1;
	[dreg:$0x2] =	wrdreg s3  }
0xa9: {  	[dreg:$0x3] =	wrdreg s5  }
0xaa: {  	[dreg:$0x4] =	wrdreg $0xC0  }
0xab: {  	_ =	task [dreg:s7], $0x5FFFF  }
0xac: {  	[dreg:$0x1] =	wrdreg $0xFFFFFFFF  }
0xad: {  	[dreg:$0x0] =	wrdreg $0x60  }
0xae: {  	[dreg:$0x2] =	wrdreg s24  }
0xaf: {  	[dreg:$0x3] =	wrdreg s2  }
0xb0: {  	[dreg:$0x4] =	wrdreg $0x0  }
0xb1: {  	[dreg:$0x5] =	wrdreg $0x9  }
0xb2: {  	_ =	task.clear_ibuf [dreg:s7], $0x6FFFF;
	_ =	strace $0x9000004C  }
0xb3: {  	s29 =	simm.s32 $0x9;
	_ =	strace $0x8000004E  }
0xb4: {  	_ =	swait.ge [sflag:s29], $0x1  }
0xb5: {  	[sflag:s29] =	ssyncadd.s32 $0xFFFFFFFF  }
0xb6: {  	_ =	strace $0x9000004E  }
0xb7: {  	_ =	sfence  }
0xb8: {  	s30 =	sld [smem:$0x0];
	_ =	sdelay $0x2  }
0xb9: {  	s31 =	sshll.u32 s1, $0xD;
	s1 =	sshrl.u32 s1, $0x2  }
0xba: {  	s3 =	sand.u32 $0x4000, s31;
	s1 =	sadd.s32 s1, s30  }
0xbb: {  	s0 =	sor.u32 s3, s0;
	s1 =	sshll.u32 s1, $0x11  }
0xbc: {  	s0 =	sor.u32 s1, s0  }
0xbd: {  	s0 =	sadd.s32 $0x8F2B, s0  }
0xbe: {  	[sflag:s0] =	ssyncadd.remote.s32 $0x1  }
0xbf: {  	_ =	sfence.sel $0xFFFF  }
0xc0: {  	[dreg:$0x0] =	wrdreg $0xFFFFFFFF;
	(pc) =	sbr.abs _section_cstart, $3  }
0xc1: {  	[dreg:$0x1] =	wrdreg $0xFFFFFFFF  }
0xc2: {  	_ =	task.clear_ibuf [dreg:s7], $0x2FFFF;
	_ =	strace $0x9FFFFFFF  }
0xc3: {  	(tm) =	ssettm $0x7FFFFFFF  }
tec
execute0_lowered:
.L_overlay_start_1:
0x0: {  	(tag) =	ssettag $0x1  }
0x1: {  	s0 =	rddreg [dreg:$0x0]  }
0x2: {  	s2 =	rddreg [dreg:$0x1]  }
0x3: {  	s3 =	rddreg [dreg:$0x2]  }
0x4: {  	s1 =	srdreg.scid;
	s13 =	stileid.u32  }
0x5: {  	s4 =	simm.s32 $0x0;
	s23 =	simm.s32 $0x16780;
	s28 =	simm.s32 $0x16800  }
0x6: {  	s30 =	simm.s32 $0x18D80;
	s31 =	simm.s32 $0x1;
	s29 =	simm.s32 $0x2  }
0x7: {  	s24 =	simm.s32 $0x8;
	s22 =	simm.s32 $0x0;
	s1 =	sand.u32 $0x1, s1  }
0x8: {  	s5 =	sshll.u32 s13, $0x1;
	s25 =	sshrl.u32 s13, $0x2;
	s11 =	smul.u32 $0x50000, s13  }
0x9: {  	[smem:$0x7FF] =	sst s4;
	s9 =	sadd.s32 $0x35200, s0;
	s15 =	smul.u32 $0x2800, s13  }
0xa: {  	s20 =	sshll.u32 s13, $0x6;
	s13 =	simm.s32 $0x4;
	s6 =	sor.u32 s1, s5  }
0xb: {  	s7 =	smul.u32 $0x13C00, s25;
	_ =	strace $0x8000004D;
	s5 =	sadd.s32 $0xD200, s0  }
0xc: {  	s26 =	smul.u32 $0x28000, s1;
	s10 =	ssub.s32 $0x2, s1;
	p0 =	seq.s32 s1, $0x1  }
0xd: {  	s20 =	sor.u32 $0x1C0E, s20;
	s25 =	simm.s32 $0x48;
	s8 =	sshll.u32 s6, $0x7  }
0xe: {  	s12 =	sshrl.u32 s10, $0x1;
	s6 =	smul.u32 $0x4800, s6;
	[dreg:$0xd] =	wrdreg s20  }
0xf: {  	s8 =	sand.u32 $0x380, s8;
	s10 =	ssub.s32 s10, s12;
	s12 =	sshrl.u32 s11, $0x2  }
0x10: {  	s11 =	simm.s32 $0xB;
	s7 =	sor.u32 s7, s8;
	s14 =	sshrl.u32 s6, $0x3  }
0x11: {  	s1 =	sadd.s32 s12, s3;
	s8 =	smax.u32 s10, $0x1;
	s7 =	sshrl.u32 s7, $0x3  }
0x12: {  	[dreg:$0xb] =	wrdreg s8;
	s21 =	sshrl.u32 s1, $0x3;
	s7 =	sadd.s32 s7, s0  }
0x13: {  	s0 =	sadd.s32 s26, s0;
	[dreg:$0xe] =	wrdreg s21;
	s7 =	sadd.s32 $0x3400, s7  }
0x14: {  	s0 =	sadd.s32 $0x5D200, s0;
	[dreg:$0x4] =	wrdreg s7;
	s7 =	sadd.s32 s2, s14  }
0x15: {  	s10 =	simm.s32 $0x3;
	s0 =	sadd.s32 s15, s0;
	[dreg:$0x5] =	wrdreg s7  }
0x16: {  	s12 =	simm.s32 $0x5;
	s16 =	sadd.s32 $0x10, s7;
	[dreg:$0xf] =	wrdreg s0  }
0x17: {  	s1 =	simm.s32 $0x16880;
	s17 =	sadd.s32 $0x20, s7;
	[dreg:$0x6] =	wrdreg s16  }
0x18: {  	s26 =	simm.s32 $0x16980;
	s18 =	sadd.s32 $0x30, s7;
	[dreg:$0x7] =	wrdreg s17  }
0x19: {  	s14 =	simm.s32 $0xC;
	s19 =	sadd.s32 $0x40, s7;
	[dreg:$0x8] =	wrdreg s18  }
.Ltmp0:
0x1a: {  	s7 =	sadd.s32 $0x50, s7;
	[dreg:$0x9] =	wrdreg s19;
	(pc) =	sbr.rel .LBB2_1-.Ltmp0, $4  }
0x1b: {  	s0 =	simm.s32 $0x9;
	[dreg:$0xa] =	wrdreg s7;
	s7 =	smov.u32 s5  }
0x1c: {  	s18 =	simm.s32 $0x1B180;
	s17 =	simm.s32 $0xA;
	s7 =	smov.u32 @p0 s9  }
0x1d: {  	s19 =	simm.s32 $0x7;
	s9 =	simm.s32 $0x1D580;
	s7 =	sadd.s32 s7, s15  }
0x1e: {  	s15 =	simm.s32 $0x6;
	[dreg:$0xc] =	wrdreg s7;
	s7 =	simm.s32 $0x16900  }
.LBB2_4:
0x1f: {  	_ =	swait.ge [sflag:s13], $0x2400  }
0x20: {  	[sflag:s13] =	ssyncset.done $0x0  }
0x21: {  	[sflag:s13] =	ssyncadd.s32 $0xFFFFDC00  }
0x22: {  	_ =	swait.ge [sflag:s14], $0x80  }
0x23: {  	[sflag:s14] =	ssyncset.done $0x0  }
0x24: {  	[sflag:s14] =	ssyncadd.s32 $0xFFFFFF80  }
0x25: {  	[spmem:s3] =	stream.indirect.scatter.add.f32 [tilespmem:s9], [sflag:$0x8], $0x80, s7, s25, $0xb8;
	[tilespmem:$0x1F980] =	vst v63  }
0x26: {  	_ =	swait.ge [sflag:s15], $0x2400  }
0x27: {  	[sflag:s15] =	ssyncset.done $0x0  }
0x28: {  	[sflag:s15] =	ssyncadd.s32 $0xFFFFDC00  }
0x29: {  	_ =	swait.ge [sflag:s19], $0x2400  }
0x2a: {  	[sflag:s19] =	ssyncset.done $0x0  }
0x2b: {  	[sflag:s19] =	ssyncadd.s32 $0xFFFFDC00  }
0x2c: {  	_ =	swait.ge [sflag:s24], $0x2400  }
0x2d: {  	[sflag:s24] =	ssyncset.done $0x0  }
0x2e: {  	[sflag:s24] =	ssyncadd.s32 $0xFFFFDC00  }
0x2f: {  	[bflag:$0x0] =	sbarrier.arrive $0xFFFF  }
0x30: {  	s20 =	rddreg [dreg:$0xd]  }
0x31: {  	s8 =	rddreg [dreg:$0xe]  }
0x32: {  	s21 =	simm.s32 $0xE;
	s16 =	rddreg [dreg:$0xf]  }
0x33: {  	[hbm:s16], [sflag:s20] =	dma.local [spmem:s8], $0x2800  }
0x34: {  	_ =	swait.ge [sflag:s21], $0x2800  }
0x35: {  	s22 =	rddreg [dreg:$0x10]  }
0x36: {  	s8 =	rddreg [dreg:$0xb];
	s22 =	sadd.s32 $0x1, s22  }
0x37: {  	p0 =	sne.s32 s22, s8  }
.Ltmp1:
0x38: {  	_ = 	snop;
	(pc) =	sbr.rel @!p0 .LBB2_5-.Ltmp1, $3  }
0x39: {  	_ =	sdelay $0x1  }
0x3a: {  	[sflag:s21] =	ssyncset.done $0x0  }
0x3b: {  	[sflag:s21] =	ssyncadd.s32 $0xFFFFD800  }
.LBB2_1:
0x3c: {  	[dreg:$0x10] =	wrdreg s22  }
0x3d: {  	s16 =	rddreg [dreg:$0x4];
	s21 =	simm.s32 $0x80  }
0x3e: {  	s22 =	simm.s32 $0x400;
	s8 =	smov.u32 s20;
	s20 =	simm.s32 $0x14000  }
0x3f: {  	[tilespmem:s20], [sflag:$0xD] =	stream.strided.gather [hbm4b:s16+s21], $0x2780, s22, s21, $0x38;
	[tilespmem:$0x1F980] =	vst v63  }
0x40: {  	s21 =	rddreg [dreg:$0xc]  }
0x41: {  	s22 =	rddreg [dreg:$0xe]  }
0x42: {  	[spmem:s22], [sflag:s8] =	dma.local [hbm:s21], $0x2800  }
0x43: {  	s21 =	simm.s32 $0xE  }
0x44: {  	_ =	swait.ge [sflag:s21], $0x2800  }
0x45: {  	[sflag:s21] =	ssyncset.done $0x0  }
0x46: {  	s22 =	simm.s32 $0xD;
	[sflag:s21] =	ssyncadd.s32 $0xFFFFD800  }
0x47: {  	_ =	swait.ge [sflag:s22], $0x2780  }
0x48: {  	[sflag:s22] =	ssyncset.done $0x0  }
0x49: {  	s8 =	rddreg [dreg:$0x5];
	[sflag:s22] =	ssyncadd.s32 $0xFFFFD880  }
0x4a: {  	[tilespmem:s23], [sflag:$0x9] =	stream.linear.gather [hbm4b:s8+s4], $0x80, $0x38;
	[tilespmem:$0x1F980] =	vst v63  }
0x4b: {  	s20 =	simm.s32 $0x14000  }
0x4c: {  	[tilespmem:s26], [sflag:$0x1] =	stream.indirect.gather [hbm4b:s5+s25], $0x80, s20, s25, $0xb8;
	[tilespmem:$0x1F980] =	vst v63  }
0x4d: {  	s21 =	rddreg [dreg:$0x6]  }
0x4e: {  	[tilespmem:s28], [sflag:$0xA] =	stream.linear.gather [hbm4b:s21+s4], $0x80, $0x38;
	[tilespmem:$0x1F980] =	vst v63  }
0x4f: {  	s22 =	simm.s32 $0x14048  }
0x50: {  	[tilespmem:s30], [sflag:$0x2] =	stream.indirect.gather [hbm4b:s5+s25], $0x80, s22, s25, $0xb8;
	[tilespmem:$0x1F980] =	vst v63  }
0x51: {  	[bflag:$0x0] =	sbarrier.arrive $0xFFFF  }
0x52: {  	_ =	swait.ge [sflag:s31], $0x2400  }
0x53: {  	[sflag:s31] =	ssyncset.done $0x0  }
0x54: {  	[sflag:s31] =	ssyncadd.s32 $0xFFFFDC00  }
0x55: {  	_ =	swait.ge [sflag:s0], $0x80  }
0x56: {  	[sflag:s0] =	ssyncset.done $0x0  }
0x57: {  	[sflag:s0] =	ssyncadd.s32 $0xFFFFFF80  }
0x58: {  	[spmem:s3] =	stream.indirect.scatter.add.f32 [tilespmem:s26], [sflag:$0x5], $0x80, s23, s25, $0xb8;
	[tilespmem:$0x1F980] =	vst v63  }
0x59: {  	s8 =	rddreg [dreg:$0x7]  }
0x5a: {  	[tilespmem:s1], [sflag:$0xB] =	stream.linear.gather [hbm4b:s8+s4], $0x80, $0x38;
	[tilespmem:$0x1F980] =	vst v63  }
0x5b: {  	s20 =	simm.s32 $0x14090  }
0x5c: {  	[tilespmem:s18], [sflag:$0x3] =	stream.indirect.gather [hbm4b:s5+s25], $0x80, s20, s25, $0xb8;
	[tilespmem:$0x1F980] =	vst v63  }
0x5d: {  	_ =	swait.ge [sflag:s29], $0x2400  }
0x5e: {  	[sflag:s29] =	ssyncset.done $0x0  }
0x5f: {  	[sflag:s29] =	ssyncadd.s32 $0xFFFFDC00  }
0x60: {  	_ =	swait.ge [sflag:s17], $0x80  }
0x61: {  	[sflag:s17] =	ssyncset.done $0x0  }
0x62: {  	[sflag:s17] =	ssyncadd.s32 $0xFFFFFF80  }
0x63: {  	[spmem:s3] =	stream.indirect.scatter.add.f32 [tilespmem:s30], [sflag:$0x6], $0x80, s28, s25, $0xb8;
	[tilespmem:$0x1F980] =	vst v63  }
0x64: {  	s21 =	rddreg [dreg:$0x8]  }
0x65: {  	[tilespmem:s7], [sflag:$0xC] =	stream.linear.gather [hbm4b:s21+s4], $0x80, $0x38;
	[tilespmem:$0x1F980] =	vst v63  }
0x66: {  	s22 =	simm.s32 $0x140D8  }
0x67: {  	[tilespmem:s9], [sflag:$0x4] =	stream.indirect.gather [hbm4b:s5+s25], $0x80, s22, s25, $0xb8;
	[tilespmem:$0x1F980] =	vst v63  }
0x68: {  	_ =	swait.ge [sflag:s10], $0x2400  }
0x69: {  	[sflag:s10] =	ssyncset.done $0x0  }
0x6a: {  	[sflag:s10] =	ssyncadd.s32 $0xFFFFDC00  }
0x6b: {  	_ =	swait.ge [sflag:s11], $0x80  }
0x6c: {  	[sflag:s11] =	ssyncset.done $0x0  }
0x6d: {  	[sflag:s11] =	ssyncadd.s32 $0xFFFFFF80  }
0x6e: {  	[spmem:s3] =	stream.indirect.scatter.add.f32 [tilespmem:s18], [sflag:$0x7], $0x80, s1, s25, $0xb8;
	[tilespmem:$0x1F980] =	vst v63  }
0x6f: {  	_ =	swait.ge [sflag:s12], $0x2400  }
0x70: {  	[sflag:s12] =	ssyncset.done $0x0  }
0x71: {  	s8 =	rddreg [dreg:$0x9];
	[sflag:s12] =	ssyncadd.s32 $0xFFFFDC00  }
0x72: {  	[tilespmem:s23], [sflag:$0x9] =	stream.linear.gather [hbm4b:s8+s4], $0x80, $0x38;
	[tilespmem:$0x1F980] =	vst v63  }
0x73: {  	s20 =	simm.s32 $0x14120  }
0x74: {  	[tilespmem:s26], [sflag:$0x1] =	stream.indirect.gather [hbm4b:s5+s25], $0x80, s20, s25, $0xb8;
	[tilespmem:$0x1F980] =	vst v63  }
0x75: {  	_ =	swait.ge [sflag:s13], $0x2400  }
0x76: {  	[sflag:s13] =	ssyncset.done $0x0  }
0x77: {  	[sflag:s13] =	ssyncadd.s32 $0xFFFFDC00  }
0x78: {  	_ =	swait.ge [sflag:s14], $0x80  }
0x79: {  	[sflag:s14] =	ssyncset.done $0x0  }
0x7a: {  	[sflag:s14] =	ssyncadd.s32 $0xFFFFFF80  }
0x7b: {  	[spmem:s3] =	stream.indirect.scatter.add.f32 [tilespmem:s9], [sflag:$0x8], $0x80, s7, s25, $0xb8;
	[tilespmem:$0x1F980] =	vst v63  }
0x7c: {  	_ =	swait.ge [sflag:s15], $0x2400  }
0x7d: {  	[sflag:s15] =	ssyncset.done $0x0  }
0x7e: {  	s21 =	rddreg [dreg:$0xa];
	[sflag:s15] =	ssyncadd.s32 $0xFFFFDC00  }
0x7f: {  	[tilespmem:s28], [sflag:$0xA] =	stream.linear.gather [hbm4b:s21+s4], $0x80, $0x38;
	[tilespmem:$0x1F980] =	vst v63  }
0x80: {  	s22 =	simm.s32 $0x14168  }
0x81: {  	[tilespmem:s30], [sflag:$0x2] =	stream.indirect.gather [hbm4b:s5+s25], $0x80, s22, s25, $0xb8;
	[tilespmem:$0x1F980] =	vst v63  }
0x82: {  	s16 =	simm.s32 $0x14288;
	s22 =	simm.s32 $0x480  }
.LBB2_2:
0x83: {  	_ =	swait.ge [sflag:s31], $0x2400  }
0x84: {  	[sflag:s31] =	ssyncset.done $0x0  }
0x85: {  	[sflag:s31] =	ssyncadd.s32 $0xFFFFDC00  }
0x86: {  	s20 =	sadd.s32 $0xFFFFFD80, s22;
	_ =	swait.ge [sflag:s0], $0x80  }
0x87: {  	s21 =	sadd.s32 $0xFFFFFE80, s22;
	s20 =	sand.u32 $0x7C00, s20;
	[sflag:s0] =	ssyncset.done $0x0  }
0x88: {  	s21 =	sand.u32 $0x300, s21;
	s20 =	sadd.s32 s6, s20;
	[sflag:s0] =	ssyncadd.s32 $0xFFFFFF80  }
0x89: {  	[spmem:s3] =	stream.indirect.scatter.add.f32 [tilespmem:s26], [sflag:$0x5], $0x80, s23, s25, $0xb8;
	[tilespmem:$0x1F980] =	vst v63  }
0x8a: {  	s21 =	sor.u32 s20, s21;
	_ =	swait.ge [sflag:s19], $0x2400  }
0x8b: {  	s21 =	sshrl.u32 s21, $0x3;
	[sflag:s19] =	ssyncset.done $0x0  }
0x8c: {  	s21 =	sadd.s32 s2, s21;
	[sflag:s19] =	ssyncadd.s32 $0xFFFFDC00  }
0x8d: {  	[tilespmem:s1], [sflag:$0xB] =	stream.linear.gather [hbm4b:s21+s4], $0x80, $0x38;
	[tilespmem:$0x1F980] =	vst v63  }
0x8e: {  	s8 =	sadd.s32 $0xFFFFFF28, s16  }
0x8f: {  	[tilespmem:s18], [sflag:$0x3] =	stream.indirect.gather [hbm4b:s5+s25], $0x80, s8, s25, $0xb8;
	[tilespmem:$0x1F980] =	vst v63  }
0x90: {  	_ =	swait.ge [sflag:s29], $0x2400  }
0x91: {  	[sflag:s29] =	ssyncset.done $0x0  }
0x92: {  	[sflag:s29] =	ssyncadd.s32 $0xFFFFDC00  }
0x93: {  	_ =	swait.ge [sflag:s17], $0x80  }
0x94: {  	s8 =	sadd.s32 $0xFFFFFF00, s22;
	[sflag:s17] =	ssyncset.done $0x0  }
0x95: {  	s21 =	sand.u32 $0x380, s8;
	[sflag:s17] =	ssyncadd.s32 $0xFFFFFF80  }
0x96: {  	[spmem:s3] =	stream.indirect.scatter.add.f32 [tilespmem:s30], [sflag:$0x6], $0x80, s28, s25, $0xb8;
	[tilespmem:$0x1F980] =	vst v63  }
0x97: {  	s20 =	sor.u32 s20, s21;
	_ =	swait.ge [sflag:s24], $0x2400  }
0x98: {  	s20 =	sshrl.u32 s20, $0x3;
	[sflag:s24] =	ssyncset.done $0x0  }
0x99: {  	s20 =	sadd.s32 s2, s20;
	[sflag:s24] =	ssyncadd.s32 $0xFFFFDC00  }
0x9a: {  	[tilespmem:s7], [sflag:$0xC] =	stream.linear.gather [hbm4b:s20+s4], $0x80, $0x38;
	[tilespmem:$0x1F980] =	vst v63  }
0x9b: {  	s21 =	sadd.s32 $0xFFFFFF70, s16  }
0x9c: {  	[tilespmem:s9], [sflag:$0x4] =	stream.indirect.gather [hbm4b:s5+s25], $0x80, s21, s25, $0xb8;
	[tilespmem:$0x1F980] =	vst v63  }
0x9d: {  	_ =	swait.ge [sflag:s10], $0x2400  }
0x9e: {  	[sflag:s10] =	ssyncset.done $0x0  }
0x9f: {  	[sflag:s10] =	ssyncadd.s32 $0xFFFFDC00  }
0xa0: {  	_ =	swait.ge [sflag:s11], $0x80  }
0xa1: {  	p0 =	seq.s32 s22, $0x4680;
	[sflag:s11] =	ssyncset.done $0x0  }
.Ltmp2:
0xa2: {  	[sflag:s11] =	ssyncadd.s32 $0xFFFFFF80;
	(pc) =	sbr.rel @p0 .LBB2_4-.Ltmp2, $4  }
0xa3: {  	[spmem:s3] =	stream.indirect.scatter.add.f32 [tilespmem:s18], [sflag:$0x7], $0x80, s1, s25, $0xb8;
	[tilespmem:$0x1F980] =	vst v63  }
0xa4: {  	_ =	swait.ge [sflag:s12], $0x2400  }
0xa5: {  	[sflag:s12] =	ssyncset.done $0x0  }
0xa6: {  	[sflag:s12] =	ssyncadd.s32 $0xFFFFDC00  }
0xa7: {  	s20 =	sadd.s32 $0xFFFFFF80, s22  }
0xa8: {  	s21 =	sand.u32 $0xFC00, s20  }
0xa9: {  	s20 =	sand.u32 $0x200, s20;
	s21 =	sadd.s32 s6, s21  }
0xaa: {  	s20 =	sor.u32 s20, s21  }
0xab: {  	s20 =	sshrl.u32 s20, $0x3  }
0xac: {  	s20 =	sadd.s32 s2, s20  }
0xad: {  	[tilespmem:s23], [sflag:$0x9] =	stream.linear.gather [hbm4b:s20+s4], $0x80, $0x38;
	[tilespmem:$0x1F980] =	vst v63  }
0xae: {  	s8 =	sadd.s32 $0xFFFFFFB8, s16  }
0xaf: {  	[tilespmem:s26], [sflag:$0x1] =	stream.indirect.gather [hbm4b:s5+s25], $0x80, s8, s25, $0xb8;
	[tilespmem:$0x1F980] =	vst v63  }
0xb0: {  	_ =	swait.ge [sflag:s13], $0x2400  }
0xb1: {  	[sflag:s13] =	ssyncset.done $0x0  }
0xb2: {  	[sflag:s13] =	ssyncadd.s32 $0xFFFFDC00  }
0xb3: {  	_ =	swait.ge [sflag:s14], $0x80  }
0xb4: {  	s21 =	sand.u32 $0xFC00, s22;
	[sflag:s14] =	ssyncset.done $0x0  }
0xb5: {  	s20 =	sadd.s32 s6, s21;
	s8 =	sand.u32 $0x280, s22;
	[sflag:s14] =	ssyncadd.s32 $0xFFFFFF80  }
0xb6: {  	[spmem:s3] =	stream.indirect.scatter.add.f32 [tilespmem:s9], [sflag:$0x8], $0x80, s7, s25, $0xb8;
	[tilespmem:$0x1F980] =	vst v63  }
0xb7: {  	s20 =	sor.u32 s8, s20;
	_ =	swait.ge [sflag:s15], $0x2400  }
0xb8: {  	s20 =	sshrl.u32 s20, $0x3;
	[sflag:s15] =	ssyncset.done $0x0  }
.Ltmp3:
0xb9: {  	s20 =	sadd.s32 s2, s20;
	[sflag:s15] =	ssyncadd.s32 $0xFFFFDC00;
	(pc) =	sbr.rel .LBB2_2-.Ltmp3, $4  }
0xba: {  	[tilespmem:s28], [sflag:$0xA] =	stream.linear.gather [hbm4b:s20+s4], $0x80, $0x38;
	[tilespmem:$0x1F980] =	vst v63  }
0xbb: {  	_ = 	snop  }
0xbc: {  	[tilespmem:s30], [sflag:$0x2] =	stream.indirect.gather [hbm4b:s5+s25], $0x80, s16, s25, $0xb8;
	[tilespmem:$0x1F980] =	vst v63  }
0xbd: {  	s22 =	sadd.s32 $0x200, s22;
	s16 =	sadd.s32 $0x120, s16  }
.LBB2_5:
0xbe: {  	_ =	sfence.sel $0x180000  }
0xbf: {  	[bflag:$0x0] =	sbarrier.arrive $0xFFFF  }
0xc0: {  	_ =	strace $0x9000004D  }
0xc1: {  	s0 =	stileid.u32;
	[bflag:$0x2] =	sbarrier.arrive $0xFFFF  }
0xc2: {  	p0 =	sne.s32 s0, $0x0;
	s0 =	rddreg [dreg:$0x3]  }
0xc3: {  	s0 =	sadd.s32 @!p0 $0x100000, s0  }
0xc4: {  	[sflag:s0] =	ssyncadd.tile.s32 @!p0 $0x1;
	_ =	shalt  }
.Lfunc_end2:
_tile_overlayer_lowered:
.L_overlay_start_2:
0xc5: {  	(tag) =	ssettag $0x2  }
0xc6: {  	s0 =	rddreg [dreg:$0x0];
	s2 =	stileid.u32  }
0xc7: {  	s1 =	rddreg [dreg:$0x1];
	p0 =	sne.s32 s2, $0x0  }
0xc8: {  	s3 =	rddreg [dreg:$0x2];
	[bflag:$0x3] =	sbarrier.arrive $0xFFFF;
	s2 =	simm.s32 @!p0 $0x1C0E  }
0xc9: {  	[timem:s3], [sflag:s2] =	dma.local @!p0 [hbm:s0], s1  }
0xca: {  	s0 =	simm.s32 @!p0 $0xE  }
0xcb: {  	_ =	swait.ge @!p0 [sflag:s0], s1  }
0xcc: {  	s1 =	ssub.s32 @!p0 $0x0, s1;
	[sflag:s0] =	ssyncset.done @!p0 $0x0  }
0xcd: {  	[sflag:s0] =	ssyncadd.s32 @!p0 s1  }
0xce: {  	[bflag:$0x3] =	sbarrier.arrive $0xFFFF  }
0xcf: {  	_ =	shalt  }

// kernel: kernel.8.cloned.1.call-start
scs
__scs_entry_jumppad:
0x0: {  	(pc) =	sbr.rel $0x88, $3  }
0x1: {  	(tag) =	ssettag $0x0;
	lr =	simm.s32 $0x1  }
0x2: {  	[smem:$0x3F91] =	sst lr;
	_ =	strace $0xD0000000  }
0x3: {  	_ = 	snop  }
0x4: {  	_ = 	snop  }
0x5: {  	_ = 	snop  }
0x6: {  	_ = 	snop  }
0x7: {  	_ = 	snop  }
__scs_overlays_trampoline_lowered:
0x8: {  	[smem:$0x3FA0] =	sst s0  }
0x9: {  	[smem:$0x3FA1] =	sst s1  }
0xa: {  	[smem:$0x3FA2] =	sst s2  }
0xb: {  	[smem:$0x3FA3] =	sst s3  }
0xc: {  	[smem:$0x3FA4] =	sst s4  }
0xd: {  	[smem:$0x3FA5] =	sst s5  }
0xe: {  	[smem:$0x3FA6] =	sst s6  }
0xf: {  	[smem:$0x3FA7] =	sst s7  }
0x10: {  	[smem:$0x3FA8] =	sst s8  }
0x11: {  	[smem:$0x3FA9] =	sst s9;
	s0 =	simm.s32 @!p0 $0x0  }
0x12: {  	s1 =	sld [smem:$0x3F8F];
	s0 =	simm.s32 @p0 $0x1  }
0x13: {  	[smem:$0x3FAA] =	sst s0;
	s0 =	simm.s32 @!p1 $0x0  }
0x14: {  	s2 =	sld [smem:$0x3F8E];
	s0 =	simm.s32 @p1 $0x1  }
0x15: {  	[smem:$0x3FAB] =	sst s0;
	s0 =	simm.s32 @!p2 $0x0  }
0x16: {  	s3 =	sld [smem:$0x3FDB];
	s0 =	simm.s32 @p2 $0x1  }
0x17: {  	s4 =	simm.s32 $0x1BF5;
	[smem:$0x3FAD] =	sst s0  }
0x18: {  	s0 =	sld [smem:$0x3F90];
	_ =	swait.ge [sflag:s4], $0x0  }
0x19: {  	s7 =	sld [smem:$0x3F91]  }
0x1a: {  	s8 =	sadd.s32 $0xFFFFE003, lr  }
0x1b: {  	s9 =	sadd.s32 $0xFFFFFEF7, lr;
	s5 =	simm.s32 $0xFFFFFFFF;
	p2 =	slt.u32 s8, $0xFFFFF086  }
0x1c: {  	p1 =	slt.u32 s9, $0xF7A;
	s5 =	simm.s32 @!p2 $0x0  }
0x1d: {  	s5 =	simm.s32 @p1 $0x1;
	p0 =	seq.s32 s7, s2  }
0x1e: {  	s7 =	smul.u32 @!p0 $0xF7A, s2;
	p2 =	seq.s32 @!p0 s5, $0x0  }
0x1f: {  	s9 =	smul.u32 $0xF7A, s1;
	s8 =	simm.s32 @!p0 $0x1BF5;
	p2 =	por !p2, p0  }
0x20: {  	[sflag:s8] =	ssyncset.s32 @!p0 $0xFFFFF086;
	s6 =	sadd.s32 @!p0 s3, s7;
	s7 =	simm.s32 @!p0 $0x108  }
0x21: {  	s3 =	sadd.s32 s3, s9;
	s6 =	sadd.s32 @!p0 $0x88, s6;
	s7 =	simm.s32 @p2 $0x1082  }
0x22: {  	[simem:s7], [sflag:s8] =	dma.local @!p0 [hbm:s6], $0xF7A  }
0x23: {  	s9 =	sor.u32 $0xD0000000, s2;
	s6 =	simm.s32 $0x108;
	_ =	swait.ge @!p0 [sflag:s8], $0x0  }
0x24: {  	s3 =	sadd.s32 $0x88, s3;
	s6 =	simm.s32 @!p1 $0x1082;
	[sflag:s4] =	ssyncset.s32 $0xFFFFF086  }
0x25: {  	[simem:s6], [sflag:s4] =	dma.local [hbm:s3], $0xF7A  }
0x26: {  	[smem:$0x3F91] =	sst s1;
	(tag) =	ssettag s2;
	_ =	strace s9  }
0x27: {  	s1 =	sld [smem:$0x3FA1]  }
0x28: {  	s2 =	sld [smem:$0x3FA2]  }
0x29: {  	s4 =	sld [smem:$0x3FA4]  }
0x2a: {  	p0 =	seq.s32 s5, $0x0;
	s5 =	sld [smem:$0x3FA5]  }
0x2b: {  	s6 =	sld [smem:$0x3FA6]  }
0x2c: {  	s7 =	sld [smem:$0x3FA7]  }
0x2d: {  	s3 =	simm.s32 $0x108;
	s8 =	sld [smem:$0x3FA8]  }
0x2e: {  	s3 =	simm.s32 @!p0 $0x1082;
	s9 =	sld [smem:$0x3FA9]  }
0x2f: {  	lr =	sadd.s32 s0, s3;
	s0 =	sld [smem:$0x3FA0]  }
0x30: {  	s3 =	sld [smem:$0x3FA3]  }
0x31: {  	[smem:$0x3FAC] =	sst s10  }
0x32: {  	s10 =	sld [smem:$0x3FAA];
	_ =	sdelay $0x3  }
0x33: {  	p0 =	seq.s32 s10, $0x1;
	s10 =	sld [smem:$0x3FAC];
	_ =	sdelay $0x3  }
0x34: {  	[smem:$0x3FAC] =	sst s10  }
0x35: {  	s10 =	sld [smem:$0x3FAB];
	_ =	sdelay $0x3  }
0x36: {  	p1 =	seq.s32 s10, $0x1;
	s10 =	sld [smem:$0x3FAC];
	_ =	sdelay $0x3  }
0x37: {  	[smem:$0x3FAC] =	sst s10  }
0x38: {  	s10 =	sld [smem:$0x3FAD]  }
0x39: {  	_ = 	snop;
	(pc) =	sbr.ind lr, $3  }
0x3a: {  	_ = 	snop  }
0x3b: {  	_ = 	snop  }
0x3c: {  	p2 =	seq.s32 s10, $0x1;
	s10 =	sld [smem:$0x3FAC]  }
0x3d: {  	_ =	shalt  }
0x3e: {  	_ =	shalt  }
0x3f: {  	_ =	shalt  }
0x40: {  	_ =	shalt  }
0x41: {  	_ =	shalt  }
0x42: {  	_ =	shalt  }
0x43: {  	_ =	shalt  }
0x44: {  	_ =	shalt  }
0x45: {  	_ =	shalt  }
0x46: {  	_ =	shalt  }
0x47: {  	_ =	shalt  }
0x48: {  	_ =	shalt  }
0x49: {  	_ =	shalt  }
0x4a: {  	_ =	shalt  }
0x4b: {  	_ =	shalt  }
0x4c: {  	_ =	shalt  }
0x4d: {  	_ =	shalt  }
0x4e: {  	_ =	shalt  }
0x4f: {  	_ =	shalt  }
0x50: {  	_ =	shalt  }
0x51: {  	_ =	shalt  }
0x52: {  	_ =	shalt  }
0x53: {  	_ =	shalt  }
0x54: {  	_ =	shalt  }
0x55: {  	_ =	shalt  }
0x56: {  	_ =	shalt  }
0x57: {  	_ =	shalt  }
0x58: {  	_ =	shalt  }
0x59: {  	_ =	shalt  }
0x5a: {  	_ =	shalt  }
0x5b: {  	_ =	shalt  }
0x5c: {  	_ =	shalt  }
0x5d: {  	_ =	shalt  }
0x5e: {  	_ =	shalt  }
0x5f: {  	_ =	shalt  }
0x60: {  	_ =	shalt  }
0x61: {  	_ =	shalt  }
0x62: {  	_ =	shalt  }
0x63: {  	_ =	shalt  }
0x64: {  	_ =	shalt  }
0x65: {  	_ =	shalt  }
0x66: {  	_ =	shalt  }
0x67: {  	_ =	shalt  }
0x68: {  	_ =	shalt  }
0x69: {  	_ =	shalt  }
0x6a: {  	_ =	shalt  }
0x6b: {  	_ =	shalt  }
0x6c: {  	_ =	shalt  }
0x6d: {  	_ =	shalt  }
0x6e: {  	_ =	shalt  }
0x6f: {  	_ =	shalt  }
0x70: {  	_ =	shalt  }
0x71: {  	_ =	shalt  }
0x72: {  	_ =	shalt  }
0x73: {  	_ =	shalt  }
0x74: {  	_ =	shalt  }
0x75: {  	_ =	shalt  }
0x76: {  	_ =	shalt  }
0x77: {  	_ =	shalt  }
0x78: {  	_ =	shalt  }
0x79: {  	_ =	shalt  }
0x7a: {  	_ =	shalt  }
0x7b: {  	_ =	shalt  }
0x7c: {  	_ =	shalt  }
0x7d: {  	_ =	shalt  }
0x7e: {  	_ =	shalt  }
0x7f: {  	_ =	shalt  }
0x80: {  	_ =	shalt  }
0x81: {  	_ =	shalt  }
0x82: {  	_ =	shalt  }
0x83: {  	_ =	shalt  }
0x84: {  	_ =	shalt  }
0x85: {  	_ =	shalt  }
0x86: {  	_ =	shalt  }
0x87: {  	_ =	shalt  }
.Lfunc_end0:
.L_simem_size_0:
called_computation_lowered:
.L_overlay_start_0:
0x88: {  	s2 =	sld [smem:$0x3FD9]  }
0x89: {  	s3 =	sld [smem:$0x3FFE];
	_ =	sdelay $0x1  }
0x8a: {  	s1 =	srdreg.scid  }
0x8b: {  	s0 =	sand.u32 $0x1, s1  }
0x8c: {  	s17 =	sshll.u32 s0, $0xA;
	s2 =	sadd.s32 s3, s2  }
0x8d: {  	s2 =	sadd.s32 s2, s17  }
0x8e: {  	[smem:$0x3FB8] =	sst s2  }
0x8f: {  	_ = 	snop  }
0x90: {  	s2 =	sld [smem:$0x3FD0];
	(tm) =	ssettm $0x1  }
0x91: {  	s18 =	sld [smem:$0x3FFB];
	_ =	sdelay $0x3  }
0x92: {  	_ =	strace s18  }
0x93: {  	s3 =	sld [smem:$0x3FFC];
	_ =	sdelay $0x3  }
0x94: {  	_ =	strace s3  }
0x95: {  	s3 =	sld [smem:$0x3FFD];
	_ =	sdelay $0x3  }
0x96: {  	_ =	strace s3  }
0x97: {  	_ =	strace $0x8FFFFFFF  }
0x98: {  	s19 =	sld [smem:$0x3FDB];
	_ =	sdelay $0x1  }
0x99: {  	s4 =	simm.s32 $_scs_section_size  }
0x9a: {  	s5 =	simm.s32 $_size__tile_overlayer_lowered;
	s6 =	simm.s32 $_tile_overlayer_lowered  }
0x9b: {  	s22 =	simm.s32 $0x1BFF;
	s21 =	sshll.u32 s6, $0x1;
	s3 =	sadd.s32 s4, s19  }
0x9c: {  	s7 =	simm.s32 $0x0;
	s20 =	sshll.u32 s5, $0x1;
	s5 =	sadd.s32 s21, s3  }
0x9d: {  	[timem:s7], [sflag:s22] =	dma.local [hbm:s5], s20  }
0x9e: {  	_ =	swait.ge [sflag:s22], s20  }
0x9f: {  	s4 =	ssub.s32 $0x0, s20;
	[sflag:s22] =	ssyncset.done $0x0  }
0xa0: {  	[sflag:s22] =	ssyncadd.s32 s4;
	_ =	sdelay $0x1  }
0xa1: {  	s23 =	simm.s32 $0x1B8B  }
0xa2: {  	_ =	swait.ge [sflag:s23], $0x1  }
0xa3: {  	[sflag:s23] =	ssyncset.done $0x0  }
0xa4: {  	s25 =	simm.s32 $0x1B8E;
	s24 =	sld [smem:$0x3FFE];
	[sflag:s23] =	ssyncadd.s32 $0xFFFFFFFF  }
0xa5: {  	s26 =	simm.s32 $execute0_lowered;
	[smem:$0x3FD2] =	sst s25  }
0xa6: {  	s5 =	sshll.u32 s26, $0x1;
	_ =	strace $0x80000046;
	[dreg:$0x1] =	wrdreg $0xFFFFFFFF  }
0xa7: {  	s28 =	simm.s32 $_size_execute0_lowered;
	s3 =	sadd.s32 s3, s5;
	[dreg:$0x0] =	wrdreg $0x0  }
0xa8: {  	s5 =	sshll.u32 s28, $0x1;
	[dreg:$0x2] =	wrdreg s3  }
0xa9: {  	[dreg:$0x3] =	wrdreg s5  }
0xaa: {  	[dreg:$0x4] =	wrdreg $0xC0  }
0xab: {  	_ =	task [dreg:s7], $0x5FFFF  }
0xac: {  	[dreg:$0x1] =	wrdreg $0xFFFFFFFF  }
0xad: {  	[dreg:$0x0] =	wrdreg $0x60  }
0xae: {  	[dreg:$0x2] =	wrdreg s24  }
0xaf: {  	[dreg:$0x3] =	wrdreg s2  }
0xb0: {  	[dreg:$0x4] =	wrdreg $0x0  }
0xb1: {  	[dreg:$0x5] =	wrdreg $0x9  }
0xb2: {  	_ =	task.clear_ibuf [dreg:s7], $0x6FFFF;
	_ =	strace $0x90000046  }
0xb3: {  	s29 =	simm.s32 $0x9;
	_ =	strace $0x80000048  }
0xb4: {  	_ =	swait.ge [sflag:s29], $0x1  }
0xb5: {  	[sflag:s29] =	ssyncadd.s32 $0xFFFFFFFF  }
0xb6: {  	_ =	strace $0x90000048  }
0xb7: {  	_ =	sfence  }
0xb8: {  	s30 =	sld [smem:$0x0];
	_ =	sdelay $0x2  }
0xb9: {  	s31 =	sshll.u32 s1, $0xD;
	s1 =	sshrl.u32 s1, $0x2  }
0xba: {  	s3 =	sand.u32 $0x4000, s31;
	s1 =	sadd.s32 s1, s30  }
0xbb: {  	s0 =	sor.u32 s3, s0;
	s1 =	sshll.u32 s1, $0x11  }
0xbc: {  	s0 =	sor.u32 s1, s0  }
0xbd: {  	s0 =	sadd.s32 $0x8F2B, s0  }
0xbe: {  	[sflag:s0] =	ssyncadd.remote.s32 $0x1  }
0xbf: {  	_ =	sfence.sel $0xFFFF  }
0xc0: {  	[dreg:$0x0] =	wrdreg $0xFFFFFFFF;
	(pc) =	sbr.abs _section_cstart, $3  }
0xc1: {  	[dreg:$0x1] =	wrdreg $0xFFFFFFFF  }
0xc2: {  	_ =	task.clear_ibuf [dreg:s7], $0x2FFFF;
	_ =	strace $0x9FFFFFFF  }
0xc3: {  	(tm) =	ssettm $0x7FFFFFFF  }
tec
execute0_lowered:
.L_overlay_start_1:
0x0: {  	(tag) =	ssettag $0x1  }
0x1: {  	s0 =	rddreg [dreg:$0x0]  }
0x2: {  	s2 =	rddreg [dreg:$0x1]  }
0x3: {  	s3 =	rddreg [dreg:$0x2]  }
0x4: {  	s1 =	srdreg.scid;
	s13 =	stileid.u32  }
0x5: {  	s4 =	simm.s32 $0x0;
	s23 =	simm.s32 $0x16780;
	s28 =	simm.s32 $0x16800  }
0x6: {  	s30 =	simm.s32 $0x18D80;
	s31 =	simm.s32 $0x1;
	s29 =	simm.s32 $0x2  }
0x7: {  	s24 =	simm.s32 $0x8;
	s22 =	simm.s32 $0x0;
	s1 =	sand.u32 $0x1, s1  }
0x8: {  	s5 =	sshll.u32 s13, $0x1;
	s25 =	sshrl.u32 s13, $0x2;
	s11 =	smul.u32 $0x50000, s13  }
0x9: {  	[smem:$0x7FF] =	sst s4;
	s9 =	sadd.s32 $0x35200, s0;
	s15 =	smul.u32 $0x2800, s13  }
0xa: {  	s20 =	sshll.u32 s13, $0x6;
	s13 =	simm.s32 $0x4;
	s6 =	sor.u32 s1, s5  }
0xb: {  	s7 =	smul.u32 $0x13C00, s25;
	_ =	strace $0x80000047;
	s5 =	sadd.s32 $0xD200, s0  }
0xc: {  	s26 =	smul.u32 $0x28000, s1;
	s10 =	ssub.s32 $0x2, s1;
	p0 =	seq.s32 s1, $0x1  }
0xd: {  	s20 =	sor.u32 $0x1C0E, s20;
	s25 =	simm.s32 $0x48;
	s8 =	sshll.u32 s6, $0x7  }
0xe: {  	s12 =	sshrl.u32 s10, $0x1;
	s6 =	smul.u32 $0x4800, s6;
	[dreg:$0xd] =	wrdreg s20  }
0xf: {  	s8 =	sand.u32 $0x380, s8;
	s10 =	ssub.s32 s10, s12;
	s12 =	sshrl.u32 s11, $0x2  }
0x10: {  	s11 =	simm.s32 $0xB;
	s7 =	sor.u32 s7, s8;
	s14 =	sshrl.u32 s6, $0x3  }
0x11: {  	s1 =	sadd.s32 s12, s3;
	s8 =	smax.u32 s10, $0x1;
	s7 =	sshrl.u32 s7, $0x3  }
0x12: {  	[dreg:$0xb] =	wrdreg s8;
	s21 =	sshrl.u32 s1, $0x3;
	s7 =	sadd.s32 s7, s0  }
0x13: {  	s0 =	sadd.s32 s26, s0;
	[dreg:$0xe] =	wrdreg s21;
	s7 =	sadd.s32 $0x3400, s7  }
0x14: {  	s0 =	sadd.s32 $0x5D200, s0;
	[dreg:$0x4] =	wrdreg s7;
	s7 =	sadd.s32 s2, s14  }
0x15: {  	s10 =	simm.s32 $0x3;
	s0 =	sadd.s32 s15, s0;
	[dreg:$0x5] =	wrdreg s7  }
0x16: {  	s12 =	simm.s32 $0x5;
	s16 =	sadd.s32 $0x10, s7;
	[dreg:$0xf] =	wrdreg s0  }
0x17: {  	s1 =	simm.s32 $0x16880;
	s17 =	sadd.s32 $0x20, s7;
	[dreg:$0x6] =	wrdreg s16  }
0x18: {  	s26 =	simm.s32 $0x16980;
	s18 =	sadd.s32 $0x30, s7;
	[dreg:$0x7] =	wrdreg s17  }
0x19: {  	s14 =	simm.s32 $0xC;
	s19 =	sadd.s32 $0x40, s7;
	[dreg:$0x8] =	wrdreg s18  }
.Ltmp0:
0x1a: {  	s7 =	sadd.s32 $0x50, s7;
	[dreg:$0x9] =	wrdreg s19;
	(pc) =	sbr.rel .LBB2_1-.Ltmp0, $4  }
0x1b: {  	s0 =	simm.s32 $0x9;
	[dreg:$0xa] =	wrdreg s7;
	s7 =	smov.u32 s5  }
0x1c: {  	s18 =	simm.s32 $0x1B180;
	s17 =	simm.s32 $0xA;
	s7 =	smov.u32 @p0 s9  }
0x1d: {  	s19 =	simm.s32 $0x7;
	s9 =	simm.s32 $0x1D580;
	s7 =	sadd.s32 s7, s15  }
0x1e: {  	s15 =	simm.s32 $0x6;
	[dreg:$0xc] =	wrdreg s7;
	s7 =	simm.s32 $0x16900  }
.LBB2_4:
0x1f: {  	_ =	swait.ge [sflag:s13], $0x2400  }
0x20: {  	[sflag:s13] =	ssyncset.done $0x0  }
0x21: {  	[sflag:s13] =	ssyncadd.s32 $0xFFFFDC00  }
0x22: {  	_ =	swait.ge [sflag:s14], $0x80  }
0x23: {  	[sflag:s14] =	ssyncset.done $0x0  }
0x24: {  	[sflag:s14] =	ssyncadd.s32 $0xFFFFFF80  }
0x25: {  	[spmem:s3] =	stream.indirect.scatter.add.f32 [tilespmem:s9], [sflag:$0x8], $0x80, s7, s25, $0xb8;
	[tilespmem:$0x1F980] =	vst v63  }
0x26: {  	_ =	swait.ge [sflag:s15], $0x2400  }
0x27: {  	[sflag:s15] =	ssyncset.done $0x0  }
0x28: {  	[sflag:s15] =	ssyncadd.s32 $0xFFFFDC00  }
0x29: {  	_ =	swait.ge [sflag:s19], $0x2400  }
0x2a: {  	[sflag:s19] =	ssyncset.done $0x0  }
0x2b: {  	[sflag:s19] =	ssyncadd.s32 $0xFFFFDC00  }
0x2c: {  	_ =	swait.ge [sflag:s24], $0x2400  }
0x2d: {  	[sflag:s24] =	ssyncset.done $0x0  }
0x2e: {  	[sflag:s24] =	ssyncadd.s32 $0xFFFFDC00  }
0x2f: {  	[bflag:$0x0] =	sbarrier.arrive $0xFFFF  }
0x30: {  	s20 =	rddreg [dreg:$0xd]  }
0x31: {  	s8 =	rddreg [dreg:$0xe]  }
0x32: {  	s21 =	simm.s32 $0xE;
	s16 =	rddreg [dreg:$0xf]  }
0x33: {  	[hbm:s16], [sflag:s20] =	dma.local [spmem:s8], $0x2800  }
0x34: {  	_ =	swait.ge [sflag:s21], $0x2800  }
0x35: {  	s22 =	rddreg [dreg:$0x10]  }
0x36: {  	s8 =	rddreg [dreg:$0xb];
	s22 =	sadd.s32 $0x1, s22  }
0x37: {  	p0 =	sne.s32 s22, s8  }
.Ltmp1:
0x38: {  	_ = 	snop;
	(pc) =	sbr.rel @!p0 .LBB2_5-.Ltmp1, $3  }
0x39: {  	_ =	sdelay $0x1  }
0x3a: {  	[sflag:s21] =	ssyncset.done $0x0  }
0x3b: {  	[sflag:s21] =	ssyncadd.s32 $0xFFFFD800  }
.LBB2_1:
0x3c: {  	[dreg:$0x10] =	wrdreg s22  }
0x3d: {  	s16 =	rddreg [dreg:$0x4];
	s21 =	simm.s32 $0x80  }
0x3e: {  	s22 =	simm.s32 $0x400;
	s8 =	smov.u32 s20;
	s20 =	simm.s32 $0x14000  }
0x3f: {  	[tilespmem:s20], [sflag:$0xD] =	stream.strided.gather [hbm4b:s16+s21], $0x2780, s22, s21, $0x38;
	[tilespmem:$0x1F980] =	vst v63  }
0x40: {  	s21 =	rddreg [dreg:$0xc]  }
0x41: {  	s22 =	rddreg [dreg:$0xe]  }
0x42: {  	[spmem:s22], [sflag:s8] =	dma.local [hbm:s21], $0x2800  }
0x43: {  	s21 =	simm.s32 $0xE  }
0x44: {  	_ =	swait.ge [sflag:s21], $0x2800  }
0x45: {  	[sflag:s21] =	ssyncset.done $0x0  }
0x46: {  	s22 =	simm.s32 $0xD;
	[sflag:s21] =	ssyncadd.s32 $0xFFFFD800  }
0x47: {  	_ =	swait.ge [sflag:s22], $0x2780  }
0x48: {  	[sflag:s22] =	ssyncset.done $0x0  }
0x49: {  	s8 =	rddreg [dreg:$0x5];
	[sflag:s22] =	ssyncadd.s32 $0xFFFFD880  }
0x4a: {  	[tilespmem:s23], [sflag:$0x9] =	stream.linear.gather [hbm4b:s8+s4], $0x80, $0x38;
	[tilespmem:$0x1F980] =	vst v63  }
0x4b: {  	s20 =	simm.s32 $0x14000  }
0x4c: {  	[tilespmem:s26], [sflag:$0x1] =	stream.indirect.gather [hbm4b:s5+s25], $0x80, s20, s25, $0xb8;
	[tilespmem:$0x1F980] =	vst v63  }
0x4d: {  	s21 =	rddreg [dreg:$0x6]  }
0x4e: {  	[tilespmem:s28], [sflag:$0xA] =	stream.linear.gather [hbm4b:s21+s4], $0x80, $0x38;
	[tilespmem:$0x1F980] =	vst v63  }
0x4f: {  	s22 =	simm.s32 $0x14048  }
0x50: {  	[tilespmem:s30], [sflag:$0x2] =	stream.indirect.gather [hbm4b:s5+s25], $0x80, s22, s25, $0xb8;
	[tilespmem:$0x1F980] =	vst v63  }
0x51: {  	[bflag:$0x0] =	sbarrier.arrive $0xFFFF  }
0x52: {  	_ =	swait.ge [sflag:s31], $0x2400  }
0x53: {  	[sflag:s31] =	ssyncset.done $0x0  }
0x54: {  	[sflag:s31] =	ssyncadd.s32 $0xFFFFDC00  }
0x55: {  	_ =	swait.ge [sflag:s0], $0x80  }
0x56: {  	[sflag:s0] =	ssyncset.done $0x0  }
0x57: {  	[sflag:s0] =	ssyncadd.s32 $0xFFFFFF80  }
0x58: {  	[spmem:s3] =	stream.indirect.scatter.add.f32 [tilespmem:s26], [sflag:$0x5], $0x80, s23, s25, $0xb8;
	[tilespmem:$0x1F980] =	vst v63  }
0x59: {  	s8 =	rddreg [dreg:$0x7]  }
0x5a: {  	[tilespmem:s1], [sflag:$0xB] =	stream.linear.gather [hbm4b:s8+s4], $0x80, $0x38;
	[tilespmem:$0x1F980] =	vst v63  }
0x5b: {  	s20 =	simm.s32 $0x14090  }
0x5c: {  	[tilespmem:s18], [sflag:$0x3] =	stream.indirect.gather [hbm4b:s5+s25], $0x80, s20, s25, $0xb8;
	[tilespmem:$0x1F980] =	vst v63  }
0x5d: {  	_ =	swait.ge [sflag:s29], $0x2400  }
0x5e: {  	[sflag:s29] =	ssyncset.done $0x0  }
0x5f: {  	[sflag:s29] =	ssyncadd.s32 $0xFFFFDC00  }
0x60: {  	_ =	swait.ge [sflag:s17], $0x80  }
0x61: {  	[sflag:s17] =	ssyncset.done $0x0  }
0x62: {  	[sflag:s17] =	ssyncadd.s32 $0xFFFFFF80  }
0x63: {  	[spmem:s3] =	stream.indirect.scatter.add.f32 [tilespmem:s30], [sflag:$0x6], $0x80, s28, s25, $0xb8;
	[tilespmem:$0x1F980] =	vst v63  }
0x64: {  	s21 =	rddreg [dreg:$0x8]  }
0x65: {  	[tilespmem:s7], [sflag:$0xC] =	stream.linear.gather [hbm4b:s21+s4], $0x80, $0x38;
	[tilespmem:$0x1F980] =	vst v63  }
0x66: {  	s22 =	simm.s32 $0x140D8  }
0x67: {  	[tilespmem:s9], [sflag:$0x4] =	stream.indirect.gather [hbm4b:s5+s25], $0x80, s22, s25, $0xb8;
	[tilespmem:$0x1F980] =	vst v63  }
0x68: {  	_ =	swait.ge [sflag:s10], $0x2400  }
0x69: {  	[sflag:s10] =	ssyncset.done $0x0  }
0x6a: {  	[sflag:s10] =	ssyncadd.s32 $0xFFFFDC00  }
0x6b: {  	_ =	swait.ge [sflag:s11], $0x80  }
0x6c: {  	[sflag:s11] =	ssyncset.done $0x0  }
0x6d: {  	[sflag:s11] =	ssyncadd.s32 $0xFFFFFF80  }
0x6e: {  	[spmem:s3] =	stream.indirect.scatter.add.f32 [tilespmem:s18], [sflag:$0x7], $0x80, s1, s25, $0xb8;
	[tilespmem:$0x1F980] =	vst v63  }
0x6f: {  	_ =	swait.ge [sflag:s12], $0x2400  }
0x70: {  	[sflag:s12] =	ssyncset.done $0x0  }
0x71: {  	s8 =	rddreg [dreg:$0x9];
	[sflag:s12] =	ssyncadd.s32 $0xFFFFDC00  }
0x72: {  	[tilespmem:s23], [sflag:$0x9] =	stream.linear.gather [hbm4b:s8+s4], $0x80, $0x38;
	[tilespmem:$0x1F980] =	vst v63  }
0x73: {  	s20 =	simm.s32 $0x14120  }
0x74: {  	[tilespmem:s26], [sflag:$0x1] =	stream.indirect.gather [hbm4b:s5+s25], $0x80, s20, s25, $0xb8;
	[tilespmem:$0x1F980] =	vst v63  }
0x75: {  	_ =	swait.ge [sflag:s13], $0x2400  }
0x76: {  	[sflag:s13] =	ssyncset.done $0x0  }
0x77: {  	[sflag:s13] =	ssyncadd.s32 $0xFFFFDC00  }
0x78: {  	_ =	swait.ge [sflag:s14], $0x80  }
0x79: {  	[sflag:s14] =	ssyncset.done $0x0  }
0x7a: {  	[sflag:s14] =	ssyncadd.s32 $0xFFFFFF80  }
0x7b: {  	[spmem:s3] =	stream.indirect.scatter.add.f32 [tilespmem:s9], [sflag:$0x8], $0x80, s7, s25, $0xb8;
	[tilespmem:$0x1F980] =	vst v63  }
0x7c: {  	_ =	swait.ge [sflag:s15], $0x2400  }
0x7d: {  	[sflag:s15] =	ssyncset.done $0x0  }
0x7e: {  	s21 =	rddreg [dreg:$0xa];
	[sflag:s15] =	ssyncadd.s32 $0xFFFFDC00  }
0x7f: {  	[tilespmem:s28], [sflag:$0xA] =	stream.linear.gather [hbm4b:s21+s4], $0x80, $0x38;
	[tilespmem:$0x1F980] =	vst v63  }
0x80: {  	s22 =	simm.s32 $0x14168  }
0x81: {  	[tilespmem:s30], [sflag:$0x2] =	stream.indirect.gather [hbm4b:s5+s25], $0x80, s22, s25, $0xb8;
	[tilespmem:$0x1F980] =	vst v63  }
0x82: {  	s16 =	simm.s32 $0x14288;
	s22 =	simm.s32 $0x480  }
.LBB2_2:
0x83: {  	_ =	swait.ge [sflag:s31], $0x2400  }
0x84: {  	[sflag:s31] =	ssyncset.done $0x0  }
0x85: {  	[sflag:s31] =	ssyncadd.s32 $0xFFFFDC00  }
0x86: {  	s20 =	sadd.s32 $0xFFFFFD80, s22;
	_ =	swait.ge [sflag:s0], $0x80  }
0x87: {  	s21 =	sadd.s32 $0xFFFFFE80, s22;
	s20 =	sand.u32 $0x7C00, s20;
	[sflag:s0] =	ssyncset.done $0x0  }
0x88: {  	s21 =	sand.u32 $0x300, s21;
	s20 =	sadd.s32 s6, s20;
	[sflag:s0] =	ssyncadd.s32 $0xFFFFFF80  }
0x89: {  	[spmem:s3] =	stream.indirect.scatter.add.f32 [tilespmem:s26], [sflag:$0x5], $0x80, s23, s25, $0xb8;
	[tilespmem:$0x1F980] =	vst v63  }
0x8a: {  	s21 =	sor.u32 s20, s21;
	_ =	swait.ge [sflag:s19], $0x2400  }
0x8b: {  	s21 =	sshrl.u32 s21, $0x3;
	[sflag:s19] =	ssyncset.done $0x0  }
0x8c: {  	s21 =	sadd.s32 s2, s21;
	[sflag:s19] =	ssyncadd.s32 $0xFFFFDC00  }
0x8d: {  	[tilespmem:s1], [sflag:$0xB] =	stream.linear.gather [hbm4b:s21+s4], $0x80, $0x38;
	[tilespmem:$0x1F980] =	vst v63  }
0x8e: {  	s8 =	sadd.s32 $0xFFFFFF28, s16  }
0x8f: {  	[tilespmem:s18], [sflag:$0x3] =	stream.indirect.gather [hbm4b:s5+s25], $0x80, s8, s25, $0xb8;
	[tilespmem:$0x1F980] =	vst v63  }
0x90: {  	_ =	swait.ge [sflag:s29], $0x2400  }
0x91: {  	[sflag:s29] =	ssyncset.done $0x0  }
0x92: {  	[sflag:s29] =	ssyncadd.s32 $0xFFFFDC00  }
0x93: {  	_ =	swait.ge [sflag:s17], $0x80  }
0x94: {  	s8 =	sadd.s32 $0xFFFFFF00, s22;
	[sflag:s17] =	ssyncset.done $0x0  }
0x95: {  	s21 =	sand.u32 $0x380, s8;
	[sflag:s17] =	ssyncadd.s32 $0xFFFFFF80  }
0x96: {  	[spmem:s3] =	stream.indirect.scatter.add.f32 [tilespmem:s30], [sflag:$0x6], $0x80, s28, s25, $0xb8;
	[tilespmem:$0x1F980] =	vst v63  }
0x97: {  	s20 =	sor.u32 s20, s21;
	_ =	swait.ge [sflag:s24], $0x2400  }
0x98: {  	s20 =	sshrl.u32 s20, $0x3;
	[sflag:s24] =	ssyncset.done $0x0  }
0x99: {  	s20 =	sadd.s32 s2, s20;
	[sflag:s24] =	ssyncadd.s32 $0xFFFFDC00  }
0x9a: {  	[tilespmem:s7], [sflag:$0xC] =	stream.linear.gather [hbm4b:s20+s4], $0x80, $0x38;
	[tilespmem:$0x1F980] =	vst v63  }
0x9b: {  	s21 =	sadd.s32 $0xFFFFFF70, s16  }
0x9c: {  	[tilespmem:s9], [sflag:$0x4] =	stream.indirect.gather [hbm4b:s5+s25], $0x80, s21, s25, $0xb8;
	[tilespmem:$0x1F980] =	vst v63  }
0x9d: {  	_ =	swait.ge [sflag:s10], $0x2400  }
0x9e: {  	[sflag:s10] =	ssyncset.done $0x0  }
0x9f: {  	[sflag:s10] =	ssyncadd.s32 $0xFFFFDC00  }
0xa0: {  	_ =	swait.ge [sflag:s11], $0x80  }
0xa1: {  	p0 =	seq.s32 s22, $0x4680;
	[sflag:s11] =	ssyncset.done $0x0  }
.Ltmp2:
0xa2: {  	[sflag:s11] =	ssyncadd.s32 $0xFFFFFF80;
	(pc) =	sbr.rel @p0 .LBB2_4-.Ltmp2, $4  }
0xa3: {  	[spmem:s3] =	stream.indirect.scatter.add.f32 [tilespmem:s18], [sflag:$0x7], $0x80, s1, s25, $0xb8;
	[tilespmem:$0x1F980] =	vst v63  }
0xa4: {  	_ =	swait.ge [sflag:s12], $0x2400  }
0xa5: {  	[sflag:s12] =	ssyncset.done $0x0  }
0xa6: {  	[sflag:s12] =	ssyncadd.s32 $0xFFFFDC00  }
0xa7: {  	s20 =	sadd.s32 $0xFFFFFF80, s22  }
0xa8: {  	s21 =	sand.u32 $0xFC00, s20  }
0xa9: {  	s20 =	sand.u32 $0x200, s20;
	s21 =	sadd.s32 s6, s21  }
0xaa: {  	s20 =	sor.u32 s20, s21  }
0xab: {  	s20 =	sshrl.u32 s20, $0x3  }
0xac: {  	s20 =	sadd.s32 s2, s20  }
0xad: {  	[tilespmem:s23], [sflag:$0x9] =	stream.linear.gather [hbm4b:s20+s4], $0x80, $0x38;
	[tilespmem:$0x1F980] =	vst v63  }
0xae: {  	s8 =	sadd.s32 $0xFFFFFFB8, s16  }
0xaf: {  	[tilespmem:s26], [sflag:$0x1] =	stream.indirect.gather [hbm4b:s5+s25], $0x80, s8, s25, $0xb8;
	[tilespmem:$0x1F980] =	vst v63  }
0xb0: {  	_ =	swait.ge [sflag:s13], $0x2400  }
0xb1: {  	[sflag:s13] =	ssyncset.done $0x0  }
0xb2: {  	[sflag:s13] =	ssyncadd.s32 $0xFFFFDC00  }
0xb3: {  	_ =	swait.ge [sflag:s14], $0x80  }
0xb4: {  	s21 =	sand.u32 $0xFC00, s22;
	[sflag:s14] =	ssyncset.done $0x0  }
0xb5: {  	s20 =	sadd.s32 s6, s21;
	s8 =	sand.u32 $0x280, s22;
	[sflag:s14] =	ssyncadd.s32 $0xFFFFFF80  }
0xb6: {  	[spmem:s3] =	stream.indirect.scatter.add.f32 [tilespmem:s9], [sflag:$0x8], $0x80, s7, s25, $0xb8;
	[tilespmem:$0x1F980] =	vst v63  }
0xb7: {  	s20 =	sor.u32 s8, s20;
	_ =	swait.ge [sflag:s15], $0x2400  }
0xb8: {  	s20 =	sshrl.u32 s20, $0x3;
	[sflag:s15] =	ssyncset.done $0x0  }
.Ltmp3:
0xb9: {  	s20 =	sadd.s32 s2, s20;
	[sflag:s15] =	ssyncadd.s32 $0xFFFFDC00;
	(pc) =	sbr.rel .LBB2_2-.Ltmp3, $4  }
0xba: {  	[tilespmem:s28], [sflag:$0xA] =	stream.linear.gather [hbm4b:s20+s4], $0x80, $0x38;
	[tilespmem:$0x1F980] =	vst v63  }
0xbb: {  	_ = 	snop  }
0xbc: {  	[tilespmem:s30], [sflag:$0x2] =	stream.indirect.gather [hbm4b:s5+s25], $0x80, s16, s25, $0xb8;
	[tilespmem:$0x1F980] =	vst v63  }
0xbd: {  	s22 =	sadd.s32 $0x200, s22;
	s16 =	sadd.s32 $0x120, s16  }
.LBB2_5:
0xbe: {  	_ =	sfence.sel $0x180000  }
0xbf: {  	[bflag:$0x0] =	sbarrier.arrive $0xFFFF  }
0xc0: {  	_ =	strace $0x90000047  }
0xc1: {  	s0 =	stileid.u32;
	[bflag:$0x2] =	sbarrier.arrive $0xFFFF  }
0xc2: {  	p0 =	sne.s32 s0, $0x0;
	s0 =	rddreg [dreg:$0x3]  }
0xc3: {  	s0 =	sadd.s32 @!p0 $0x100000, s0  }
0xc4: {  	[sflag:s0] =	ssyncadd.tile.s32 @!p0 $0x1;
	_ =	shalt  }
.Lfunc_end2:
_tile_overlayer_lowered:
.L_overlay_start_2:
0xc5: {  	(tag) =	ssettag $0x2  }
0xc6: {  	s0 =	rddreg [dreg:$0x0];
	s2 =	stileid.u32  }
0xc7: {  	s1 =	rddreg [dreg:$0x1];
	p0 =	sne.s32 s2, $0x0  }
0xc8: {  	s3 =	rddreg [dreg:$0x2];
	[bflag:$0x3] =	sbarrier.arrive $0xFFFF;
	s2 =	simm.s32 @!p0 $0x1C0E  }
0xc9: {  	[timem:s3], [sflag:s2] =	dma.local @!p0 [hbm:s0], s1  }
0xca: {  	s0 =	simm.s32 @!p0 $0xE  }
0xcb: {  	_ =	swait.ge @!p0 [sflag:s0], s1  }
0xcc: {  	s1 =	ssub.s32 @!p0 $0x0, s1;
	[sflag:s0] =	ssyncset.done @!p0 $0x0  }
0xcd: {  	[sflag:s0] =	ssyncadd.s32 @!p0 s1  }
0xce: {  	[bflag:$0x3] =	sbarrier.arrive $0xFFFF  }
0xcf: {  	_ =	shalt  }

</sc_bundles>
